<compile_context>
chip_gen: v7x
topology: tpu7x:2x2x1
jax: 0.10.2.dev20260603
libtpu: 0.0.44.dev20260713+nightly
codegen_flags: <defaults>
</compile_context>

<pallas_src>
import functools

import jax
import jax.numpy as jnp
from jax import lax
from jax.experimental import pallas as pl
from jax.experimental.pallas import tpu as pltpu
from jax.experimental.pallas import tpu_sc as plsc

_START_SMOOTH = 2


def _table_body(m1_ref, v1_ref, m2_ref, v2_ref, epoch_ref, tab_ref):
    s = jnp.sqrt(v2_ref[...] / v1_ref[...])
    o = m2_ref[...] - m1_ref[...] * s
    smooth = epoch_ref[0] >= _START_SMOOTH
    s = jnp.where(smooth, s, 1.0)
    o = jnp.where(smooth, o, 0.0)
    tab_ref[...] = jnp.concatenate([s, o], axis=1)


def _binning_body(lab_ref, edges_ref, idx_ref):
    nbins = edges_ref.shape[0] - 1
    cmp = (edges_ref[...] <= lab_ref[0]).astype(jnp.bfloat16)
    ones = jnp.ones((1, edges_ref.shape[0]), jnp.bfloat16)
    cnt = jnp.dot(ones, cmp, preferred_element_type=jnp.float32)
    idx_ref[0] = jnp.clip(cnt.astype(jnp.int32) - 1, 0, nbins - 1)


def _make_sc_kernel(n, d, n_workers, chunk):
    nchunks = n // chunk
    mesh = plsc.VectorSubcoreMesh(core_axis_name="c", subcore_axis_name="s")

    @functools.partial(
        pl.kernel,
        mesh=mesh,
        out_type=jax.ShapeDtypeStruct((n, d), jnp.float32),
        scratch_types=[
            pltpu.VMEM((chunk, d), jnp.float32),
            pltpu.VMEM((chunk, d), jnp.float32),
            pltpu.VMEM((chunk, 2 * d), jnp.float32),
            pltpu.VMEM((chunk, 2 * d), jnp.float32),
            pltpu.VMEM((chunk, d), jnp.float32),
            pltpu.VMEM((chunk, d), jnp.float32),
            pltpu.VMEM((chunk,), jnp.int32),
            pltpu.VMEM((chunk,), jnp.int32),
            pltpu.SemaphoreType.DMA,
            pltpu.SemaphoreType.DMA,
            pltpu.SemaphoreType.DMA,
            pltpu.SemaphoreType.DMA,
            pltpu.SemaphoreType.DMA,
            pltpu.SemaphoreType.DMA,
            pltpu.SemaphoreType.DMA,
            pltpu.SemaphoreType.DMA,
        ],
    )
    def sc_main(feat, idx, tab, out, f0, f1, g0, g1, o0, o1, i0, i1,
                si0, si1, sg0, sg1, sf0, sf1, ss0, ss1):
        fb, gb, ob, ib = (f0, f1), (g0, g1), (o0, o1), (i0, i1)
        si, sg, sf, ss = (si0, si1), (sg0, sg1), (sf0, sf1), (ss0, ss1)
        w = lax.axis_index("s") * 2 + lax.axis_index("c")
        cnt = (nchunks - 1 - w) // n_workers + 1

        def rowslice(t):
            return pl.ds((w + t * n_workers) * chunk, chunk)

        pltpu.sync_copy(idx.at[rowslice(0)], ib[0])
        pltpu.async_copy(feat.at[rowslice(0), :], fb[0], sf[0])

        def pair(s, carry):
            for b in (0, 1):
                nb = 1 - b
                t = 2 * s + b

                @pl.when(t < cnt)
                def _():
                    @pl.when(t + 1 < cnt)
                    def _():
                        pltpu.async_copy(idx.at[rowslice(t + 1)], ib[nb],
                                         si[nb])

                    pltpu.make_async_copy(feat.at[rowslice(t), :], fb[b],
                                          sf[b]).wait()

                    def rstep(r8, c):
                        for k in range(8):
                            r = r8 * 8 + k
                            for p in range(d // 16):
                                sl = pl.ds(16 * p, 16)
                                sh = pl.ds(d + 16 * p, 16)
                                ob[b][r, sl] = (fb[b][r, sl] * gb[b][r, sl]
                                                + gb[b][r, sh])
                        return c

                    lax.fori_loop(0, chunk // 8, rstep, 0)
                    pltpu.async_copy(ob[b], out.at[rowslice(t), :], ss[b])

                    @pl.when(t + 1 < cnt)
                    def _():
                        pltpu.make_async_copy(idx.at[rowslice(t + 1)],
                                              ib[nb], si[nb]).wait()

                        @pl.when(t >= 1)
                        def _():
                            pltpu.make_async_copy(
                                ob[nb], out.at[rowslice(t - 1), :],
                                ss[nb]).wait()

                        pltpu.async_copy(feat.at[rowslice(t + 1), :],
                                         fb[nb], sf[nb])

            return carry

        lax.fori_loop(0, (nchunks // n_workers + 2) // 2, pair, 0)
        pltpu.make_async_copy(ob[0], out.at[rowslice(0), :], ss[0]).wait()
        pltpu.make_async_copy(ob[1], out.at[rowslice(0), :], ss[1]).wait()

    return sc_main


def kernel(features, labels, running_mean_last_epoch, running_var_last_epoch,
           smoothed_mean_last_epoch, smoothed_var_last_epoch, bin_edges, epoch):
    n, d = features.shape
    g = bin_edges.shape[0]
    nbins = running_mean_last_epoch.shape[0]
    assert g == nbins + 1
    epoch_arr = jnp.asarray(epoch, jnp.int32).reshape(1)

    tab = pl.pallas_call(
        _table_body,
        in_specs=[pl.BlockSpec((nbins, d), lambda: (0, 0))] * 4
        + [pl.BlockSpec(memory_space=pltpu.SMEM)],
        out_specs=pl.BlockSpec((nbins, 2 * d), lambda: (0, 0)),
        out_shape=jax.ShapeDtypeStruct((nbins, 2 * d), jnp.float32),
    )(running_mean_last_epoch, running_var_last_epoch,
      smoothed_mean_last_epoch, smoothed_var_last_epoch, epoch_arr)

    rows = 25000
    assert n % rows == 0
    idx = pl.pallas_call(
        _binning_body,
        grid=(n // rows,),
        in_specs=[
            pl.BlockSpec((1, 1, rows), lambda i: (i, 0, 0)),
            pl.BlockSpec((g, 1), lambda i: (0, 0)),
        ],
        out_specs=pl.BlockSpec((1, 1, rows), lambda i: (i, 0, 0)),
        out_shape=jax.ShapeDtypeStruct((n // rows, 1, rows), jnp.int32),
    )(labels.reshape(n // rows, 1, rows), bin_edges.reshape(g, 1))

    chunk = 160
    assert n % chunk == 0
    sc_main = _make_sc_kernel(n, d, 32, chunk)
    return sc_main(features, idx.reshape(n), tab)

# --- scband reference (transcript-rebuilt; emitter-appended) ---
"""Pipeline reference for scband-fds-57148834840967 (READ-ONLY COPY).

The authoritative reference and input builder live on the scoring server;
editing this copy changes nothing except your own understanding.
"""

import jax, jax.numpy as jnp
import numpy as np

N = 1000000
FEATURE_DIM = 64
GRANULARITY = 100
START_SMOOTH = 2


def setup_inputs(seed: int = 0) -> dict:
    key = jax.random.key(seed)
    k1, k2, k3, k4, k5, k6 = jax.random.split(key, 6)
    features = jax.random.normal(k1, (N, FEATURE_DIM), dtype=jnp.float32)
    labels = jax.random.uniform(k2, (N,), dtype=jnp.float32)
    # histogram bin edges over [Ymin, Ymax] = [0, 1]
    bin_edges = jnp.linspace(0.0, 1.0, GRANULARITY).astype(jnp.float32)
    # per-bin statistics tracked by the FDS layer (buffers); realistic non-trivial values
    running_mean_last_epoch = (jax.random.normal(k3, (GRANULARITY - 1, FEATURE_DIM), dtype=jnp.float32) * 0.1)
    running_var_last_epoch = jax.random.uniform(k4, (GRANULARITY - 1, FEATURE_DIM), minval=0.5, maxval=1.5, dtype=jnp.float32)
    smoothed_mean_last_epoch = (jax.random.normal(k5, (GRANULARITY - 1, FEATURE_DIM), dtype=jnp.float32) * 0.1)
    smoothed_var_last_epoch = jax.random.uniform(k6, (GRANULARITY - 1, FEATURE_DIM), minval=0.5, maxval=1.5, dtype=jnp.float32)
    return {
        "features": features,
        "labels": labels,
        "running_mean_last_epoch": running_mean_last_epoch,
        "running_var_last_epoch": running_var_last_epoch,
        "smoothed_mean_last_epoch": smoothed_mean_last_epoch,
        "smoothed_var_last_epoch": smoothed_var_last_epoch,
        "bin_edges": bin_edges,
        "epoch": 2,
    }


def reference(features, labels, running_mean_last_epoch, running_var_last_epoch,
              smoothed_mean_last_epoch, smoothed_var_last_epoch, bin_edges, epoch):
    # FDS.smooth: features are detached, then calibrated per label-bin using
    # last-epoch running stats (m1, v1) and kernel-smoothed stats (m2, v2).
    feats = jax.lax.stop_gradient(features)  # mirrors features.detach()
    # find_bin: left bin-edge index for each label (vectorized over the
    # original per-unique-bin loop; math is identical)
    idx = jnp.clip(jnp.searchsorted(bin_edges, labels, side="right") - 1, 0, GRANULARITY - 2)
    m1 = jnp.take(running_mean_last_epoch, idx, axis=0)
    v1 = jnp.take(running_var_last_epoch, idx, axis=0)
    m2 = jnp.take(smoothed_mean_last_epoch, idx, axis=0)
    v2 = jnp.take(smoothed_var_last_epoch, idx, axis=0)
    # clip_min/clip_max are None -> no clamp on factor
    factor = v2 / v1
    calibrated = (feats - m1) * jnp.sqrt(factor) + m2
    return jnp.where(epoch < START_SMOOTH, feats, calibrated)

if __name__ == "__main__":
    import jax
    _d = setup_inputs()
    print(jax.jit(kernel)(*tuple(_d.values())))

</pallas_src>

<mosaic_0001>
#map = affine_map<(d0, d1) -> (0, 0)>
#map1 = affine_map<(d0, d1) -> (0)>
module attributes {stable_mosaic.version = 14 : i64} {
  func.func @sc_main(%arg0: i32, %arg1: i32, %arg2: memref<1000000x64xf32, #tpu.memory_space<hbm>>, %arg3: memref<1000000xi32, #tpu.memory_space<hbm>>, %arg4: memref<99x128xf32, #tpu.memory_space<hbm>>, %arg5: memref<1000000x64xf32, #tpu.memory_space<hbm>>, %arg6: memref<160x64xf32, #tpu.memory_space<vmem>>, %arg7: memref<160x64xf32, #tpu.memory_space<vmem>>, %arg8: memref<160x128xf32, #tpu.memory_space<vmem>>, %arg9: memref<160x128xf32, #tpu.memory_space<vmem>>, %arg10: memref<160x64xf32, #tpu.memory_space<vmem>>, %arg11: memref<160x64xf32, #tpu.memory_space<vmem>>, %arg12: memref<160xi32, #tpu.memory_space<vmem>>, %arg13: memref<160xi32, #tpu.memory_space<vmem>>, %arg14: memref<!tpu.dma_semaphore, #tpu.memory_space<semaphore_mem>>, %arg15: memref<!tpu.dma_semaphore, #tpu.memory_space<semaphore_mem>>, %arg16: memref<!tpu.dma_semaphore, #tpu.memory_space<semaphore_mem>>, %arg17: memref<!tpu.dma_semaphore, #tpu.memory_space<semaphore_mem>>, %arg18: memref<!tpu.dma_semaphore, #tpu.memory_space<semaphore_mem>>, %arg19: memref<!tpu.dma_semaphore, #tpu.memory_space<semaphore_mem>>, %arg20: memref<!tpu.dma_semaphore, #tpu.memory_space<semaphore_mem>>, %arg21: memref<!tpu.dma_semaphore, #tpu.memory_space<semaphore_mem>>) attributes {dimension_semantics = [#tpu.dimension_semantics<core_parallel>, #tpu.dimension_semantics<subcore_parallel>], iteration_bounds = array<i64: 2, 16>, scalar_prefetch = 0 : i64, scratch_operands = 16 : i64, tpu.core_type = #tpu.core_type<sc_vector_subcore>, window_params = [{transform_indices = #map}, {transform_indices = #map1}, {transform_indices = #map}, {transform_indices = #map}]} {
    %mul3A = arith.constant 2 : i32
    %mul3A_0 = arith.muli %arg1, %mul3A : i32
    %add3A = arith.addi %mul3A_0, %arg0 : i32
    %sub3A = arith.constant 6249 : i32
    %sub3A_1 = arith.subi %sub3A, %add3A : i32
    %jit3A = arith.constant 32 : i32
    %div3A = arith.divsi %sub3A_1, %jit3A : i32
    %sign3A = arith.constant 0 : i32
    %sign3A_2 = arith.cmpi sgt, %sub3A_1, %sign3A : i32
    %sign3A_3 = arith.extui %sign3A_2 : i1 to i32
    %sign3A_4 = arith.constant 0 : i32
    %sign3A_5 = arith.cmpi slt, %sub3A_1, %sign3A_4 : i32
    %sign3A_6 = arith.extui %sign3A_5 : i1 to i32
    %sign3A_7 = arith.subi %sign3A_3, %sign3A_6 : i32
    %sign3A_8 = arith.constant 0 : i32
    %sign3A_9 = arith.cmpi sgt, %jit3A, %sign3A_8 : i32
    %sign3A_10 = arith.extui %sign3A_9 : i1 to i32
    %sign3A_11 = arith.constant 0 : i32
    %sign3A_12 = arith.cmpi slt, %jit3A, %sign3A_11 : i32
    %sign3A_13 = arith.extui %sign3A_12 : i1 to i32
    %sign3A_14 = arith.subi %sign3A_10, %sign3A_13 : i32
    %ne3A = arith.cmpi ne, %sign3A_7, %sign3A_14 : i32
    %rem3A = arith.remsi %sub3A_1, %jit3A : i32
    %ne3A_15 = arith.constant 0 : i32
    %ne3A_16 = arith.cmpi ne, %rem3A, %ne3A_15 : i32
    %and3A = arith.andi %ne3A, %ne3A_16 : i1
    %sub3A_17 = arith.constant 1 : i32
    %sub3A_18 = arith.subi %div3A, %sub3A_17 : i32
    %select_n3A = arith.select %and3A, %sub3A_18, %div3A : i32
    %add3A_19 = arith.constant 1 : i32
    %add3A_20 = arith.addi %select_n3A, %add3A_19 : i32
    %add3A_21 = arith.constant 0 : i32
    %add3A_22 = arith.addi %add3A, %add3A_21 : i32
    %mul3A_23 = arith.constant 160 : i32
    %mul3A_24 = arith.muli %add3A_22, %mul3A_23 : i32
    "tpu.region"() ({
      %run_scoped3A = tpu.sem_alloc : memref<!tpu.dma_semaphore, #tpu.memory_space<semaphore_mem>>
      %dma_start3A_52 = tpu.memref_slice %arg3[%mul3A_24] : memref<1000000xi32, #tpu.memory_space<hbm>> -> memref<160xi32, #tpu.memory_space<hbm>>
      %dma_start3A_53 = tpu.memref_slice %arg3[%mul3A_24] : memref<1000000xi32, #tpu.memory_space<hbm>> -> memref<160xi32, #tpu.memory_space<hbm>>
      tpu.enqueue_dma source(%dma_start3A_53 : memref<160xi32, #tpu.memory_space<hbm>>) target(%arg12 : memref<160xi32, #tpu.memory_space<vmem>>) target_semaphore(%run_scoped3A : memref<!tpu.dma_semaphore, #tpu.memory_space<semaphore_mem>>)
      %dma_wait3A_54 = tpu.memref_slice %arg3[%mul3A_24] : memref<1000000xi32, #tpu.memory_space<hbm>> -> memref<160xi32, #tpu.memory_space<hbm>>
      %dma_wait3A_55 = tpu.memref_slice %arg3[%mul3A_24] : memref<1000000xi32, #tpu.memory_space<hbm>> -> memref<160xi32, #tpu.memory_space<hbm>>
      tpu.wait_dma2 semaphore(%run_scoped3A : memref<!tpu.dma_semaphore, #tpu.memory_space<semaphore_mem>>) src(%dma_wait3A_55 : memref<160xi32, #tpu.memory_space<hbm>>) dst(%arg12 : memref<160xi32, #tpu.memory_space<vmem>>)
      tpu.yield
    }) : () -> ()
    %add3A_25 = arith.constant 0 : i32
    %add3A_26 = arith.addi %add3A, %add3A_25 : i32
    %mul3A_27 = arith.constant 160 : i32
    %mul3A_28 = arith.muli %add3A_26, %mul3A_27 : i32
    %dma_start3A = arith.constant 0 : i32
    %dma_start3A_29 = tpu.memref_slice %arg2[%mul3A_28, %dma_start3A] : memref<1000000x64xf32, #tpu.memory_space<hbm>> -> memref<160x64xf32, #tpu.memory_space<hbm>>
    %dma_start3A_30 = arith.constant 0 : i32
    %dma_start3A_31 = tpu.memref_slice %arg2[%mul3A_28, %dma_start3A_30] : memref<1000000x64xf32, #tpu.memory_space<hbm>> -> memref<160x64xf32, #tpu.memory_space<hbm>>
    tpu.enqueue_dma source(%dma_start3A_31 : memref<160x64xf32, #tpu.memory_space<hbm>>) target(%arg6 : memref<160x64xf32, #tpu.memory_space<vmem>>) target_semaphore(%arg18 : memref<!tpu.dma_semaphore, #tpu.memory_space<semaphore_mem>>)
    %scan3A = arith.constant 0 : i32
    %scan3A_32 = arith.constant 0 : i32
    %scan3A_33 = arith.constant 98 : i32
    %scan3A_34 = arith.addi %scan3A_32, %scan3A_33 : i32
    %scan3A_35 = arith.constant 1 : i32
    scf.for %scan3A_52 = %scan3A_32 to %scan3A_34 step %scan3A_35  : i32 {
      %mul3A_53 = arith.constant 2 : i32
      %mul3A_54 = arith.muli %mul3A_53, %scan3A_52 : i32
      %add3A_55 = arith.constant 0 : i32
      %add3A_56 = arith.addi %mul3A_54, %add3A_55 : i32
      %lt3A = arith.cmpi slt, %add3A_56, %add3A_20 : i32
      %convert_element_type3A = arith.extui %lt3A : i1 to i32
      %cond3A = arith.constant 0 : i32
      %cond3A_57 = arith.cmpi ne, %convert_element_type3A, %cond3A : i32
      scf.if %cond3A_57 {
        %add3A_66 = arith.constant 1 : i32
        %add3A_67 = arith.addi %add3A_56, %add3A_66 : i32
        %lt3A_68 = arith.cmpi slt, %add3A_67, %add3A_20 : i32
        %convert_element_type3A_69 = arith.extui %lt3A_68 : i1 to i32
        %cond3A_70 = arith.constant 0 : i32
        %cond3A_71 = arith.cmpi ne, %convert_element_type3A_69, %cond3A_70 : i32
        scf.if %cond3A_71 {
          %add3A_102 = arith.constant 1 : i32
          %add3A_103 = arith.addi %add3A_56, %add3A_102 : i32
          %mul3A_104 = arith.constant 32 : i32
          %mul3A_105 = arith.muli %add3A_103, %mul3A_104 : i32
          %add3A_106 = arith.addi %add3A, %mul3A_105 : i32
          %mul3A_107 = arith.constant 160 : i32
          %mul3A_108 = arith.muli %add3A_106, %mul3A_107 : i32
          %dma_start3A_109 = tpu.memref_slice %arg3[%mul3A_108] : memref<1000000xi32, #tpu.memory_space<hbm>> -> memref<160xi32, #tpu.memory_space<hbm>>
          %dma_start3A_110 = tpu.memref_slice %arg3[%mul3A_108] : memref<1000000xi32, #tpu.memory_space<hbm>> -> memref<160xi32, #tpu.memory_space<hbm>>
          tpu.enqueue_dma source(%dma_start3A_110 : memref<160xi32, #tpu.memory_space<hbm>>) target(%arg13 : memref<160xi32, #tpu.memory_space<vmem>>) target_semaphore(%arg15 : memref<!tpu.dma_semaphore, #tpu.memory_space<semaphore_mem>>)
        } else {
        }
        %mul3A_72 = arith.constant 32 : i32
        %mul3A_73 = arith.muli %add3A_56, %mul3A_72 : i32
        %add3A_74 = arith.addi %add3A, %mul3A_73 : i32
        %mul3A_75 = arith.constant 160 : i32
        %mul3A_76 = arith.muli %add3A_74, %mul3A_75 : i32
        %dma_wait3A_77 = arith.constant 0 : i32
        %dma_wait3A_78 = tpu.memref_slice %arg2[%mul3A_76, %dma_wait3A_77] : memref<1000000x64xf32, #tpu.memory_space<hbm>> -> memref<160x64xf32, #tpu.memory_space<hbm>>
        %dma_wait3A_79 = arith.constant 0 : i32
        %dma_wait3A_80 = tpu.memref_slice %arg2[%mul3A_76, %dma_wait3A_79] : memref<1000000x64xf32, #tpu.memory_space<hbm>> -> memref<160x64xf32, #tpu.memory_space<hbm>>
        tpu.wait_dma2 semaphore(%arg18 : memref<!tpu.dma_semaphore, #tpu.memory_space<semaphore_mem>>) src(%dma_wait3A_80 : memref<160x64xf32, #tpu.memory_space<hbm>>) dst(%arg6 : memref<160x64xf32, #tpu.memory_space<vmem>>)
        %scan3A_81 = arith.constant 0 : i32
        %scan3A_82 = arith.constant 0 : i32
        %scan3A_83 = arith.constant 20 : i32
        %scan3A_84 = arith.addi %scan3A_82, %scan3A_83 : i32
        %scan3A_85 = arith.constant 1 : i32
        scf.for %scan3A_102 = %scan3A_82 to %scan3A_84 step %scan3A_85  : i32 {
          %mul3A_103 = arith.constant 8 : i32
          %mul3A_104 = arith.muli %scan3A_102, %mul3A_103 : i32
          %add3A_105 = arith.constant 0 : i32
          %add3A_106 = arith.addi %mul3A_104, %add3A_105 : i32
          %get3A = arith.index_cast %add3A_106 : i32 to index
          %get3A_107 = arith.constant 0 : index
          %get3A_108 = tpu.vector_load %arg6[%get3A, %get3A_107] {strides = array<i32>} : memref<160x64xf32, #tpu.memory_space<vmem>>, vector<1x16xf32>,
          %get3A_109 = vector.shape_cast %get3A_108 : vector<1x16xf32> to vector<16xf32>
          %get3A_110 = arith.index_cast %add3A_106 : i32 to index
          %get3A_111 = arith.constant 0 : index
          %get3A_112 = tpu.vector_load %arg8[%get3A_110, %get3A_111] {strides = array<i32>} : memref<160x128xf32, #tpu.memory_space<vmem>>, vector<1x16xf32>,
          %get3A_113 = vector.shape_cast %get3A_112 : vector<1x16xf32> to vector<16xf32>
          %mul3A_114 = arith.mulf %get3A_109, %get3A_113 : vector<16xf32>
          %get3A_115 = arith.index_cast %add3A_106 : i32 to index
          %get3A_116 = arith.constant 64 : index
          %get3A_117 = tpu.vector_load %arg8[%get3A_115, %get3A_116] {strides = array<i32>} : memref<160x128xf32, #tpu.memory_space<vmem>>, vector<1x16xf32>,
          %get3A_118 = vector.shape_cast %get3A_117 : vector<1x16xf32> to vector<16xf32>
          %add3A_119 = arith.addf %mul3A_114, %get3A_118 : vector<16xf32>
          %swap3A = arith.index_cast %add3A_106 : i32 to index
          %swap3A_120 = arith.constant 0 : index
          %swap3A_121 = tpu.vector_load %arg10[%swap3A, %swap3A_120] {strides = array<i32>} : memref<160x64xf32, #tpu.memory_space<vmem>>, vector<1x16xf32>,
          %swap3A_122 = vector.shape_cast %swap3A_121 : vector<1x16xf32> to vector<16xf32>
          %swap3A_123 = vector.shape_cast %add3A_119 : vector<16xf32> to vector<1x16xf32>
          tpu.vector_store %arg10[%swap3A, %swap3A_120], %swap3A_123 {strides = array<i32>} : memref<160x64xf32, #tpu.memory_space<vmem>>, vector<1x16xf32>,
          %get3A_124 = arith.index_cast %add3A_106 : i32 to index
          %get3A_125 = arith.constant 16 : index
          %get3A_126 = tpu.vector_load %arg6[%get3A_124, %get3A_125] {strides = array<i32>} : memref<160x64xf32, #tpu.memory_space<vmem>>, vector<1x16xf32>,
          %get3A_127 = vector.shape_cast %get3A_126 : vector<1x16xf32> to vector<16xf32>
          %get3A_128 = arith.index_cast %add3A_106 : i32 to index
          %get3A_129 = arith.constant 16 : index
          %get3A_130 = tpu.vector_load %arg8[%get3A_128, %get3A_129] {strides = array<i32>} : memref<160x128xf32, #tpu.memory_space<vmem>>, vector<1x16xf32>,
          %get3A_131 = vector.shape_cast %get3A_130 : vector<1x16xf32> to vector<16xf32>
          %mul3A_132 = arith.mulf %get3A_127, %get3A_131 : vector<16xf32>
          %get3A_133 = arith.index_cast %add3A_106 : i32 to index
          %get3A_134 = arith.constant 80 : index
          %get3A_135 = tpu.vector_load %arg8[%get3A_133, %get3A_134] {strides = array<i32>} : memref<160x128xf32, #tpu.memory_space<vmem>>, vector<1x16xf32>,
          %get3A_136 = vector.shape_cast %get3A_135 : vector<1x16xf32> to vector<16xf32>
          %add3A_137 = arith.addf %mul3A_132, %get3A_136 : vector<16xf32>
          %swap3A_138 = arith.index_cast %add3A_106 : i32 to index
          %swap3A_139 = arith.constant 16 : index
          %swap3A_140 = tpu.vector_load %arg10[%swap3A_138, %swap3A_139] {strides = array<i32>} : memref<160x64xf32, #tpu.memory_space<vmem>>, vector<1x16xf32>,
          %swap3A_141 = vector.shape_cast %swap3A_140 : vector<1x16xf32> to vector<16xf32>
          %swap3A_142 = vector.shape_cast %add3A_137 : vector<16xf32> to vector<1x16xf32>
          tpu.vector_store %arg10[%swap3A_138, %swap3A_139], %swap3A_142 {strides = array<i32>} : memref<160x64xf32, #tpu.memory_space<vmem>>, vector<1x16xf32>,
          %get3A_143 = arith.index_cast %add3A_106 : i32 to index
          %get3A_144 = arith.constant 32 : index
          %get3A_145 = tpu.vector_load %arg6[%get3A_143, %get3A_144] {strides = array<i32>} : memref<160x64xf32, #tpu.memory_space<vmem>>, vector<1x16xf32>,
          %get3A_146 = vector.shape_cast %get3A_145 : vector<1x16xf32> to vector<16xf32>
          %get3A_147 = arith.index_cast %add3A_106 : i32 to index
          %get3A_148 = arith.constant 32 : index
          %get3A_149 = tpu.vector_load %arg8[%get3A_147, %get3A_148] {strides = array<i32>} : memref<160x128xf32, #tpu.memory_space<vmem>>, vector<1x16xf32>,
          %get3A_150 = vector.shape_cast %get3A_149 : vector<1x16xf32> to vector<16xf32>
          %mul3A_151 = arith.mulf %get3A_146, %get3A_150 : vector<16xf32>
          %get3A_152 = arith.index_cast %add3A_106 : i32 to index
          %get3A_153 = arith.constant 96 : index
          %get3A_154 = tpu.vector_load %arg8[%get3A_152, %get3A_153] {strides = array<i32>} : memref<160x128xf32, #tpu.memory_space<vmem>>, vector<1x16xf32>,
          %get3A_155 = vector.shape_cast %get3A_154 : vector<1x16xf32> to vector<16xf32>
          %add3A_156 = arith.addf %mul3A_151, %get3A_155 : vector<16xf32>
          %swap3A_157 = arith.index_cast %add3A_106 : i32 to index
          %swap3A_158 = arith.constant 32 : index
          %swap3A_159 = tpu.vector_load %arg10[%swap3A_157, %swap3A_158] {strides = array<i32>} : memref<160x64xf32, #tpu.memory_space<vmem>>, vector<1x16xf32>,
          %swap3A_160 = vector.shape_cast %swap3A_159 : vector<1x16xf32> to vector<16xf32>
          %swap3A_161 = vector.shape_cast %add3A_156 : vector<16xf32> to vector<1x16xf32>
          tpu.vector_store %arg10[%swap3A_157, %swap3A_158], %swap3A_161 {strides = array<i32>} : memref<160x64xf32, #tpu.memory_space<vmem>>, vector<1x16xf32>,
          %get3A_162 = arith.index_cast %add3A_106 : i32 to index
          %get3A_163 = arith.constant 48 : index
          %get3A_164 = tpu.vector_load %arg6[%get3A_162, %get3A_163] {strides = array<i32>} : memref<160x64xf32, #tpu.memory_space<vmem>>, vector<1x16xf32>,
          %get3A_165 = vector.shape_cast %get3A_164 : vector<1x16xf32> to vector<16xf32>
          %get3A_166 = arith.index_cast %add3A_106 : i32 to index
          %get3A_167 = arith.constant 48 : index
          %get3A_168 = tpu.vector_load %arg8[%get3A_166, %get3A_167] {strides = array<i32>} : memref<160x128xf32, #tpu.memory_space<vmem>>, vector<1x16xf32>,
          %get3A_169 = vector.shape_cast %get3A_168 : vector<1x16xf32> to vector<16xf32>
          %mul3A_170 = arith.mulf %get3A_165, %get3A_169 : vector<16xf32>
          %get3A_171 = arith.index_cast %add3A_106 : i32 to index
          %get3A_172 = arith.constant 112 : index
          %get3A_173 = tpu.vector_load %arg8[%get3A_171, %get3A_172] {strides = array<i32>} : memref<160x128xf32, #tpu.memory_space<vmem>>, vector<1x16xf32>,
          %get3A_174 = vector.shape_cast %get3A_173 : vector<1x16xf32> to vector<16xf32>
          %add3A_175 = arith.addf %mul3A_170, %get3A_174 : vector<16xf32>
          %swap3A_176 = arith.index_cast %add3A_106 : i32 to index
          %swap3A_177 = arith.constant 48 : index
          %swap3A_178 = tpu.vector_load %arg10[%swap3A_176, %swap3A_177] {strides = array<i32>} : memref<160x64xf32, #tpu.memory_space<vmem>>, vector<1x16xf32>,
          %swap3A_179 = vector.shape_cast %swap3A_178 : vector<1x16xf32> to vector<16xf32>
          %swap3A_180 = vector.shape_cast %add3A_175 : vector<16xf32> to vector<1x16xf32>
          tpu.vector_store %arg10[%swap3A_176, %swap3A_177], %swap3A_180 {strides = array<i32>} : memref<160x64xf32, #tpu.memory_space<vmem>>, vector<1x16xf32>,
          %mul3A_181 = arith.constant 8 : i32
          %mul3A_182 = arith.muli %scan3A_102, %mul3A_181 : i32
          %add3A_183 = arith.constant 1 : i32
          %add3A_184 = arith.addi %mul3A_182, %add3A_183 : i32
          %get3A_185 = arith.index_cast %add3A_184 : i32 to index
          %get3A_186 = arith.constant 0 : index
          %get3A_187 = tpu.vector_load %arg6[%get3A_185, %get3A_186] {strides = array<i32>} : memref<160x64xf32, #tpu.memory_space<vmem>>, vector<1x16xf32>,
          %get3A_188 = vector.shape_cast %get3A_187 : vector<1x16xf32> to vector<16xf32>
          %get3A_189 = arith.index_cast %add3A_184 : i32 to index
          %get3A_190 = arith.constant 0 : index
          %get3A_191 = tpu.vector_load %arg8[%get3A_189, %get3A_190] {strides = array<i32>} : memref<160x128xf32, #tpu.memory_space<vmem>>, vector<1x16xf32>,
          %get3A_192 = vector.shape_cast %get3A_191 : vector<1x16xf32> to vector<16xf32>
          %mul3A_193 = arith.mulf %get3A_188, %get3A_192 : vector<16xf32>
          %get3A_194 = arith.index_cast %add3A_184 : i32 to index
          %get3A_195 = arith.constant 64 : index
          %get3A_196 = tpu.vector_load %arg8[%get3A_194, %get3A_195] {strides = array<i32>} : memref<160x128xf32, #tpu.memory_space<vmem>>, vector<1x16xf32>,
          %get3A_197 = vector.shape_cast %get3A_196 : vector<1x16xf32> to vector<16xf32>
          %add3A_198 = arith.addf %mul3A_193, %get3A_197 : vector<16xf32>
          %swap3A_199 = arith.index_cast %add3A_184 : i32 to index
          %swap3A_200 = arith.constant 0 : index
          %swap3A_201 = tpu.vector_load %arg10[%swap3A_199, %swap3A_200] {strides = array<i32>} : memref<160x64xf32, #tpu.memory_space<vmem>>, vector<1x16xf32>,
          %swap3A_202 = vector.shape_cast %swap3A_201 : vector<1x16xf32> to vector<16xf32>
          %swap3A_203 = vector.shape_cast %add3A_198 : vector<16xf32> to vector<1x16xf32>
          tpu.vector_store %arg10[%swap3A_199, %swap3A_200], %swap3A_203 {strides = array<i32>} : memref<160x64xf32, #tpu.memory_space<vmem>>, vector<1x16xf32>,
          %get3A_204 = arith.index_cast %add3A_184 : i32 to index
          %get3A_205 = arith.constant 16 : index
          %get3A_206 = tpu.vector_load %arg6[%get3A_204, %get3A_205] {strides = array<i32>} : memref<160x64xf32, #tpu.memory_space<vmem>>, vector<1x16xf32>,
          %get3A_207 = vector.shape_cast %get3A_206 : vector<1x16xf32> to vector<16xf32>
          %get3A_208 = arith.index_cast %add3A_184 : i32 to index
          %get3A_209 = arith.constant 16 : index
          %get3A_210 = tpu.vector_load %arg8[%get3A_208, %get3A_209] {strides = array<i32>} : memref<160x128xf32, #tpu.memory_space<vmem>>, vector<1x16xf32>,
          %get3A_211 = vector.shape_cast %get3A_210 : vector<1x16xf32> to vector<16xf32>
          %mul3A_212 = arith.mulf %get3A_207, %get3A_211 : vector<16xf32>
          %get3A_213 = arith.index_cast %add3A_184 : i32 to index
          %get3A_214 = arith.constant 80 : index
          %get3A_215 = tpu.vector_load %arg8[%get3A_213, %get3A_214] {strides = array<i32>} : memref<160x128xf32, #tpu.memory_space<vmem>>, vector<1x16xf32>,
          %get3A_216 = vector.shape_cast %get3A_215 : vector<1x16xf32> to vector<16xf32>
          %add3A_217 = arith.addf %mul3A_212, %get3A_216 : vector<16xf32>
          %swap3A_218 = arith.index_cast %add3A_184 : i32 to index
          %swap3A_219 = arith.constant 16 : index
          %swap3A_220 = tpu.vector_load %arg10[%swap3A_218, %swap3A_219] {strides = array<i32>} : memref<160x64xf32, #tpu.memory_space<vmem>>, vector<1x16xf32>,
          %swap3A_221 = vector.shape_cast %swap3A_220 : vector<1x16xf32> to vector<16xf32>
          %swap3A_222 = vector.shape_cast %add3A_217 : vector<16xf32> to vector<1x16xf32>
          tpu.vector_store %arg10[%swap3A_218, %swap3A_219], %swap3A_222 {strides = array<i32>} : memref<160x64xf32, #tpu.memory_space<vmem>>, vector<1x16xf32>,
          %get3A_223 = arith.index_cast %add3A_184 : i32 to index
          %get3A_224 = arith.constant 32 : index
          %get3A_225 = tpu.vector_load %arg6[%get3A_223, %get3A_224] {strides = array<i32>} : memref<160x64xf32, #tpu.memory_space<vmem>>, vector<1x16xf32>,
          %get3A_226 = vector.shape_cast %get3A_225 : vector<1x16xf32> to vector<16xf32>
          %get3A_227 = arith.index_cast %add3A_184 : i32 to index
          %get3A_228 = arith.constant 32 : index
          %get3A_229 = tpu.vector_load %arg8[%get3A_227, %get3A_228] {strides = array<i32>} : memref<160x128xf32, #tpu.memory_space<vmem>>, vector<1x16xf32>,
          %get3A_230 = vector.shape_cast %get3A_229 : vector<1x16xf32> to vector<16xf32>
          %mul3A_231 = arith.mulf %get3A_226, %get3A_230 : vector<16xf32>
          %get3A_232 = arith.index_cast %add3A_184 : i32 to index
          %get3A_233 = arith.constant 96 : index
          %get3A_234 = tpu.vector_load %arg8[%get3A_232, %get3A_233] {strides = array<i32>} : memref<160x128xf32, #tpu.memory_space<vmem>>, vector<1x16xf32>,
          %get3A_235 = vector.shape_cast %get3A_234 : vector<1x16xf32> to vector<16xf32>
          %add3A_236 = arith.addf %mul3A_231, %get3A_235 : vector<16xf32>
          %swap3A_237 = arith.index_cast %add3A_184 : i32 to index
          %swap3A_238 = arith.constant 32 : index
          %swap3A_239 = tpu.vector_load %arg10[%swap3A_237, %swap3A_238] {strides = array<i32>} : memref<160x64xf32, #tpu.memory_space<vmem>>, vector<1x16xf32>,
          %swap3A_240 = vector.shape_cast %swap3A_239 : vector<1x16xf32> to vector<16xf32>
          %swap3A_241 = vector.shape_cast %add3A_236 : vector<16xf32> to vector<1x16xf32>
          tpu.vector_store %arg10[%swap3A_237, %swap3A_238], %swap3A_241 {strides = array<i32>} : memref<160x64xf32, #tpu.memory_space<vmem>>, vector<1x16xf32>,
          %get3A_242 = arith.index_cast %add3A_184 : i32 to index
          %get3A_243 = arith.constant 48 : index
          %get3A_244 = tpu.vector_load %arg6[%get3A_242, %get3A_243] {strides = array<i32>} : memref<160x64xf32, #tpu.memory_space<vmem>>, vector<1x16xf32>,
          %get3A_245 = vector.shape_cast %get3A_244 : vector<1x16xf32> to vector<16xf32>
          %get3A_246 = arith.index_cast %add3A_184 : i32 to index
          %get3A_247 = arith.constant 48 : index
          %get3A_248 = tpu.vector_load %arg8[%get3A_246, %get3A_247] {strides = array<i32>} : memref<160x128xf32, #tpu.memory_space<vmem>>, vector<1x16xf32>,
          %get3A_249 = vector.shape_cast %get3A_248 : vector<1x16xf32> to vector<16xf32>
          %mul3A_250 = arith.mulf %get3A_245, %get3A_249 : vector<16xf32>
          %get3A_251 = arith.index_cast %add3A_184 : i32 to index
          %get3A_252 = arith.constant 112 : index
          %get3A_253 = tpu.vector_load %arg8[%get3A_251, %get3A_252] {strides = array<i32>} : memref<160x128xf32, #tpu.memory_space<vmem>>, vector<1x16xf32>,
          %get3A_254 = vector.shape_cast %get3A_253 : vector<1x16xf32> to vector<16xf32>
          %add3A_255 = arith.addf %mul3A_250, %get3A_254 : vector<16xf32>
          %swap3A_256 = arith.index_cast %add3A_184 : i32 to index
          %swap3A_257 = arith.constant 48 : index
          %swap3A_258 = tpu.vector_load %arg10[%swap3A_256, %swap3A_257] {strides = array<i32>} : memref<160x64xf32, #tpu.memory_space<vmem>>, vector<1x16xf32>,
          %swap3A_259 = vector.shape_cast %swap3A_258 : vector<1x16xf32> to vector<16xf32>
          %swap3A_260 = vector.shape_cast %add3A_255 : vector<16xf32> to vector<1x16xf32>
          tpu.vector_store %arg10[%swap3A_256, %swap3A_257], %swap3A_260 {strides = array<i32>} : memref<160x64xf32, #tpu.memory_space<vmem>>, vector<1x16xf32>,
          %mul3A_261 = arith.constant 8 : i32
          %mul3A_262 = arith.muli %scan3A_102, %mul3A_261 : i32
          %add3A_263 = arith.constant 2 : i32
          %add3A_264 = arith.addi %mul3A_262, %add3A_263 : i32
          %get3A_265 = arith.index_cast %add3A_264 : i32 to index
          %get3A_266 = arith.constant 0 : index
          %get3A_267 = tpu.vector_load %arg6[%get3A_265, %get3A_266] {strides = array<i32>} : memref<160x64xf32, #tpu.memory_space<vmem>>, vector<1x16xf32>,
          %get3A_268 = vector.shape_cast %get3A_267 : vector<1x16xf32> to vector<16xf32>
          %get3A_269 = arith.index_cast %add3A_264 : i32 to index
          %get3A_270 = arith.constant 0 : index
          %get3A_271 = tpu.vector_load %arg8[%get3A_269, %get3A_270] {strides = array<i32>} : memref<160x128xf32, #tpu.memory_space<vmem>>, vector<1x16xf32>,
          %get3A_272 = vector.shape_cast %get3A_271 : vector<1x16xf32> to vector<16xf32>
          %mul3A_273 = arith.mulf %get3A_268, %get3A_272 : vector<16xf32>
          %get3A_274 = arith.index_cast %add3A_264 : i32 to index
          %get3A_275 = arith.constant 64 : index
          %get3A_276 = tpu.vector_load %arg8[%get3A_274, %get3A_275] {strides = array<i32>} : memref<160x128xf32, #tpu.memory_space<vmem>>, vector<1x16xf32>,
          %get3A_277 = vector.shape_cast %get3A_276 : vector<1x16xf32> to vector<16xf32>
          %add3A_278 = arith.addf %mul3A_273, %get3A_277 : vector<16xf32>
          %swap3A_279 = arith.index_cast %add3A_264 : i32 to index
          %swap3A_280 = arith.constant 0 : index
          %swap3A_281 = tpu.vector_load %arg10[%swap3A_279, %swap3A_280] {strides = array<i32>} : memref<160x64xf32, #tpu.memory_space<vmem>>, vector<1x16xf32>,
          %swap3A_282 = vector.shape_cast %swap3A_281 : vector<1x16xf32> to vector<16xf32>
          %swap3A_283 = vector.shape_cast %add3A_278 : vector<16xf32> to vector<1x16xf32>
          tpu.vector_store %arg10[%swap3A_279, %swap3A_280], %swap3A_283 {strides = array<i32>} : memref<160x64xf32, #tpu.memory_space<vmem>>, vector<1x16xf32>,
          %get3A_284 = arith.index_cast %add3A_264 : i32 to index
          %get3A_285 = arith.constant 16 : index
          %get3A_286 = tpu.vector_load %arg6[%get3A_284, %get3A_285] {strides = array<i32>} : memref<160x64xf32, #tpu.memory_space<vmem>>, vector<1x16xf32>,
          %get3A_287 = vector.shape_cast %get3A_286 : vector<1x16xf32> to vector<16xf32>
          %get3A_288 = arith.index_cast %add3A_264 : i32 to index
          %get3A_289 = arith.constant 16 : index
          %get3A_290 = tpu.vector_load %arg8[%get3A_288, %get3A_289] {strides = array<i32>} : memref<160x128xf32, #tpu.memory_space<vmem>>, vector<1x16xf32>,
          %get3A_291 = vector.shape_cast %get3A_290 : vector<1x16xf32> to vector<16xf32>
          %mul3A_292 = arith.mulf %get3A_287, %get3A_291 : vector<16xf32>
          %get3A_293 = arith.index_cast %add3A_264 : i32 to index
          %get3A_294 = arith.constant 80 : index
          %get3A_295 = tpu.vector_load %arg8[%get3A_293, %get3A_294] {strides = array<i32>} : memref<160x128xf32, #tpu.memory_space<vmem>>, vector<1x16xf32>,
          %get3A_296 = vector.shape_cast %get3A_295 : vector<1x16xf32> to vector<16xf32>
          %add3A_297 = arith.addf %mul3A_292, %get3A_296 : vector<16xf32>
          %swap3A_298 = arith.index_cast %add3A_264 : i32 to index
          %swap3A_299 = arith.constant 16 : index
          %swap3A_300 = tpu.vector_load %arg10[%swap3A_298, %swap3A_299] {strides = array<i32>} : memref<160x64xf32, #tpu.memory_space<vmem>>, vector<1x16xf32>,
          %swap3A_301 = vector.shape_cast %swap3A_300 : vector<1x16xf32> to vector<16xf32>
          %swap3A_302 = vector.shape_cast %add3A_297 : vector<16xf32> to vector<1x16xf32>
          tpu.vector_store %arg10[%swap3A_298, %swap3A_299], %swap3A_302 {strides = array<i32>} : memref<160x64xf32, #tpu.memory_space<vmem>>, vector<1x16xf32>,
          %get3A_303 = arith.index_cast %add3A_264 : i32 to index
          %get3A_304 = arith.constant 32 : index
          %get3A_305 = tpu.vector_load %arg6[%get3A_303, %get3A_304] {strides = array<i32>} : memref<160x64xf32, #tpu.memory_space<vmem>>, vector<1x16xf32>,
          %get3A_306 = vector.shape_cast %get3A_305 : vector<1x16xf32> to vector<16xf32>
          %get3A_307 = arith.index_cast %add3A_264 : i32 to index
          %get3A_308 = arith.constant 32 : index
          %get3A_309 = tpu.vector_load %arg8[%get3A_307, %get3A_308] {strides = array<i32>} : memref<160x128xf32, #tpu.memory_space<vmem>>, vector<1x16xf32>,
          %get3A_310 = vector.shape_cast %get3A_309 : vector<1x16xf32> to vector<16xf32>
          %mul3A_311 = arith.mulf %get3A_306, %get3A_310 : vector<16xf32>
          %get3A_312 = arith.index_cast %add3A_264 : i32 to index
          %get3A_313 = arith.constant 96 : index
          %get3A_314 = tpu.vector_load %arg8[%get3A_312, %get3A_313] {strides = array<i32>} : memref<160x128xf32, #tpu.memory_space<vmem>>, vector<1x16xf32>,
          %get3A_315 = vector.shape_cast %get3A_314 : vector<1x16xf32> to vector<16xf32>
          %add3A_316 = arith.addf %mul3A_311, %get3A_315 : vector<16xf32>
          %swap3A_317 = arith.index_cast %add3A_264 : i32 to index
          %swap3A_318 = arith.constant 32 : index
          %swap3A_319 = tpu.vector_load %arg10[%swap3A_317, %swap3A_318] {strides = array<i32>} : memref<160x64xf32, #tpu.memory_space<vmem>>, vector<1x16xf32>,
          %swap3A_320 = vector.shape_cast %swap3A_319 : vector<1x16xf32> to vector<16xf32>
          %swap3A_321 = vector.shape_cast %add3A_316 : vector<16xf32> to vector<1x16xf32>
          tpu.vector_store %arg10[%swap3A_317, %swap3A_318], %swap3A_321 {strides = array<i32>} : memref<160x64xf32, #tpu.memory_space<vmem>>, vector<1x16xf32>,
          %get3A_322 = arith.index_cast %add3A_264 : i32 to index
          %get3A_323 = arith.constant 48 : index
          %get3A_324 = tpu.vector_load %arg6[%get3A_322, %get3A_323] {strides = array<i32>} : memref<160x64xf32, #tpu.memory_space<vmem>>, vector<1x16xf32>,
          %get3A_325 = vector.shape_cast %get3A_324 : vector<1x16xf32> to vector<16xf32>
          %get3A_326 = arith.index_cast %add3A_264 : i32 to index
          %get3A_327 = arith.constant 48 : index
          %get3A_328 = tpu.vector_load %arg8[%get3A_326, %get3A_327] {strides = array<i32>} : memref<160x128xf32, #tpu.memory_space<vmem>>, vector<1x16xf32>,
          %get3A_329 = vector.shape_cast %get3A_328 : vector<1x16xf32> to vector<16xf32>
          %mul3A_330 = arith.mulf %get3A_325, %get3A_329 : vector<16xf32>
          %get3A_331 = arith.index_cast %add3A_264 : i32 to index
          %get3A_332 = arith.constant 112 : index
          %get3A_333 = tpu.vector_load %arg8[%get3A_331, %get3A_332] {strides = array<i32>} : memref<160x128xf32, #tpu.memory_space<vmem>>, vector<1x16xf32>,
          %get3A_334 = vector.shape_cast %get3A_333 : vector<1x16xf32> to vector<16xf32>
          %add3A_335 = arith.addf %mul3A_330, %get3A_334 : vector<16xf32>
          %swap3A_336 = arith.index_cast %add3A_264 : i32 to index
          %swap3A_337 = arith.constant 48 : index
          %swap3A_338 = tpu.vector_load %arg10[%swap3A_336, %swap3A_337] {strides = array<i32>} : memref<160x64xf32, #tpu.memory_space<vmem>>, vector<1x16xf32>,
          %swap3A_339 = vector.shape_cast %swap3A_338 : vector<1x16xf32> to vector<16xf32>
          %swap3A_340 = vector.shape_cast %add3A_335 : vector<16xf32> to vector<1x16xf32>
          tpu.vector_store %arg10[%swap3A_336, %swap3A_337], %swap3A_340 {strides = array<i32>} : memref<160x64xf32, #tpu.memory_space<vmem>>, vector<1x16xf32>,
          %mul3A_341 = arith.constant 8 : i32
          %mul3A_342 = arith.muli %scan3A_102, %mul3A_341 : i32
          %add3A_343 = arith.constant 3 : i32
          %add3A_344 = arith.addi %mul3A_342, %add3A_343 : i32
          %get3A_345 = arith.index_cast %add3A_344 : i32 to index
          %get3A_346 = arith.constant 0 : index
          %get3A_347 = tpu.vector_load %arg6[%get3A_345, %get3A_346] {strides = array<i32>} : memref<160x64xf32, #tpu.memory_space<vmem>>, vector<1x16xf32>,
          %get3A_348 = vector.shape_cast %get3A_347 : vector<1x16xf32> to vector<16xf32>
          %get3A_349 = arith.index_cast %add3A_344 : i32 to index
          %get3A_350 = arith.constant 0 : index
          %get3A_351 = tpu.vector_load %arg8[%get3A_349, %get3A_350] {strides = array<i32>} : memref<160x128xf32, #tpu.memory_space<vmem>>, vector<1x16xf32>,
          %get3A_352 = vector.shape_cast %get3A_351 : vector<1x16xf32> to vector<16xf32>
          %mul3A_353 = arith.mulf %get3A_348, %get3A_352 : vector<16xf32>
          %get3A_354 = arith.index_cast %add3A_344 : i32 to index
          %get3A_355 = arith.constant 64 : index
          %get3A_356 = tpu.vector_load %arg8[%get3A_354, %get3A_355] {strides = array<i32>} : memref<160x128xf32, #tpu.memory_space<vmem>>, vector<1x16xf32>,
          %get3A_357 = vector.shape_cast %get3A_356 : vector<1x16xf32> to vector<16xf32>
          %add3A_358 = arith.addf %mul3A_353, %get3A_357 : vector<16xf32>
          %swap3A_359 = arith.index_cast %add3A_344 : i32 to index
          %swap3A_360 = arith.constant 0 : index
          %swap3A_361 = tpu.vector_load %arg10[%swap3A_359, %swap3A_360] {strides = array<i32>} : memref<160x64xf32, #tpu.memory_space<vmem>>, vector<1x16xf32>,
          %swap3A_362 = vector.shape_cast %swap3A_361 : vector<1x16xf32> to vector<16xf32>
          %swap3A_363 = vector.shape_cast %add3A_358 : vector<16xf32> to vector<1x16xf32>
          tpu.vector_store %arg10[%swap3A_359, %swap3A_360], %swap3A_363 {strides = array<i32>} : memref<160x64xf32, #tpu.memory_space<vmem>>, vector<1x16xf32>,
          %get3A_364 = arith.index_cast %add3A_344 : i32 to index
          %get3A_365 = arith.constant 16 : index
          %get3A_366 = tpu.vector_load %arg6[%get3A_364, %get3A_365] {strides = array<i32>} : memref<160x64xf32, #tpu.memory_space<vmem>>, vector<1x16xf32>,
          %get3A_367 = vector.shape_cast %get3A_366 : vector<1x16xf32> to vector<16xf32>
          %get3A_368 = arith.index_cast %add3A_344 : i32 to index
          %get3A_369 = arith.constant 16 : index
          %get3A_370 = tpu.vector_load %arg8[%get3A_368, %get3A_369] {strides = array<i32>} : memref<160x128xf32, #tpu.memory_space<vmem>>, vector<1x16xf32>,
          %get3A_371 = vector.shape_cast %get3A_370 : vector<1x16xf32> to vector<16xf32>
          %mul3A_372 = arith.mulf %get3A_367, %get3A_371 : vector<16xf32>
          %get3A_373 = arith.index_cast %add3A_344 : i32 to index
          %get3A_374 = arith.constant 80 : index
          %get3A_375 = tpu.vector_load %arg8[%get3A_373, %get3A_374] {strides = array<i32>} : memref<160x128xf32, #tpu.memory_space<vmem>>, vector<1x16xf32>,
          %get3A_376 = vector.shape_cast %get3A_375 : vector<1x16xf32> to vector<16xf32>
          %add3A_377 = arith.addf %mul3A_372, %get3A_376 : vector<16xf32>
          %swap3A_378 = arith.index_cast %add3A_344 : i32 to index
          %swap3A_379 = arith.constant 16 : index
          %swap3A_380 = tpu.vector_load %arg10[%swap3A_378, %swap3A_379] {strides = array<i32>} : memref<160x64xf32, #tpu.memory_space<vmem>>, vector<1x16xf32>,
          %swap3A_381 = vector.shape_cast %swap3A_380 : vector<1x16xf32> to vector<16xf32>
          %swap3A_382 = vector.shape_cast %add3A_377 : vector<16xf32> to vector<1x16xf32>
          tpu.vector_store %arg10[%swap3A_378, %swap3A_379], %swap3A_382 {strides = array<i32>} : memref<160x64xf32, #tpu.memory_space<vmem>>, vector<1x16xf32>,
          %get3A_383 = arith.index_cast %add3A_344 : i32 to index
          %get3A_384 = arith.constant 32 : index
          %get3A_385 = tpu.vector_load %arg6[%get3A_383, %get3A_384] {strides = array<i32>} : memref<160x64xf32, #tpu.memory_space<vmem>>, vector<1x16xf32>,
          %get3A_386 = vector.shape_cast %get3A_385 : vector<1x16xf32> to vector<16xf32>
          %get3A_387 = arith.index_cast %add3A_344 : i32 to index
          %get3A_388 = arith.constant 32 : index
          %get3A_389 = tpu.vector_load %arg8[%get3A_387, %get3A_388] {strides = array<i32>} : memref<160x128xf32, #tpu.memory_space<vmem>>, vector<1x16xf32>,
          %get3A_390 = vector.shape_cast %get3A_389 : vector<1x16xf32> to vector<16xf32>
          %mul3A_391 = arith.mulf %get3A_386, %get3A_390 : vector<16xf32>
          %get3A_392 = arith.index_cast %add3A_344 : i32 to index
          %get3A_393 = arith.constant 96 : index
          %get3A_394 = tpu.vector_load %arg8[%get3A_392, %get3A_393] {strides = array<i32>} : memref<160x128xf32, #tpu.memory_space<vmem>>, vector<1x16xf32>,
          %get3A_395 = vector.shape_cast %get3A_394 : vector<1x16xf32> to vector<16xf32>
          %add3A_396 = arith.addf %mul3A_391, %get3A_395 : vector<16xf32>
          %swap3A_397 = arith.index_cast %add3A_344 : i32 to index
          %swap3A_398 = arith.constant 32 : index
          %swap3A_399 = tpu.vector_load %arg10[%swap3A_397, %swap3A_398] {strides = array<i32>} : memref<160x64xf32, #tpu.memory_space<vmem>>, vector<1x16xf32>,
          %swap3A_400 = vector.shape_cast %swap3A_399 : vector<1x16xf32> to vector<16xf32>
          %swap3A_401 = vector.shape_cast %add3A_396 : vector<16xf32> to vector<1x16xf32>
          tpu.vector_store %arg10[%swap3A_397, %swap3A_398], %swap3A_401 {strides = array<i32>} : memref<160x64xf32, #tpu.memory_space<vmem>>, vector<1x16xf32>,
          %get3A_402 = arith.index_cast %add3A_344 : i32 to index
          %get3A_403 = arith.constant 48 : index
          %get3A_404 = tpu.vector_load %arg6[%get3A_402, %get3A_403] {strides = array<i32>} : memref<160x64xf32, #tpu.memory_space<vmem>>, vector<1x16xf32>,
          %get3A_405 = vector.shape_cast %get3A_404 : vector<1x16xf32> to vector<16xf32>
          %get3A_406 = arith.index_cast %add3A_344 : i32 to index
          %get3A_407 = arith.constant 48 : index
          %get3A_408 = tpu.vector_load %arg8[%get3A_406, %get3A_407] {strides = array<i32>} : memref<160x128xf32, #tpu.memory_space<vmem>>, vector<1x16xf32>,
          %get3A_409 = vector.shape_cast %get3A_408 : vector<1x16xf32> to vector<16xf32>
          %mul3A_410 = arith.mulf %get3A_405, %get3A_409 : vector<16xf32>
          %get3A_411 = arith.index_cast %add3A_344 : i32 to index
          %get3A_412 = arith.constant 112 : index
          %get3A_413 = tpu.vector_load %arg8[%get3A_411, %get3A_412] {strides = array<i32>} : memref<160x128xf32, #tpu.memory_space<vmem>>, vector<1x16xf32>,
          %get3A_414 = vector.shape_cast %get3A_413 : vector<1x16xf32> to vector<16xf32>
          %add3A_415 = arith.addf %mul3A_410, %get3A_414 : vector<16xf32>
          %swap3A_416 = arith.index_cast %add3A_344 : i32 to index
          %swap3A_417 = arith.constant 48 : index
          %swap3A_418 = tpu.vector_load %arg10[%swap3A_416, %swap3A_417] {strides = array<i32>} : memref<160x64xf32, #tpu.memory_space<vmem>>, vector<1x16xf32>,
          %swap3A_419 = vector.shape_cast %swap3A_418 : vector<1x16xf32> to vector<16xf32>
          %swap3A_420 = vector.shape_cast %add3A_415 : vector<16xf32> to vector<1x16xf32>
          tpu.vector_store %arg10[%swap3A_416, %swap3A_417], %swap3A_420 {strides = array<i32>} : memref<160x64xf32, #tpu.memory_space<vmem>>, vector<1x16xf32>,
          %mul3A_421 = arith.constant 8 : i32
          %mul3A_422 = arith.muli %scan3A_102, %mul3A_421 : i32
          %add3A_423 = arith.constant 4 : i32
          %add3A_424 = arith.addi %mul3A_422, %add3A_423 : i32
          %get3A_425 = arith.index_cast %add3A_424 : i32 to index
          %get3A_426 = arith.constant 0 : index
          %get3A_427 = tpu.vector_load %arg6[%get3A_425, %get3A_426] {strides = array<i32>} : memref<160x64xf32, #tpu.memory_space<vmem>>, vector<1x16xf32>,
          %get3A_428 = vector.shape_cast %get3A_427 : vector<1x16xf32> to vector<16xf32>
          %get3A_429 = arith.index_cast %add3A_424 : i32 to index
          %get3A_430 = arith.constant 0 : index
          %get3A_431 = tpu.vector_load %arg8[%get3A_429, %get3A_430] {strides = array<i32>} : memref<160x128xf32, #tpu.memory_space<vmem>>, vector<1x16xf32>,
          %get3A_432 = vector.shape_cast %get3A_431 : vector<1x16xf32> to vector<16xf32>
          %mul3A_433 = arith.mulf %get3A_428, %get3A_432 : vector<16xf32>
          %get3A_434 = arith.index_cast %add3A_424 : i32 to index
          %get3A_435 = arith.constant 64 : index
          %get3A_436 = tpu.vector_load %arg8[%get3A_434, %get3A_435] {strides = array<i32>} : memref<160x128xf32, #tpu.memory_space<vmem>>, vector<1x16xf32>,
          %get3A_437 = vector.shape_cast %get3A_436 : vector<1x16xf32> to vector<16xf32>
          %add3A_438 = arith.addf %mul3A_433, %get3A_437 : vector<16xf32>
          %swap3A_439 = arith.index_cast %add3A_424 : i32 to index
          %swap3A_440 = arith.constant 0 : index
          %swap3A_441 = tpu.vector_load %arg10[%swap3A_439, %swap3A_440] {strides = array<i32>} : memref<160x64xf32, #tpu.memory_space<vmem>>, vector<1x16xf32>,
          %swap3A_442 = vector.shape_cast %swap3A_441 : vector<1x16xf32> to vector<16xf32>
          %swap3A_443 = vector.shape_cast %add3A_438 : vector<16xf32> to vector<1x16xf32>
          tpu.vector_store %arg10[%swap3A_439, %swap3A_440], %swap3A_443 {strides = array<i32>} : memref<160x64xf32, #tpu.memory_space<vmem>>, vector<1x16xf32>,
          %get3A_444 = arith.index_cast %add3A_424 : i32 to index
          %get3A_445 = arith.constant 16 : index
          %get3A_446 = tpu.vector_load %arg6[%get3A_444, %get3A_445] {strides = array<i32>} : memref<160x64xf32, #tpu.memory_space<vmem>>, vector<1x16xf32>,
          %get3A_447 = vector.shape_cast %get3A_446 : vector<1x16xf32> to vector<16xf32>
          %get3A_448 = arith.index_cast %add3A_424 : i32 to index
          %get3A_449 = arith.constant 16 : index
          %get3A_450 = tpu.vector_load %arg8[%get3A_448, %get3A_449] {strides = array<i32>} : memref<160x128xf32, #tpu.memory_space<vmem>>, vector<1x16xf32>,
          %get3A_451 = vector.shape_cast %get3A_450 : vector<1x16xf32> to vector<16xf32>
          %mul3A_452 = arith.mulf %get3A_447, %get3A_451 : vector<16xf32>
          %get3A_453 = arith.index_cast %add3A_424 : i32 to index
          %get3A_454 = arith.constant 80 : index
          %get3A_455 = tpu.vector_load %arg8[%get3A_453, %get3A_454] {strides = array<i32>} : memref<160x128xf32, #tpu.memory_space<vmem>>, vector<1x16xf32>,
          %get3A_456 = vector.shape_cast %get3A_455 : vector<1x16xf32> to vector<16xf32>
          %add3A_457 = arith.addf %mul3A_452, %get3A_456 : vector<16xf32>
          %swap3A_458 = arith.index_cast %add3A_424 : i32 to index
          %swap3A_459 = arith.constant 16 : index
          %swap3A_460 = tpu.vector_load %arg10[%swap3A_458, %swap3A_459] {strides = array<i32>} : memref<160x64xf32, #tpu.memory_space<vmem>>, vector<1x16xf32>,
          %swap3A_461 = vector.shape_cast %swap3A_460 : vector<1x16xf32> to vector<16xf32>
          %swap3A_462 = vector.shape_cast %add3A_457 : vector<16xf32> to vector<1x16xf32>
          tpu.vector_store %arg10[%swap3A_458, %swap3A_459], %swap3A_462 {strides = array<i32>} : memref<160x64xf32, #tpu.memory_space<vmem>>, vector<1x16xf32>,
          %get3A_463 = arith.index_cast %add3A_424 : i32 to index
          %get3A_464 = arith.constant 32 : index
          %get3A_465 = tpu.vector_load %arg6[%get3A_463, %get3A_464] {strides = array<i32>} : memref<160x64xf32, #tpu.memory_space<vmem>>, vector<1x16xf32>,
          %get3A_466 = vector.shape_cast %get3A_465 : vector<1x16xf32> to vector<16xf32>
          %get3A_467 = arith.index_cast %add3A_424 : i32 to index
          %get3A_468 = arith.constant 32 : index
          %get3A_469 = tpu.vector_load %arg8[%get3A_467, %get3A_468] {strides = array<i32>} : memref<160x128xf32, #tpu.memory_space<vmem>>, vector<1x16xf32>,
          %get3A_470 = vector.shape_cast %get3A_469 : vector<1x16xf32> to vector<16xf32>
          %mul3A_471 = arith.mulf %get3A_466, %get3A_470 : vector<16xf32>
          %get3A_472 = arith.index_cast %add3A_424 : i32 to index
          %get3A_473 = arith.constant 96 : index
          %get3A_474 = tpu.vector_load %arg8[%get3A_472, %get3A_473] {strides = array<i32>} : memref<160x128xf32, #tpu.memory_space<vmem>>, vector<1x16xf32>,
          %get3A_475 = vector.shape_cast %get3A_474 : vector<1x16xf32> to vector<16xf32>
          %add3A_476 = arith.addf %mul3A_471, %get3A_475 : vector<16xf32>
          %swap3A_477 = arith.index_cast %add3A_424 : i32 to index
          %swap3A_478 = arith.constant 32 : index
          %swap3A_479 = tpu.vector_load %arg10[%swap3A_477, %swap3A_478] {strides = array<i32>} : memref<160x64xf32, #tpu.memory_space<vmem>>, vector<1x16xf32>,
          %swap3A_480 = vector.shape_cast %swap3A_479 : vector<1x16xf32> to vector<16xf32>
          %swap3A_481 = vector.shape_cast %add3A_476 : vector<16xf32> to vector<1x16xf32>
          tpu.vector_store %arg10[%swap3A_477, %swap3A_478], %swap3A_481 {strides = array<i32>} : memref<160x64xf32, #tpu.memory_space<vmem>>, vector<1x16xf32>,
          %get3A_482 = arith.index_cast %add3A_424 : i32 to index
          %get3A_483 = arith.constant 48 : index
          %get3A_484 = tpu.vector_load %arg6[%get3A_482, %get3A_483] {strides = array<i32>} : memref<160x64xf32, #tpu.memory_space<vmem>>, vector<1x16xf32>,
          %get3A_485 = vector.shape_cast %get3A_484 : vector<1x16xf32> to vector<16xf32>
          %get3A_486 = arith.index_cast %add3A_424 : i32 to index
          %get3A_487 = arith.constant 48 : index
          %get3A_488 = tpu.vector_load %arg8[%get3A_486, %get3A_487] {strides = array<i32>} : memref<160x128xf32, #tpu.memory_space<vmem>>, vector<1x16xf32>,
          %get3A_489 = vector.shape_cast %get3A_488 : vector<1x16xf32> to vector<16xf32>
          %mul3A_490 = arith.mulf %get3A_485, %get3A_489 : vector<16xf32>
          %get3A_491 = arith.index_cast %add3A_424 : i32 to index
          %get3A_492 = arith.constant 112 : index
          %get3A_493 = tpu.vector_load %arg8[%get3A_491, %get3A_492] {strides = array<i32>} : memref<160x128xf32, #tpu.memory_space<vmem>>, vector<1x16xf32>,
          %get3A_494 = vector.shape_cast %get3A_493 : vector<1x16xf32> to vector<16xf32>
          %add3A_495 = arith.addf %mul3A_490, %get3A_494 : vector<16xf32>
          %swap3A_496 = arith.index_cast %add3A_424 : i32 to index
          %swap3A_497 = arith.constant 48 : index
          %swap3A_498 = tpu.vector_load %arg10[%swap3A_496, %swap3A_497] {strides = array<i32>} : memref<160x64xf32, #tpu.memory_space<vmem>>, vector<1x16xf32>,
          %swap3A_499 = vector.shape_cast %swap3A_498 : vector<1x16xf32> to vector<16xf32>
          %swap3A_500 = vector.shape_cast %add3A_495 : vector<16xf32> to vector<1x16xf32>
          tpu.vector_store %arg10[%swap3A_496, %swap3A_497], %swap3A_500 {strides = array<i32>} : memref<160x64xf32, #tpu.memory_space<vmem>>, vector<1x16xf32>,
          %mul3A_501 = arith.constant 8 : i32
          %mul3A_502 = arith.muli %scan3A_102, %mul3A_501 : i32
          %add3A_503 = arith.constant 5 : i32
          %add3A_504 = arith.addi %mul3A_502, %add3A_503 : i32
          %get3A_505 = arith.index_cast %add3A_504 : i32 to index
          %get3A_506 = arith.constant 0 : index
          %get3A_507 = tpu.vector_load %arg6[%get3A_505, %get3A_506] {strides = array<i32>} : memref<160x64xf32, #tpu.memory_space<vmem>>, vector<1x16xf32>,
          %get3A_508 = vector.shape_cast %get3A_507 : vector<1x16xf32> to vector<16xf32>
          %get3A_509 = arith.index_cast %add3A_504 : i32 to index
          %get3A_510 = arith.constant 0 : index
          %get3A_511 = tpu.vector_load %arg8[%get3A_509, %get3A_510] {strides = array<i32>} : memref<160x128xf32, #tpu.memory_space<vmem>>, vector<1x16xf32>,
          %get3A_512 = vector.shape_cast %get3A_511 : vector<1x16xf32> to vector<16xf32>
          %mul3A_513 = arith.mulf %get3A_508, %get3A_512 : vector<16xf32>
          %get3A_514 = arith.index_cast %add3A_504 : i32 to index
          %get3A_515 = arith.constant 64 : index
          %get3A_516 = tpu.vector_load %arg8[%get3A_514, %get3A_515] {strides = array<i32>} : memref<160x128xf32, #tpu.memory_space<vmem>>, vector<1x16xf32>,
          %get3A_517 = vector.shape_cast %get3A_516 : vector<1x16xf32> to vector<16xf32>
          %add3A_518 = arith.addf %mul3A_513, %get3A_517 : vector<16xf32>
          %swap3A_519 = arith.index_cast %add3A_504 : i32 to index
          %swap3A_520 = arith.constant 0 : index
          %swap3A_521 = tpu.vector_load %arg10[%swap3A_519, %swap3A_520] {strides = array<i32>} : memref<160x64xf32, #tpu.memory_space<vmem>>, vector<1x16xf32>,
          %swap3A_522 = vector.shape_cast %swap3A_521 : vector<1x16xf32> to vector<16xf32>
          %swap3A_523 = vector.shape_cast %add3A_518 : vector<16xf32> to vector<1x16xf32>
          tpu.vector_store %arg10[%swap3A_519, %swap3A_520], %swap3A_523 {strides = array<i32>} : memref<160x64xf32, #tpu.memory_space<vmem>>, vector<1x16xf32>,
          %get3A_524 = arith.index_cast %add3A_504 : i32 to index
          %get3A_525 = arith.constant 16 : index
          %get3A_526 = tpu.vector_load %arg6[%get3A_524, %get3A_525] {strides = array<i32>} : memref<160x64xf32, #tpu.memory_space<vmem>>, vector<1x16xf32>,
          %get3A_527 = vector.shape_cast %get3A_526 : vector<1x16xf32> to vector<16xf32>
          %get3A_528 = arith.index_cast %add3A_504 : i32 to index
          %get3A_529 = arith.constant 16 : index
          %get3A_530 = tpu.vector_load %arg8[%get3A_528, %get3A_529] {strides = array<i32>} : memref<160x128xf32, #tpu.memory_space<vmem>>, vector<1x16xf32>,
          %get3A_531 = vector.shape_cast %get3A_530 : vector<1x16xf32> to vector<16xf32>
          %mul3A_532 = arith.mulf %get3A_527, %get3A_531 : vector<16xf32>
          %get3A_533 = arith.index_cast %add3A_504 : i32 to index
          %get3A_534 = arith.constant 80 : index
          %get3A_535 = tpu.vector_load %arg8[%get3A_533, %get3A_534] {strides = array<i32>} : memref<160x128xf32, #tpu.memory_space<vmem>>, vector<1x16xf32>,
          %get3A_536 = vector.shape_cast %get3A_535 : vector<1x16xf32> to vector<16xf32>
          %add3A_537 = arith.addf %mul3A_532, %get3A_536 : vector<16xf32>
          %swap3A_538 = arith.index_cast %add3A_504 : i32 to index
          %swap3A_539 = arith.constant 16 : index
          %swap3A_540 = tpu.vector_load %arg10[%swap3A_538, %swap3A_539] {strides = array<i32>} : memref<160x64xf32, #tpu.memory_space<vmem>>, vector<1x16xf32>,
          %swap3A_541 = vector.shape_cast %swap3A_540 : vector<1x16xf32> to vector<16xf32>
          %swap3A_542 = vector.shape_cast %add3A_537 : vector<16xf32> to vector<1x16xf32>
          tpu.vector_store %arg10[%swap3A_538, %swap3A_539], %swap3A_542 {strides = array<i32>} : memref<160x64xf32, #tpu.memory_space<vmem>>, vector<1x16xf32>,
          %get3A_543 = arith.index_cast %add3A_504 : i32 to index
          %get3A_544 = arith.constant 32 : index
          %get3A_545 = tpu.vector_load %arg6[%get3A_543, %get3A_544] {strides = array<i32>} : memref<160x64xf32, #tpu.memory_space<vmem>>, vector<1x16xf32>,
          %get3A_546 = vector.shape_cast %get3A_545 : vector<1x16xf32> to vector<16xf32>
          %get3A_547 = arith.index_cast %add3A_504 : i32 to index
          %get3A_548 = arith.constant 32 : index
          %get3A_549 = tpu.vector_load %arg8[%get3A_547, %get3A_548] {strides = array<i32>} : memref<160x128xf32, #tpu.memory_space<vmem>>, vector<1x16xf32>,
          %get3A_550 = vector.shape_cast %get3A_549 : vector<1x16xf32> to vector<16xf32>
          %mul3A_551 = arith.mulf %get3A_546, %get3A_550 : vector<16xf32>
          %get3A_552 = arith.index_cast %add3A_504 : i32 to index
          %get3A_553 = arith.constant 96 : index
          %get3A_554 = tpu.vector_load %arg8[%get3A_552, %get3A_553] {strides = array<i32>} : memref<160x128xf32, #tpu.memory_space<vmem>>, vector<1x16xf32>,
          %get3A_555 = vector.shape_cast %get3A_554 : vector<1x16xf32> to vector<16xf32>
          %add3A_556 = arith.addf %mul3A_551, %get3A_555 : vector<16xf32>
          %swap3A_557 = arith.index_cast %add3A_504 : i32 to index
          %swap3A_558 = arith.constant 32 : index
          %swap3A_559 = tpu.vector_load %arg10[%swap3A_557, %swap3A_558] {strides = array<i32>} : memref<160x64xf32, #tpu.memory_space<vmem>>, vector<1x16xf32>,
          %swap3A_560 = vector.shape_cast %swap3A_559 : vector<1x16xf32> to vector<16xf32>
          %swap3A_561 = vector.shape_cast %add3A_556 : vector<16xf32> to vector<1x16xf32>
          tpu.vector_store %arg10[%swap3A_557, %swap3A_558], %swap3A_561 {strides = array<i32>} : memref<160x64xf32, #tpu.memory_space<vmem>>, vector<1x16xf32>,
          %get3A_562 = arith.index_cast %add3A_504 : i32 to index
          %get3A_563 = arith.constant 48 : index
          %get3A_564 = tpu.vector_load %arg6[%get3A_562, %get3A_563] {strides = array<i32>} : memref<160x64xf32, #tpu.memory_space<vmem>>, vector<1x16xf32>,
          %get3A_565 = vector.shape_cast %get3A_564 : vector<1x16xf32> to vector<16xf32>
          %get3A_566 = arith.index_cast %add3A_504 : i32 to index
          %get3A_567 = arith.constant 48 : index
          %get3A_568 = tpu.vector_load %arg8[%get3A_566, %get3A_567] {strides = array<i32>} : memref<160x128xf32, #tpu.memory_space<vmem>>, vector<1x16xf32>,
          %get3A_569 = vector.shape_cast %get3A_568 : vector<1x16xf32> to vector<16xf32>
          %mul3A_570 = arith.mulf %get3A_565, %get3A_569 : vector<16xf32>
          %get3A_571 = arith.index_cast %add3A_504 : i32 to index
          %get3A_572 = arith.constant 112 : index
          %get3A_573 = tpu.vector_load %arg8[%get3A_571, %get3A_572] {strides = array<i32>} : memref<160x128xf32, #tpu.memory_space<vmem>>, vector<1x16xf32>,
          %get3A_574 = vector.shape_cast %get3A_573 : vector<1x16xf32> to vector<16xf32>
          %add3A_575 = arith.addf %mul3A_570, %get3A_574 : vector<16xf32>
          %swap3A_576 = arith.index_cast %add3A_504 : i32 to index
          %swap3A_577 = arith.constant 48 : index
          %swap3A_578 = tpu.vector_load %arg10[%swap3A_576, %swap3A_577] {strides = array<i32>} : memref<160x64xf32, #tpu.memory_space<vmem>>, vector<1x16xf32>,
          %swap3A_579 = vector.shape_cast %swap3A_578 : vector<1x16xf32> to vector<16xf32>
          %swap3A_580 = vector.shape_cast %add3A_575 : vector<16xf32> to vector<1x16xf32>
          tpu.vector_store %arg10[%swap3A_576, %swap3A_577], %swap3A_580 {strides = array<i32>} : memref<160x64xf32, #tpu.memory_space<vmem>>, vector<1x16xf32>,
          %mul3A_581 = arith.constant 8 : i32
          %mul3A_582 = arith.muli %scan3A_102, %mul3A_581 : i32
          %add3A_583 = arith.constant 6 : i32
          %add3A_584 = arith.addi %mul3A_582, %add3A_583 : i32
          %get3A_585 = arith.index_cast %add3A_584 : i32 to index
          %get3A_586 = arith.constant 0 : index
          %get3A_587 = tpu.vector_load %arg6[%get3A_585, %get3A_586] {strides = array<i32>} : memref<160x64xf32, #tpu.memory_space<vmem>>, vector<1x16xf32>,
          %get3A_588 = vector.shape_cast %get3A_587 : vector<1x16xf32> to vector<16xf32>
          %get3A_589 = arith.index_cast %add3A_584 : i32 to index
          %get3A_590 = arith.constant 0 : index
          %get3A_591 = tpu.vector_load %arg8[%get3A_589, %get3A_590] {strides = array<i32>} : memref<160x128xf32, #tpu.memory_space<vmem>>, vector<1x16xf32>,
          %get3A_592 = vector.shape_cast %get3A_591 : vector<1x16xf32> to vector<16xf32>
          %mul3A_593 = arith.mulf %get3A_588, %get3A_592 : vector<16xf32>
          %get3A_594 = arith.index_cast %add3A_584 : i32 to index
          %get3A_595 = arith.constant 64 : index
          %get3A_596 = tpu.vector_load %arg8[%get3A_594, %get3A_595] {strides = array<i32>} : memref<160x128xf32, #tpu.memory_space<vmem>>, vector<1x16xf32>,
          %get3A_597 = vector.shape_cast %get3A_596 : vector<1x16xf32> to vector<16xf32>
          %add3A_598 = arith.addf %mul3A_593, %get3A_597 : vector<16xf32>
          %swap3A_599 = arith.index_cast %add3A_584 : i32 to index
          %swap3A_600 = arith.constant 0 : index
          %swap3A_601 = tpu.vector_load %arg10[%swap3A_599, %swap3A_600] {strides = array<i32>} : memref<160x64xf32, #tpu.memory_space<vmem>>, vector<1x16xf32>,
          %swap3A_602 = vector.shape_cast %swap3A_601 : vector<1x16xf32> to vector<16xf32>
          %swap3A_603 = vector.shape_cast %add3A_598 : vector<16xf32> to vector<1x16xf32>
          tpu.vector_store %arg10[%swap3A_599, %swap3A_600], %swap3A_603 {strides = array<i32>} : memref<160x64xf32, #tpu.memory_space<vmem>>, vector<1x16xf32>,
          %get3A_604 = arith.index_cast %add3A_584 : i32 to index
          %get3A_605 = arith.constant 16 : index
          %get3A_606 = tpu.vector_load %arg6[%get3A_604, %get3A_605] {strides = array<i32>} : memref<160x64xf32, #tpu.memory_space<vmem>>, vector<1x16xf32>,
          %get3A_607 = vector.shape_cast %get3A_606 : vector<1x16xf32> to vector<16xf32>
          %get3A_608 = arith.index_cast %add3A_584 : i32 to index
          %get3A_609 = arith.constant 16 : index
          %get3A_610 = tpu.vector_load %arg8[%get3A_608, %get3A_609] {strides = array<i32>} : memref<160x128xf32, #tpu.memory_space<vmem>>, vector<1x16xf32>,
          %get3A_611 = vector.shape_cast %get3A_610 : vector<1x16xf32> to vector<16xf32>
          %mul3A_612 = arith.mulf %get3A_607, %get3A_611 : vector<16xf32>
          %get3A_613 = arith.index_cast %add3A_584 : i32 to index
          %get3A_614 = arith.constant 80 : index
          %get3A_615 = tpu.vector_load %arg8[%get3A_613, %get3A_614] {strides = array<i32>} : memref<160x128xf32, #tpu.memory_space<vmem>>, vector<1x16xf32>,
          %get3A_616 = vector.shape_cast %get3A_615 : vector<1x16xf32> to vector<16xf32>
          %add3A_617 = arith.addf %mul3A_612, %get3A_616 : vector<16xf32>
          %swap3A_618 = arith.index_cast %add3A_584 : i32 to index
          %swap3A_619 = arith.constant 16 : index
          %swap3A_620 = tpu.vector_load %arg10[%swap3A_618, %swap3A_619] {strides = array<i32>} : memref<160x64xf32, #tpu.memory_space<vmem>>, vector<1x16xf32>,
          %swap3A_621 = vector.shape_cast %swap3A_620 : vector<1x16xf32> to vector<16xf32>
          %swap3A_622 = vector.shape_cast %add3A_617 : vector<16xf32> to vector<1x16xf32>
          tpu.vector_store %arg10[%swap3A_618, %swap3A_619], %swap3A_622 {strides = array<i32>} : memref<160x64xf32, #tpu.memory_space<vmem>>, vector<1x16xf32>,
          %get3A_623 = arith.index_cast %add3A_584 : i32 to index
          %get3A_624 = arith.constant 32 : index
          %get3A_625 = tpu.vector_load %arg6[%get3A_623, %get3A_624] {strides = array<i32>} : memref<160x64xf32, #tpu.memory_space<vmem>>, vector<1x16xf32>,
          %get3A_626 = vector.shape_cast %get3A_625 : vector<1x16xf32> to vector<16xf32>
          %get3A_627 = arith.index_cast %add3A_584 : i32 to index
          %get3A_628 = arith.constant 32 : index
          %get3A_629 = tpu.vector_load %arg8[%get3A_627, %get3A_628] {strides = array<i32>} : memref<160x128xf32, #tpu.memory_space<vmem>>, vector<1x16xf32>,
          %get3A_630 = vector.shape_cast %get3A_629 : vector<1x16xf32> to vector<16xf32>
          %mul3A_631 = arith.mulf %get3A_626, %get3A_630 : vector<16xf32>
          %get3A_632 = arith.index_cast %add3A_584 : i32 to index
          %get3A_633 = arith.constant 96 : index
          %get3A_634 = tpu.vector_load %arg8[%get3A_632, %get3A_633] {strides = array<i32>} : memref<160x128xf32, #tpu.memory_space<vmem>>, vector<1x16xf32>,
          %get3A_635 = vector.shape_cast %get3A_634 : vector<1x16xf32> to vector<16xf32>
          %add3A_636 = arith.addf %mul3A_631, %get3A_635 : vector<16xf32>
          %swap3A_637 = arith.index_cast %add3A_584 : i32 to index
          %swap3A_638 = arith.constant 32 : index
          %swap3A_639 = tpu.vector_load %arg10[%swap3A_637, %swap3A_638] {strides = array<i32>} : memref<160x64xf32, #tpu.memory_space<vmem>>, vector<1x16xf32>,
          %swap3A_640 = vector.shape_cast %swap3A_639 : vector<1x16xf32> to vector<16xf32>
          %swap3A_641 = vector.shape_cast %add3A_636 : vector<16xf32> to vector<1x16xf32>
          tpu.vector_store %arg10[%swap3A_637, %swap3A_638], %swap3A_641 {strides = array<i32>} : memref<160x64xf32, #tpu.memory_space<vmem>>, vector<1x16xf32>,
          %get3A_642 = arith.index_cast %add3A_584 : i32 to index
          %get3A_643 = arith.constant 48 : index
          %get3A_644 = tpu.vector_load %arg6[%get3A_642, %get3A_643] {strides = array<i32>} : memref<160x64xf32, #tpu.memory_space<vmem>>, vector<1x16xf32>,
          %get3A_645 = vector.shape_cast %get3A_644 : vector<1x16xf32> to vector<16xf32>
          %get3A_646 = arith.index_cast %add3A_584 : i32 to index
          %get3A_647 = arith.constant 48 : index
          %get3A_648 = tpu.vector_load %arg8[%get3A_646, %get3A_647] {strides = array<i32>} : memref<160x128xf32, #tpu.memory_space<vmem>>, vector<1x16xf32>,
          %get3A_649 = vector.shape_cast %get3A_648 : vector<1x16xf32> to vector<16xf32>
          %mul3A_650 = arith.mulf %get3A_645, %get3A_649 : vector<16xf32>
          %get3A_651 = arith.index_cast %add3A_584 : i32 to index
          %get3A_652 = arith.constant 112 : index
          %get3A_653 = tpu.vector_load %arg8[%get3A_651, %get3A_652] {strides = array<i32>} : memref<160x128xf32, #tpu.memory_space<vmem>>, vector<1x16xf32>,
          %get3A_654 = vector.shape_cast %get3A_653 : vector<1x16xf32> to vector<16xf32>
          %add3A_655 = arith.addf %mul3A_650, %get3A_654 : vector<16xf32>
          %swap3A_656 = arith.index_cast %add3A_584 : i32 to index
          %swap3A_657 = arith.constant 48 : index
          %swap3A_658 = tpu.vector_load %arg10[%swap3A_656, %swap3A_657] {strides = array<i32>} : memref<160x64xf32, #tpu.memory_space<vmem>>, vector<1x16xf32>,
          %swap3A_659 = vector.shape_cast %swap3A_658 : vector<1x16xf32> to vector<16xf32>
          %swap3A_660 = vector.shape_cast %add3A_655 : vector<16xf32> to vector<1x16xf32>
          tpu.vector_store %arg10[%swap3A_656, %swap3A_657], %swap3A_660 {strides = array<i32>} : memref<160x64xf32, #tpu.memory_space<vmem>>, vector<1x16xf32>,
          %mul3A_661 = arith.constant 8 : i32
          %mul3A_662 = arith.muli %scan3A_102, %mul3A_661 : i32
          %add3A_663 = arith.constant 7 : i32
          %add3A_664 = arith.addi %mul3A_662, %add3A_663 : i32
          %get3A_665 = arith.index_cast %add3A_664 : i32 to index
          %get3A_666 = arith.constant 0 : index
          %get3A_667 = tpu.vector_load %arg6[%get3A_665, %get3A_666] {strides = array<i32>} : memref<160x64xf32, #tpu.memory_space<vmem>>, vector<1x16xf32>,
          %get3A_668 = vector.shape_cast %get3A_667 : vector<1x16xf32> to vector<16xf32>
          %get3A_669 = arith.index_cast %add3A_664 : i32 to index
          %get3A_670 = arith.constant 0 : index
          %get3A_671 = tpu.vector_load %arg8[%get3A_669, %get3A_670] {strides = array<i32>} : memref<160x128xf32, #tpu.memory_space<vmem>>, vector<1x16xf32>,
          %get3A_672 = vector.shape_cast %get3A_671 : vector<1x16xf32> to vector<16xf32>
          %mul3A_673 = arith.mulf %get3A_668, %get3A_672 : vector<16xf32>
          %get3A_674 = arith.index_cast %add3A_664 : i32 to index
          %get3A_675 = arith.constant 64 : index
          %get3A_676 = tpu.vector_load %arg8[%get3A_674, %get3A_675] {strides = array<i32>} : memref<160x128xf32, #tpu.memory_space<vmem>>, vector<1x16xf32>,
          %get3A_677 = vector.shape_cast %get3A_676 : vector<1x16xf32> to vector<16xf32>
          %add3A_678 = arith.addf %mul3A_673, %get3A_677 : vector<16xf32>
          %swap3A_679 = arith.index_cast %add3A_664 : i32 to index
          %swap3A_680 = arith.constant 0 : index
          %swap3A_681 = tpu.vector_load %arg10[%swap3A_679, %swap3A_680] {strides = array<i32>} : memref<160x64xf32, #tpu.memory_space<vmem>>, vector<1x16xf32>,
          %swap3A_682 = vector.shape_cast %swap3A_681 : vector<1x16xf32> to vector<16xf32>
          %swap3A_683 = vector.shape_cast %add3A_678 : vector<16xf32> to vector<1x16xf32>
          tpu.vector_store %arg10[%swap3A_679, %swap3A_680], %swap3A_683 {strides = array<i32>} : memref<160x64xf32, #tpu.memory_space<vmem>>, vector<1x16xf32>,
          %get3A_684 = arith.index_cast %add3A_664 : i32 to index
          %get3A_685 = arith.constant 16 : index
          %get3A_686 = tpu.vector_load %arg6[%get3A_684, %get3A_685] {strides = array<i32>} : memref<160x64xf32, #tpu.memory_space<vmem>>, vector<1x16xf32>,
          %get3A_687 = vector.shape_cast %get3A_686 : vector<1x16xf32> to vector<16xf32>
          %get3A_688 = arith.index_cast %add3A_664 : i32 to index
          %get3A_689 = arith.constant 16 : index
          %get3A_690 = tpu.vector_load %arg8[%get3A_688, %get3A_689] {strides = array<i32>} : memref<160x128xf32, #tpu.memory_space<vmem>>, vector<1x16xf32>,
          %get3A_691 = vector.shape_cast %get3A_690 : vector<1x16xf32> to vector<16xf32>
          %mul3A_692 = arith.mulf %get3A_687, %get3A_691 : vector<16xf32>
          %get3A_693 = arith.index_cast %add3A_664 : i32 to index
          %get3A_694 = arith.constant 80 : index
          %get3A_695 = tpu.vector_load %arg8[%get3A_693, %get3A_694] {strides = array<i32>} : memref<160x128xf32, #tpu.memory_space<vmem>>, vector<1x16xf32>,
          %get3A_696 = vector.shape_cast %get3A_695 : vector<1x16xf32> to vector<16xf32>
          %add3A_697 = arith.addf %mul3A_692, %get3A_696 : vector<16xf32>
          %swap3A_698 = arith.index_cast %add3A_664 : i32 to index
          %swap3A_699 = arith.constant 16 : index
          %swap3A_700 = tpu.vector_load %arg10[%swap3A_698, %swap3A_699] {strides = array<i32>} : memref<160x64xf32, #tpu.memory_space<vmem>>, vector<1x16xf32>,
          %swap3A_701 = vector.shape_cast %swap3A_700 : vector<1x16xf32> to vector<16xf32>
          %swap3A_702 = vector.shape_cast %add3A_697 : vector<16xf32> to vector<1x16xf32>
          tpu.vector_store %arg10[%swap3A_698, %swap3A_699], %swap3A_702 {strides = array<i32>} : memref<160x64xf32, #tpu.memory_space<vmem>>, vector<1x16xf32>,
          %get3A_703 = arith.index_cast %add3A_664 : i32 to index
          %get3A_704 = arith.constant 32 : index
          %get3A_705 = tpu.vector_load %arg6[%get3A_703, %get3A_704] {strides = array<i32>} : memref<160x64xf32, #tpu.memory_space<vmem>>, vector<1x16xf32>,
          %get3A_706 = vector.shape_cast %get3A_705 : vector<1x16xf32> to vector<16xf32>
          %get3A_707 = arith.index_cast %add3A_664 : i32 to index
          %get3A_708 = arith.constant 32 : index
          %get3A_709 = tpu.vector_load %arg8[%get3A_707, %get3A_708] {strides = array<i32>} : memref<160x128xf32, #tpu.memory_space<vmem>>, vector<1x16xf32>,
          %get3A_710 = vector.shape_cast %get3A_709 : vector<1x16xf32> to vector<16xf32>
          %mul3A_711 = arith.mulf %get3A_706, %get3A_710 : vector<16xf32>
          %get3A_712 = arith.index_cast %add3A_664 : i32 to index
          %get3A_713 = arith.constant 96 : index
          %get3A_714 = tpu.vector_load %arg8[%get3A_712, %get3A_713] {strides = array<i32>} : memref<160x128xf32, #tpu.memory_space<vmem>>, vector<1x16xf32>,
          %get3A_715 = vector.shape_cast %get3A_714 : vector<1x16xf32> to vector<16xf32>
          %add3A_716 = arith.addf %mul3A_711, %get3A_715 : vector<16xf32>
          %swap3A_717 = arith.index_cast %add3A_664 : i32 to index
          %swap3A_718 = arith.constant 32 : index
          %swap3A_719 = tpu.vector_load %arg10[%swap3A_717, %swap3A_718] {strides = array<i32>} : memref<160x64xf32, #tpu.memory_space<vmem>>, vector<1x16xf32>,
          %swap3A_720 = vector.shape_cast %swap3A_719 : vector<1x16xf32> to vector<16xf32>
          %swap3A_721 = vector.shape_cast %add3A_716 : vector<16xf32> to vector<1x16xf32>
          tpu.vector_store %arg10[%swap3A_717, %swap3A_718], %swap3A_721 {strides = array<i32>} : memref<160x64xf32, #tpu.memory_space<vmem>>, vector<1x16xf32>,
          %get3A_722 = arith.index_cast %add3A_664 : i32 to index
          %get3A_723 = arith.constant 48 : index
          %get3A_724 = tpu.vector_load %arg6[%get3A_722, %get3A_723] {strides = array<i32>} : memref<160x64xf32, #tpu.memory_space<vmem>>, vector<1x16xf32>,
          %get3A_725 = vector.shape_cast %get3A_724 : vector<1x16xf32> to vector<16xf32>
          %get3A_726 = arith.index_cast %add3A_664 : i32 to index
          %get3A_727 = arith.constant 48 : index
          %get3A_728 = tpu.vector_load %arg8[%get3A_726, %get3A_727] {strides = array<i32>} : memref<160x128xf32, #tpu.memory_space<vmem>>, vector<1x16xf32>,
          %get3A_729 = vector.shape_cast %get3A_728 : vector<1x16xf32> to vector<16xf32>
          %mul3A_730 = arith.mulf %get3A_725, %get3A_729 : vector<16xf32>
          %get3A_731 = arith.index_cast %add3A_664 : i32 to index
          %get3A_732 = arith.constant 112 : index
          %get3A_733 = tpu.vector_load %arg8[%get3A_731, %get3A_732] {strides = array<i32>} : memref<160x128xf32, #tpu.memory_space<vmem>>, vector<1x16xf32>,
          %get3A_734 = vector.shape_cast %get3A_733 : vector<1x16xf32> to vector<16xf32>
          %add3A_735 = arith.addf %mul3A_730, %get3A_734 : vector<16xf32>
          %swap3A_736 = arith.index_cast %add3A_664 : i32 to index
          %swap3A_737 = arith.constant 48 : index
          %swap3A_738 = tpu.vector_load %arg10[%swap3A_736, %swap3A_737] {strides = array<i32>} : memref<160x64xf32, #tpu.memory_space<vmem>>, vector<1x16xf32>,
          %swap3A_739 = vector.shape_cast %swap3A_738 : vector<1x16xf32> to vector<16xf32>
          %swap3A_740 = vector.shape_cast %add3A_735 : vector<16xf32> to vector<1x16xf32>
          tpu.vector_store %arg10[%swap3A_736, %swap3A_737], %swap3A_740 {strides = array<i32>} : memref<160x64xf32, #tpu.memory_space<vmem>>, vector<1x16xf32>,
        }
        %scan3A_86 = arith.constant 20 : i32
        %mul3A_87 = arith.constant 32 : i32
        %mul3A_88 = arith.muli %add3A_56, %mul3A_87 : i32
        %add3A_89 = arith.addi %add3A, %mul3A_88 : i32
        %mul3A_90 = arith.constant 160 : i32
        %mul3A_91 = arith.muli %add3A_89, %mul3A_90 : i32
        %dma_start3A_92 = arith.constant 0 : i32
        %dma_start3A_93 = tpu.memref_slice %arg5[%mul3A_91, %dma_start3A_92] : memref<1000000x64xf32, #tpu.memory_space<hbm>> -> memref<160x64xf32, #tpu.memory_space<hbm>>
        %dma_start3A_94 = arith.constant 0 : i32
        %dma_start3A_95 = tpu.memref_slice %arg5[%mul3A_91, %dma_start3A_94] : memref<1000000x64xf32, #tpu.memory_space<hbm>> -> memref<160x64xf32, #tpu.memory_space<hbm>>
        tpu.enqueue_dma source(%arg10 : memref<160x64xf32, #tpu.memory_space<vmem>>) target(%dma_start3A_95 : memref<160x64xf32, #tpu.memory_space<hbm>>) target_semaphore(%arg20 : memref<!tpu.dma_semaphore, #tpu.memory_space<semaphore_mem>>)
        %add3A_96 = arith.constant 1 : i32
        %add3A_97 = arith.addi %add3A_56, %add3A_96 : i32
        %lt3A_98 = arith.cmpi slt, %add3A_97, %add3A_20 : i32
        %convert_element_type3A_99 = arith.extui %lt3A_98 : i1 to i32
        %cond3A_100 = arith.constant 0 : i32
        %cond3A_101 = arith.cmpi ne, %convert_element_type3A_99, %cond3A_100 : i32
        scf.if %cond3A_101 {
          %add3A_102 = arith.constant 1 : i32
          %add3A_103 = arith.addi %add3A_56, %add3A_102 : i32
          %mul3A_104 = arith.constant 32 : i32
          %mul3A_105 = arith.muli %add3A_103, %mul3A_104 : i32
          %add3A_106 = arith.addi %add3A, %mul3A_105 : i32
          %mul3A_107 = arith.constant 160 : i32
          %mul3A_108 = arith.muli %add3A_106, %mul3A_107 : i32
          %dma_wait3A_109 = tpu.memref_slice %arg3[%mul3A_108] : memref<1000000xi32, #tpu.memory_space<hbm>> -> memref<160xi32, #tpu.memory_space<hbm>>
          %dma_wait3A_110 = tpu.memref_slice %arg3[%mul3A_108] : memref<1000000xi32, #tpu.memory_space<hbm>> -> memref<160xi32, #tpu.memory_space<hbm>>
          tpu.wait_dma2 semaphore(%arg15 : memref<!tpu.dma_semaphore, #tpu.memory_space<semaphore_mem>>) src(%dma_wait3A_110 : memref<160xi32, #tpu.memory_space<hbm>>) dst(%arg13 : memref<160xi32, #tpu.memory_space<vmem>>)
          %ge3A = arith.constant 1 : i32
          %ge3A_111 = arith.cmpi sge, %add3A_56, %ge3A : i32
          %convert_element_type3A_112 = arith.extui %ge3A_111 : i1 to i32
          %cond3A_113 = arith.constant 0 : i32
          %cond3A_114 = arith.cmpi ne, %convert_element_type3A_112, %cond3A_113 : i32
          scf.if %cond3A_114 {
            %sub3A_126 = arith.constant 1 : i32
            %sub3A_127 = arith.subi %add3A_56, %sub3A_126 : i32
            %mul3A_128 = arith.constant 32 : i32
            %mul3A_129 = arith.muli %sub3A_127, %mul3A_128 : i32
            %add3A_130 = arith.addi %add3A, %mul3A_129 : i32
            %mul3A_131 = arith.constant 160 : i32
            %mul3A_132 = arith.muli %add3A_130, %mul3A_131 : i32
            %dma_wait3A_133 = arith.constant 0 : i32
            %dma_wait3A_134 = tpu.memref_slice %arg5[%mul3A_132, %dma_wait3A_133] : memref<1000000x64xf32, #tpu.memory_space<hbm>> -> memref<160x64xf32, #tpu.memory_space<hbm>>
            %dma_wait3A_135 = arith.constant 0 : i32
            %dma_wait3A_136 = tpu.memref_slice %arg5[%mul3A_132, %dma_wait3A_135] : memref<1000000x64xf32, #tpu.memory_space<hbm>> -> memref<160x64xf32, #tpu.memory_space<hbm>>
            tpu.wait_dma2 semaphore(%arg21 : memref<!tpu.dma_semaphore, #tpu.memory_space<semaphore_mem>>) src(%arg11 : memref<160x64xf32, #tpu.memory_space<vmem>>) dst(%dma_wait3A_136 : memref<160x64xf32, #tpu.memory_space<hbm>>)
          } else {
          }
          %add3A_115 = arith.constant 1 : i32
          %add3A_116 = arith.addi %add3A_56, %add3A_115 : i32
          %mul3A_117 = arith.constant 32 : i32
          %mul3A_118 = arith.muli %add3A_116, %mul3A_117 : i32
          %add3A_119 = arith.addi %add3A, %mul3A_118 : i32
          %mul3A_120 = arith.constant 160 : i32
          %mul3A_121 = arith.muli %add3A_119, %mul3A_120 : i32
          %dma_start3A_122 = arith.constant 0 : i32
          %dma_start3A_123 = tpu.memref_slice %arg2[%mul3A_121, %dma_start3A_122] : memref<1000000x64xf32, #tpu.memory_space<hbm>> -> memref<160x64xf32, #tpu.memory_space<hbm>>
          %dma_start3A_124 = arith.constant 0 : i32
          %dma_start3A_125 = tpu.memref_slice %arg2[%mul3A_121, %dma_start3A_124] : memref<1000000x64xf32, #tpu.memory_space<hbm>> -> memref<160x64xf32, #tpu.memory_space<hbm>>
          tpu.enqueue_dma source(%dma_start3A_125 : memref<160x64xf32, #tpu.memory_space<hbm>>) target(%arg7 : memref<160x64xf32, #tpu.memory_space<vmem>>) target_semaphore(%arg19 : memref<!tpu.dma_semaphore, #tpu.memory_space<semaphore_mem>>)
        } else {
        }
      } else {
      }
      %mul3A_58 = arith.constant 2 : i32
      %mul3A_59 = arith.muli %mul3A_58, %scan3A_52 : i32
      %add3A_60 = arith.constant 1 : i32
      %add3A_61 = arith.addi %mul3A_59, %add3A_60 : i32
      %lt3A_62 = arith.cmpi slt, %add3A_61, %add3A_20 : i32
      %convert_element_type3A_63 = arith.extui %lt3A_62 : i1 to i32
      %cond3A_64 = arith.constant 0 : i32
      %cond3A_65 = arith.cmpi ne, %convert_element_type3A_63, %cond3A_64 : i32
      scf.if %cond3A_65 {
        %add3A_66 = arith.constant 1 : i32
        %add3A_67 = arith.addi %add3A_61, %add3A_66 : i32
        %lt3A_68 = arith.cmpi slt, %add3A_67, %add3A_20 : i32
        %convert_element_type3A_69 = arith.extui %lt3A_68 : i1 to i32
        %cond3A_70 = arith.constant 0 : i32
        %cond3A_71 = arith.cmpi ne, %convert_element_type3A_69, %cond3A_70 : i32
        scf.if %cond3A_71 {
          %add3A_102 = arith.constant 1 : i32
          %add3A_103 = arith.addi %add3A_61, %add3A_102 : i32
          %mul3A_104 = arith.constant 32 : i32
          %mul3A_105 = arith.muli %add3A_103, %mul3A_104 : i32
          %add3A_106 = arith.addi %add3A, %mul3A_105 : i32
          %mul3A_107 = arith.constant 160 : i32
          %mul3A_108 = arith.muli %add3A_106, %mul3A_107 : i32
          %dma_start3A_109 = tpu.memref_slice %arg3[%mul3A_108] : memref<1000000xi32, #tpu.memory_space<hbm>> -> memref<160xi32, #tpu.memory_space<hbm>>
          %dma_start3A_110 = tpu.memref_slice %arg3[%mul3A_108] : memref<1000000xi32, #tpu.memory_space<hbm>> -> memref<160xi32, #tpu.memory_space<hbm>>
          tpu.enqueue_dma source(%dma_start3A_110 : memref<160xi32, #tpu.memory_space<hbm>>) target(%arg12 : memref<160xi32, #tpu.memory_space<vmem>>) target_semaphore(%arg14 : memref<!tpu.dma_semaphore, #tpu.memory_space<semaphore_mem>>)
        } else {
        }
        %mul3A_72 = arith.constant 32 : i32
        %mul3A_73 = arith.muli %add3A_61, %mul3A_72 : i32
        %add3A_74 = arith.addi %add3A, %mul3A_73 : i32
        %mul3A_75 = arith.constant 160 : i32
        %mul3A_76 = arith.muli %add3A_74, %mul3A_75 : i32
        %dma_wait3A_77 = arith.constant 0 : i32
        %dma_wait3A_78 = tpu.memref_slice %arg2[%mul3A_76, %dma_wait3A_77] : memref<1000000x64xf32, #tpu.memory_space<hbm>> -> memref<160x64xf32, #tpu.memory_space<hbm>>
        %dma_wait3A_79 = arith.constant 0 : i32
        %dma_wait3A_80 = tpu.memref_slice %arg2[%mul3A_76, %dma_wait3A_79] : memref<1000000x64xf32, #tpu.memory_space<hbm>> -> memref<160x64xf32, #tpu.memory_space<hbm>>
        tpu.wait_dma2 semaphore(%arg19 : memref<!tpu.dma_semaphore, #tpu.memory_space<semaphore_mem>>) src(%dma_wait3A_80 : memref<160x64xf32, #tpu.memory_space<hbm>>) dst(%arg7 : memref<160x64xf32, #tpu.memory_space<vmem>>)
        %scan3A_81 = arith.constant 0 : i32
        %scan3A_82 = arith.constant 0 : i32
        %scan3A_83 = arith.constant 20 : i32
        %scan3A_84 = arith.addi %scan3A_82, %scan3A_83 : i32
        %scan3A_85 = arith.constant 1 : i32
        scf.for %scan3A_102 = %scan3A_82 to %scan3A_84 step %scan3A_85  : i32 {
          %mul3A_103 = arith.constant 8 : i32
          %mul3A_104 = arith.muli %scan3A_102, %mul3A_103 : i32
          %add3A_105 = arith.constant 0 : i32
          %add3A_106 = arith.addi %mul3A_104, %add3A_105 : i32
          %get3A = arith.index_cast %add3A_106 : i32 to index
          %get3A_107 = arith.constant 0 : index
          %get3A_108 = tpu.vector_load %arg7[%get3A, %get3A_107] {strides = array<i32>} : memref<160x64xf32, #tpu.memory_space<vmem>>, vector<1x16xf32>,
          %get3A_109 = vector.shape_cast %get3A_108 : vector<1x16xf32> to vector<16xf32>
          %get3A_110 = arith.index_cast %add3A_106 : i32 to index
          %get3A_111 = arith.constant 0 : index
          %get3A_112 = tpu.vector_load %arg9[%get3A_110, %get3A_111] {strides = array<i32>} : memref<160x128xf32, #tpu.memory_space<vmem>>, vector<1x16xf32>,
          %get3A_113 = vector.shape_cast %get3A_112 : vector<1x16xf32> to vector<16xf32>
          %mul3A_114 = arith.mulf %get3A_109, %get3A_113 : vector<16xf32>
          %get3A_115 = arith.index_cast %add3A_106 : i32 to index
          %get3A_116 = arith.constant 64 : index
          %get3A_117 = tpu.vector_load %arg9[%get3A_115, %get3A_116] {strides = array<i32>} : memref<160x128xf32, #tpu.memory_space<vmem>>, vector<1x16xf32>,
          %get3A_118 = vector.shape_cast %get3A_117 : vector<1x16xf32> to vector<16xf32>
          %add3A_119 = arith.addf %mul3A_114, %get3A_118 : vector<16xf32>
          %swap3A = arith.index_cast %add3A_106 : i32 to index
          %swap3A_120 = arith.constant 0 : index
          %swap3A_121 = tpu.vector_load %arg11[%swap3A, %swap3A_120] {strides = array<i32>} : memref<160x64xf32, #tpu.memory_space<vmem>>, vector<1x16xf32>,
          %swap3A_122 = vector.shape_cast %swap3A_121 : vector<1x16xf32> to vector<16xf32>
          %swap3A_123 = vector.shape_cast %add3A_119 : vector<16xf32> to vector<1x16xf32>
          tpu.vector_store %arg11[%swap3A, %swap3A_120], %swap3A_123 {strides = array<i32>} : memref<160x64xf32, #tpu.memory_space<vmem>>, vector<1x16xf32>,
          %get3A_124 = arith.index_cast %add3A_106 : i32 to index
          %get3A_125 = arith.constant 16 : index
          %get3A_126 = tpu.vector_load %arg7[%get3A_124, %get3A_125] {strides = array<i32>} : memref<160x64xf32, #tpu.memory_space<vmem>>, vector<1x16xf32>,
          %get3A_127 = vector.shape_cast %get3A_126 : vector<1x16xf32> to vector<16xf32>
          %get3A_128 = arith.index_cast %add3A_106 : i32 to index
          %get3A_129 = arith.constant 16 : index
          %get3A_130 = tpu.vector_load %arg9[%get3A_128, %get3A_129] {strides = array<i32>} : memref<160x128xf32, #tpu.memory_space<vmem>>, vector<1x16xf32>,
          %get3A_131 = vector.shape_cast %get3A_130 : vector<1x16xf32> to vector<16xf32>
          %mul3A_132 = arith.mulf %get3A_127, %get3A_131 : vector<16xf32>
          %get3A_133 = arith.index_cast %add3A_106 : i32 to index
          %get3A_134 = arith.constant 80 : index
          %get3A_135 = tpu.vector_load %arg9[%get3A_133, %get3A_134] {strides = array<i32>} : memref<160x128xf32, #tpu.memory_space<vmem>>, vector<1x16xf32>,
          %get3A_136 = vector.shape_cast %get3A_135 : vector<1x16xf32> to vector<16xf32>
          %add3A_137 = arith.addf %mul3A_132, %get3A_136 : vector<16xf32>
          %swap3A_138 = arith.index_cast %add3A_106 : i32 to index
          %swap3A_139 = arith.constant 16 : index
          %swap3A_140 = tpu.vector_load %arg11[%swap3A_138, %swap3A_139] {strides = array<i32>} : memref<160x64xf32, #tpu.memory_space<vmem>>, vector<1x16xf32>,
          %swap3A_141 = vector.shape_cast %swap3A_140 : vector<1x16xf32> to vector<16xf32>
          %swap3A_142 = vector.shape_cast %add3A_137 : vector<16xf32> to vector<1x16xf32>
          tpu.vector_store %arg11[%swap3A_138, %swap3A_139], %swap3A_142 {strides = array<i32>} : memref<160x64xf32, #tpu.memory_space<vmem>>, vector<1x16xf32>,
          %get3A_143 = arith.index_cast %add3A_106 : i32 to index
          %get3A_144 = arith.constant 32 : index
          %get3A_145 = tpu.vector_load %arg7[%get3A_143, %get3A_144] {strides = array<i32>} : memref<160x64xf32, #tpu.memory_space<vmem>>, vector<1x16xf32>,
          %get3A_146 = vector.shape_cast %get3A_145 : vector<1x16xf32> to vector<16xf32>
          %get3A_147 = arith.index_cast %add3A_106 : i32 to index
          %get3A_148 = arith.constant 32 : index
          %get3A_149 = tpu.vector_load %arg9[%get3A_147, %get3A_148] {strides = array<i32>} : memref<160x128xf32, #tpu.memory_space<vmem>>, vector<1x16xf32>,
          %get3A_150 = vector.shape_cast %get3A_149 : vector<1x16xf32> to vector<16xf32>
          %mul3A_151 = arith.mulf %get3A_146, %get3A_150 : vector<16xf32>
          %get3A_152 = arith.index_cast %add3A_106 : i32 to index
          %get3A_153 = arith.constant 96 : index
          %get3A_154 = tpu.vector_load %arg9[%get3A_152, %get3A_153] {strides = array<i32>} : memref<160x128xf32, #tpu.memory_space<vmem>>, vector<1x16xf32>,
          %get3A_155 = vector.shape_cast %get3A_154 : vector<1x16xf32> to vector<16xf32>
          %add3A_156 = arith.addf %mul3A_151, %get3A_155 : vector<16xf32>
          %swap3A_157 = arith.index_cast %add3A_106 : i32 to index
          %swap3A_158 = arith.constant 32 : index
          %swap3A_159 = tpu.vector_load %arg11[%swap3A_157, %swap3A_158] {strides = array<i32>} : memref<160x64xf32, #tpu.memory_space<vmem>>, vector<1x16xf32>,
          %swap3A_160 = vector.shape_cast %swap3A_159 : vector<1x16xf32> to vector<16xf32>
          %swap3A_161 = vector.shape_cast %add3A_156 : vector<16xf32> to vector<1x16xf32>
          tpu.vector_store %arg11[%swap3A_157, %swap3A_158], %swap3A_161 {strides = array<i32>} : memref<160x64xf32, #tpu.memory_space<vmem>>, vector<1x16xf32>,
          %get3A_162 = arith.index_cast %add3A_106 : i32 to index
          %get3A_163 = arith.constant 48 : index
          %get3A_164 = tpu.vector_load %arg7[%get3A_162, %get3A_163] {strides = array<i32>} : memref<160x64xf32, #tpu.memory_space<vmem>>, vector<1x16xf32>,
          %get3A_165 = vector.shape_cast %get3A_164 : vector<1x16xf32> to vector<16xf32>
          %get3A_166 = arith.index_cast %add3A_106 : i32 to index
          %get3A_167 = arith.constant 48 : index
          %get3A_168 = tpu.vector_load %arg9[%get3A_166, %get3A_167] {strides = array<i32>} : memref<160x128xf32, #tpu.memory_space<vmem>>, vector<1x16xf32>,
          %get3A_169 = vector.shape_cast %get3A_168 : vector<1x16xf32> to vector<16xf32>
          %mul3A_170 = arith.mulf %get3A_165, %get3A_169 : vector<16xf32>
          %get3A_171 = arith.index_cast %add3A_106 : i32 to index
          %get3A_172 = arith.constant 112 : index
          %get3A_173 = tpu.vector_load %arg9[%get3A_171, %get3A_172] {strides = array<i32>} : memref<160x128xf32, #tpu.memory_space<vmem>>, vector<1x16xf32>,
          %get3A_174 = vector.shape_cast %get3A_173 : vector<1x16xf32> to vector<16xf32>
          %add3A_175 = arith.addf %mul3A_170, %get3A_174 : vector<16xf32>
          %swap3A_176 = arith.index_cast %add3A_106 : i32 to index
          %swap3A_177 = arith.constant 48 : index
          %swap3A_178 = tpu.vector_load %arg11[%swap3A_176, %swap3A_177] {strides = array<i32>} : memref<160x64xf32, #tpu.memory_space<vmem>>, vector<1x16xf32>,
          %swap3A_179 = vector.shape_cast %swap3A_178 : vector<1x16xf32> to vector<16xf32>
          %swap3A_180 = vector.shape_cast %add3A_175 : vector<16xf32> to vector<1x16xf32>
          tpu.vector_store %arg11[%swap3A_176, %swap3A_177], %swap3A_180 {strides = array<i32>} : memref<160x64xf32, #tpu.memory_space<vmem>>, vector<1x16xf32>,
          %mul3A_181 = arith.constant 8 : i32
          %mul3A_182 = arith.muli %scan3A_102, %mul3A_181 : i32
          %add3A_183 = arith.constant 1 : i32
          %add3A_184 = arith.addi %mul3A_182, %add3A_183 : i32
          %get3A_185 = arith.index_cast %add3A_184 : i32 to index
          %get3A_186 = arith.constant 0 : index
          %get3A_187 = tpu.vector_load %arg7[%get3A_185, %get3A_186] {strides = array<i32>} : memref<160x64xf32, #tpu.memory_space<vmem>>, vector<1x16xf32>,
          %get3A_188 = vector.shape_cast %get3A_187 : vector<1x16xf32> to vector<16xf32>
          %get3A_189 = arith.index_cast %add3A_184 : i32 to index
          %get3A_190 = arith.constant 0 : index
          %get3A_191 = tpu.vector_load %arg9[%get3A_189, %get3A_190] {strides = array<i32>} : memref<160x128xf32, #tpu.memory_space<vmem>>, vector<1x16xf32>,
          %get3A_192 = vector.shape_cast %get3A_191 : vector<1x16xf32> to vector<16xf32>
          %mul3A_193 = arith.mulf %get3A_188, %get3A_192 : vector<16xf32>
          %get3A_194 = arith.index_cast %add3A_184 : i32 to index
          %get3A_195 = arith.constant 64 : index
          %get3A_196 = tpu.vector_load %arg9[%get3A_194, %get3A_195] {strides = array<i32>} : memref<160x128xf32, #tpu.memory_space<vmem>>, vector<1x16xf32>,
          %get3A_197 = vector.shape_cast %get3A_196 : vector<1x16xf32> to vector<16xf32>
          %add3A_198 = arith.addf %mul3A_193, %get3A_197 : vector<16xf32>
          %swap3A_199 = arith.index_cast %add3A_184 : i32 to index
          %swap3A_200 = arith.constant 0 : index
          %swap3A_201 = tpu.vector_load %arg11[%swap3A_199, %swap3A_200] {strides = array<i32>} : memref<160x64xf32, #tpu.memory_space<vmem>>, vector<1x16xf32>,
          %swap3A_202 = vector.shape_cast %swap3A_201 : vector<1x16xf32> to vector<16xf32>
          %swap3A_203 = vector.shape_cast %add3A_198 : vector<16xf32> to vector<1x16xf32>
          tpu.vector_store %arg11[%swap3A_199, %swap3A_200], %swap3A_203 {strides = array<i32>} : memref<160x64xf32, #tpu.memory_space<vmem>>, vector<1x16xf32>,
          %get3A_204 = arith.index_cast %add3A_184 : i32 to index
          %get3A_205 = arith.constant 16 : index
          %get3A_206 = tpu.vector_load %arg7[%get3A_204, %get3A_205] {strides = array<i32>} : memref<160x64xf32, #tpu.memory_space<vmem>>, vector<1x16xf32>,
          %get3A_207 = vector.shape_cast %get3A_206 : vector<1x16xf32> to vector<16xf32>
          %get3A_208 = arith.index_cast %add3A_184 : i32 to index
          %get3A_209 = arith.constant 16 : index
          %get3A_210 = tpu.vector_load %arg9[%get3A_208, %get3A_209] {strides = array<i32>} : memref<160x128xf32, #tpu.memory_space<vmem>>, vector<1x16xf32>,
          %get3A_211 = vector.shape_cast %get3A_210 : vector<1x16xf32> to vector<16xf32>
          %mul3A_212 = arith.mulf %get3A_207, %get3A_211 : vector<16xf32>
          %get3A_213 = arith.index_cast %add3A_184 : i32 to index
          %get3A_214 = arith.constant 80 : index
          %get3A_215 = tpu.vector_load %arg9[%get3A_213, %get3A_214] {strides = array<i32>} : memref<160x128xf32, #tpu.memory_space<vmem>>, vector<1x16xf32>,
          %get3A_216 = vector.shape_cast %get3A_215 : vector<1x16xf32> to vector<16xf32>
          %add3A_217 = arith.addf %mul3A_212, %get3A_216 : vector<16xf32>
          %swap3A_218 = arith.index_cast %add3A_184 : i32 to index
          %swap3A_219 = arith.constant 16 : index
          %swap3A_220 = tpu.vector_load %arg11[%swap3A_218, %swap3A_219] {strides = array<i32>} : memref<160x64xf32, #tpu.memory_space<vmem>>, vector<1x16xf32>,
          %swap3A_221 = vector.shape_cast %swap3A_220 : vector<1x16xf32> to vector<16xf32>
          %swap3A_222 = vector.shape_cast %add3A_217 : vector<16xf32> to vector<1x16xf32>
          tpu.vector_store %arg11[%swap3A_218, %swap3A_219], %swap3A_222 {strides = array<i32>} : memref<160x64xf32, #tpu.memory_space<vmem>>, vector<1x16xf32>,
          %get3A_223 = arith.index_cast %add3A_184 : i32 to index
          %get3A_224 = arith.constant 32 : index
          %get3A_225 = tpu.vector_load %arg7[%get3A_223, %get3A_224] {strides = array<i32>} : memref<160x64xf32, #tpu.memory_space<vmem>>, vector<1x16xf32>,
          %get3A_226 = vector.shape_cast %get3A_225 : vector<1x16xf32> to vector<16xf32>
          %get3A_227 = arith.index_cast %add3A_184 : i32 to index
          %get3A_228 = arith.constant 32 : index
          %get3A_229 = tpu.vector_load %arg9[%get3A_227, %get3A_228] {strides = array<i32>} : memref<160x128xf32, #tpu.memory_space<vmem>>, vector<1x16xf32>,
          %get3A_230 = vector.shape_cast %get3A_229 : vector<1x16xf32> to vector<16xf32>
          %mul3A_231 = arith.mulf %get3A_226, %get3A_230 : vector<16xf32>
          %get3A_232 = arith.index_cast %add3A_184 : i32 to index
          %get3A_233 = arith.constant 96 : index
          %get3A_234 = tpu.vector_load %arg9[%get3A_232, %get3A_233] {strides = array<i32>} : memref<160x128xf32, #tpu.memory_space<vmem>>, vector<1x16xf32>,
          %get3A_235 = vector.shape_cast %get3A_234 : vector<1x16xf32> to vector<16xf32>
          %add3A_236 = arith.addf %mul3A_231, %get3A_235 : vector<16xf32>
          %swap3A_237 = arith.index_cast %add3A_184 : i32 to index
          %swap3A_238 = arith.constant 32 : index
          %swap3A_239 = tpu.vector_load %arg11[%swap3A_237, %swap3A_238] {strides = array<i32>} : memref<160x64xf32, #tpu.memory_space<vmem>>, vector<1x16xf32>,
          %swap3A_240 = vector.shape_cast %swap3A_239 : vector<1x16xf32> to vector<16xf32>
          %swap3A_241 = vector.shape_cast %add3A_236 : vector<16xf32> to vector<1x16xf32>
          tpu.vector_store %arg11[%swap3A_237, %swap3A_238], %swap3A_241 {strides = array<i32>} : memref<160x64xf32, #tpu.memory_space<vmem>>, vector<1x16xf32>,
          %get3A_242 = arith.index_cast %add3A_184 : i32 to index
          %get3A_243 = arith.constant 48 : index
          %get3A_244 = tpu.vector_load %arg7[%get3A_242, %get3A_243] {strides = array<i32>} : memref<160x64xf32, #tpu.memory_space<vmem>>, vector<1x16xf32>,
          %get3A_245 = vector.shape_cast %get3A_244 : vector<1x16xf32> to vector<16xf32>
          %get3A_246 = arith.index_cast %add3A_184 : i32 to index
          %get3A_247 = arith.constant 48 : index
          %get3A_248 = tpu.vector_load %arg9[%get3A_246, %get3A_247] {strides = array<i32>} : memref<160x128xf32, #tpu.memory_space<vmem>>, vector<1x16xf32>,
          %get3A_249 = vector.shape_cast %get3A_248 : vector<1x16xf32> to vector<16xf32>
          %mul3A_250 = arith.mulf %get3A_245, %get3A_249 : vector<16xf32>
          %get3A_251 = arith.index_cast %add3A_184 : i32 to index
          %get3A_252 = arith.constant 112 : index
          %get3A_253 = tpu.vector_load %arg9[%get3A_251, %get3A_252] {strides = array<i32>} : memref<160x128xf32, #tpu.memory_space<vmem>>, vector<1x16xf32>,
          %get3A_254 = vector.shape_cast %get3A_253 : vector<1x16xf32> to vector<16xf32>
          %add3A_255 = arith.addf %mul3A_250, %get3A_254 : vector<16xf32>
          %swap3A_256 = arith.index_cast %add3A_184 : i32 to index
          %swap3A_257 = arith.constant 48 : index
          %swap3A_258 = tpu.vector_load %arg11[%swap3A_256, %swap3A_257] {strides = array<i32>} : memref<160x64xf32, #tpu.memory_space<vmem>>, vector<1x16xf32>,
          %swap3A_259 = vector.shape_cast %swap3A_258 : vector<1x16xf32> to vector<16xf32>
          %swap3A_260 = vector.shape_cast %add3A_255 : vector<16xf32> to vector<1x16xf32>
          tpu.vector_store %arg11[%swap3A_256, %swap3A_257], %swap3A_260 {strides = array<i32>} : memref<160x64xf32, #tpu.memory_space<vmem>>, vector<1x16xf32>,
          %mul3A_261 = arith.constant 8 : i32
          %mul3A_262 = arith.muli %scan3A_102, %mul3A_261 : i32
          %add3A_263 = arith.constant 2 : i32
          %add3A_264 = arith.addi %mul3A_262, %add3A_263 : i32
          %get3A_265 = arith.index_cast %add3A_264 : i32 to index
          %get3A_266 = arith.constant 0 : index
          %get3A_267 = tpu.vector_load %arg7[%get3A_265, %get3A_266] {strides = array<i32>} : memref<160x64xf32, #tpu.memory_space<vmem>>, vector<1x16xf32>,
          %get3A_268 = vector.shape_cast %get3A_267 : vector<1x16xf32> to vector<16xf32>
          %get3A_269 = arith.index_cast %add3A_264 : i32 to index
          %get3A_270 = arith.constant 0 : index
          %get3A_271 = tpu.vector_load %arg9[%get3A_269, %get3A_270] {strides = array<i32>} : memref<160x128xf32, #tpu.memory_space<vmem>>, vector<1x16xf32>,
          %get3A_272 = vector.shape_cast %get3A_271 : vector<1x16xf32> to vector<16xf32>
          %mul3A_273 = arith.mulf %get3A_268, %get3A_272 : vector<16xf32>
          %get3A_274 = arith.index_cast %add3A_264 : i32 to index
          %get3A_275 = arith.constant 64 : index
          %get3A_276 = tpu.vector_load %arg9[%get3A_274, %get3A_275] {strides = array<i32>} : memref<160x128xf32, #tpu.memory_space<vmem>>, vector<1x16xf32>,
          %get3A_277 = vector.shape_cast %get3A_276 : vector<1x16xf32> to vector<16xf32>
          %add3A_278 = arith.addf %mul3A_273, %get3A_277 : vector<16xf32>
          %swap3A_279 = arith.index_cast %add3A_264 : i32 to index
          %swap3A_280 = arith.constant 0 : index
          %swap3A_281 = tpu.vector_load %arg11[%swap3A_279, %swap3A_280] {strides = array<i32>} : memref<160x64xf32, #tpu.memory_space<vmem>>, vector<1x16xf32>,
          %swap3A_282 = vector.shape_cast %swap3A_281 : vector<1x16xf32> to vector<16xf32>
          %swap3A_283 = vector.shape_cast %add3A_278 : vector<16xf32> to vector<1x16xf32>
          tpu.vector_store %arg11[%swap3A_279, %swap3A_280], %swap3A_283 {strides = array<i32>} : memref<160x64xf32, #tpu.memory_space<vmem>>, vector<1x16xf32>,
          %get3A_284 = arith.index_cast %add3A_264 : i32 to index
          %get3A_285 = arith.constant 16 : index
          %get3A_286 = tpu.vector_load %arg7[%get3A_284, %get3A_285] {strides = array<i32>} : memref<160x64xf32, #tpu.memory_space<vmem>>, vector<1x16xf32>,
          %get3A_287 = vector.shape_cast %get3A_286 : vector<1x16xf32> to vector<16xf32>
          %get3A_288 = arith.index_cast %add3A_264 : i32 to index
          %get3A_289 = arith.constant 16 : index
          %get3A_290 = tpu.vector_load %arg9[%get3A_288, %get3A_289] {strides = array<i32>} : memref<160x128xf32, #tpu.memory_space<vmem>>, vector<1x16xf32>,
          %get3A_291 = vector.shape_cast %get3A_290 : vector<1x16xf32> to vector<16xf32>
          %mul3A_292 = arith.mulf %get3A_287, %get3A_291 : vector<16xf32>
          %get3A_293 = arith.index_cast %add3A_264 : i32 to index
          %get3A_294 = arith.constant 80 : index
          %get3A_295 = tpu.vector_load %arg9[%get3A_293, %get3A_294] {strides = array<i32>} : memref<160x128xf32, #tpu.memory_space<vmem>>, vector<1x16xf32>,
          %get3A_296 = vector.shape_cast %get3A_295 : vector<1x16xf32> to vector<16xf32>
          %add3A_297 = arith.addf %mul3A_292, %get3A_296 : vector<16xf32>
          %swap3A_298 = arith.index_cast %add3A_264 : i32 to index
          %swap3A_299 = arith.constant 16 : index
          %swap3A_300 = tpu.vector_load %arg11[%swap3A_298, %swap3A_299] {strides = array<i32>} : memref<160x64xf32, #tpu.memory_space<vmem>>, vector<1x16xf32>,
          %swap3A_301 = vector.shape_cast %swap3A_300 : vector<1x16xf32> to vector<16xf32>
          %swap3A_302 = vector.shape_cast %add3A_297 : vector<16xf32> to vector<1x16xf32>
          tpu.vector_store %arg11[%swap3A_298, %swap3A_299], %swap3A_302 {strides = array<i32>} : memref<160x64xf32, #tpu.memory_space<vmem>>, vector<1x16xf32>,
          %get3A_303 = arith.index_cast %add3A_264 : i32 to index
          %get3A_304 = arith.constant 32 : index
          %get3A_305 = tpu.vector_load %arg7[%get3A_303, %get3A_304] {strides = array<i32>} : memref<160x64xf32, #tpu.memory_space<vmem>>, vector<1x16xf32>,
          %get3A_306 = vector.shape_cast %get3A_305 : vector<1x16xf32> to vector<16xf32>
          %get3A_307 = arith.index_cast %add3A_264 : i32 to index
          %get3A_308 = arith.constant 32 : index
          %get3A_309 = tpu.vector_load %arg9[%get3A_307, %get3A_308] {strides = array<i32>} : memref<160x128xf32, #tpu.memory_space<vmem>>, vector<1x16xf32>,
          %get3A_310 = vector.shape_cast %get3A_309 : vector<1x16xf32> to vector<16xf32>
          %mul3A_311 = arith.mulf %get3A_306, %get3A_310 : vector<16xf32>
          %get3A_312 = arith.index_cast %add3A_264 : i32 to index
          %get3A_313 = arith.constant 96 : index
          %get3A_314 = tpu.vector_load %arg9[%get3A_312, %get3A_313] {strides = array<i32>} : memref<160x128xf32, #tpu.memory_space<vmem>>, vector<1x16xf32>,
          %get3A_315 = vector.shape_cast %get3A_314 : vector<1x16xf32> to vector<16xf32>
          %add3A_316 = arith.addf %mul3A_311, %get3A_315 : vector<16xf32>
          %swap3A_317 = arith.index_cast %add3A_264 : i32 to index
          %swap3A_318 = arith.constant 32 : index
          %swap3A_319 = tpu.vector_load %arg11[%swap3A_317, %swap3A_318] {strides = array<i32>} : memref<160x64xf32, #tpu.memory_space<vmem>>, vector<1x16xf32>,
          %swap3A_320 = vector.shape_cast %swap3A_319 : vector<1x16xf32> to vector<16xf32>
          %swap3A_321 = vector.shape_cast %add3A_316 : vector<16xf32> to vector<1x16xf32>
          tpu.vector_store %arg11[%swap3A_317, %swap3A_318], %swap3A_321 {strides = array<i32>} : memref<160x64xf32, #tpu.memory_space<vmem>>, vector<1x16xf32>,
          %get3A_322 = arith.index_cast %add3A_264 : i32 to index
          %get3A_323 = arith.constant 48 : index
          %get3A_324 = tpu.vector_load %arg7[%get3A_322, %get3A_323] {strides = array<i32>} : memref<160x64xf32, #tpu.memory_space<vmem>>, vector<1x16xf32>,
          %get3A_325 = vector.shape_cast %get3A_324 : vector<1x16xf32> to vector<16xf32>
          %get3A_326 = arith.index_cast %add3A_264 : i32 to index
          %get3A_327 = arith.constant 48 : index
          %get3A_328 = tpu.vector_load %arg9[%get3A_326, %get3A_327] {strides = array<i32>} : memref<160x128xf32, #tpu.memory_space<vmem>>, vector<1x16xf32>,
          %get3A_329 = vector.shape_cast %get3A_328 : vector<1x16xf32> to vector<16xf32>
          %mul3A_330 = arith.mulf %get3A_325, %get3A_329 : vector<16xf32>
          %get3A_331 = arith.index_cast %add3A_264 : i32 to index
          %get3A_332 = arith.constant 112 : index
          %get3A_333 = tpu.vector_load %arg9[%get3A_331, %get3A_332] {strides = array<i32>} : memref<160x128xf32, #tpu.memory_space<vmem>>, vector<1x16xf32>,
          %get3A_334 = vector.shape_cast %get3A_333 : vector<1x16xf32> to vector<16xf32>
          %add3A_335 = arith.addf %mul3A_330, %get3A_334 : vector<16xf32>
          %swap3A_336 = arith.index_cast %add3A_264 : i32 to index
          %swap3A_337 = arith.constant 48 : index
          %swap3A_338 = tpu.vector_load %arg11[%swap3A_336, %swap3A_337] {strides = array<i32>} : memref<160x64xf32, #tpu.memory_space<vmem>>, vector<1x16xf32>,
          %swap3A_339 = vector.shape_cast %swap3A_338 : vector<1x16xf32> to vector<16xf32>
          %swap3A_340 = vector.shape_cast %add3A_335 : vector<16xf32> to vector<1x16xf32>
          tpu.vector_store %arg11[%swap3A_336, %swap3A_337], %swap3A_340 {strides = array<i32>} : memref<160x64xf32, #tpu.memory_space<vmem>>, vector<1x16xf32>,
          %mul3A_341 = arith.constant 8 : i32
          %mul3A_342 = arith.muli %scan3A_102, %mul3A_341 : i32
          %add3A_343 = arith.constant 3 : i32
          %add3A_344 = arith.addi %mul3A_342, %add3A_343 : i32
          %get3A_345 = arith.index_cast %add3A_344 : i32 to index
          %get3A_346 = arith.constant 0 : index
          %get3A_347 = tpu.vector_load %arg7[%get3A_345, %get3A_346] {strides = array<i32>} : memref<160x64xf32, #tpu.memory_space<vmem>>, vector<1x16xf32>,
          %get3A_348 = vector.shape_cast %get3A_347 : vector<1x16xf32> to vector<16xf32>
          %get3A_349 = arith.index_cast %add3A_344 : i32 to index
          %get3A_350 = arith.constant 0 : index
          %get3A_351 = tpu.vector_load %arg9[%get3A_349, %get3A_350] {strides = array<i32>} : memref<160x128xf32, #tpu.memory_space<vmem>>, vector<1x16xf32>,
          %get3A_352 = vector.shape_cast %get3A_351 : vector<1x16xf32> to vector<16xf32>
          %mul3A_353 = arith.mulf %get3A_348, %get3A_352 : vector<16xf32>
          %get3A_354 = arith.index_cast %add3A_344 : i32 to index
          %get3A_355 = arith.constant 64 : index
          %get3A_356 = tpu.vector_load %arg9[%get3A_354, %get3A_355] {strides = array<i32>} : memref<160x128xf32, #tpu.memory_space<vmem>>, vector<1x16xf32>,
          %get3A_357 = vector.shape_cast %get3A_356 : vector<1x16xf32> to vector<16xf32>
          %add3A_358 = arith.addf %mul3A_353, %get3A_357 : vector<16xf32>
          %swap3A_359 = arith.index_cast %add3A_344 : i32 to index
          %swap3A_360 = arith.constant 0 : index
          %swap3A_361 = tpu.vector_load %arg11[%swap3A_359, %swap3A_360] {strides = array<i32>} : memref<160x64xf32, #tpu.memory_space<vmem>>, vector<1x16xf32>,
          %swap3A_362 = vector.shape_cast %swap3A_361 : vector<1x16xf32> to vector<16xf32>
          %swap3A_363 = vector.shape_cast %add3A_358 : vector<16xf32> to vector<1x16xf32>
          tpu.vector_store %arg11[%swap3A_359, %swap3A_360], %swap3A_363 {strides = array<i32>} : memref<160x64xf32, #tpu.memory_space<vmem>>, vector<1x16xf32>,
          %get3A_364 = arith.index_cast %add3A_344 : i32 to index
          %get3A_365 = arith.constant 16 : index
          %get3A_366 = tpu.vector_load %arg7[%get3A_364, %get3A_365] {strides = array<i32>} : memref<160x64xf32, #tpu.memory_space<vmem>>, vector<1x16xf32>,
          %get3A_367 = vector.shape_cast %get3A_366 : vector<1x16xf32> to vector<16xf32>
          %get3A_368 = arith.index_cast %add3A_344 : i32 to index
          %get3A_369 = arith.constant 16 : index
          %get3A_370 = tpu.vector_load %arg9[%get3A_368, %get3A_369] {strides = array<i32>} : memref<160x128xf32, #tpu.memory_space<vmem>>, vector<1x16xf32>,
          %get3A_371 = vector.shape_cast %get3A_370 : vector<1x16xf32> to vector<16xf32>
          %mul3A_372 = arith.mulf %get3A_367, %get3A_371 : vector<16xf32>
          %get3A_373 = arith.index_cast %add3A_344 : i32 to index
          %get3A_374 = arith.constant 80 : index
          %get3A_375 = tpu.vector_load %arg9[%get3A_373, %get3A_374] {strides = array<i32>} : memref<160x128xf32, #tpu.memory_space<vmem>>, vector<1x16xf32>,
          %get3A_376 = vector.shape_cast %get3A_375 : vector<1x16xf32> to vector<16xf32>
          %add3A_377 = arith.addf %mul3A_372, %get3A_376 : vector<16xf32>
          %swap3A_378 = arith.index_cast %add3A_344 : i32 to index
          %swap3A_379 = arith.constant 16 : index
          %swap3A_380 = tpu.vector_load %arg11[%swap3A_378, %swap3A_379] {strides = array<i32>} : memref<160x64xf32, #tpu.memory_space<vmem>>, vector<1x16xf32>,
          %swap3A_381 = vector.shape_cast %swap3A_380 : vector<1x16xf32> to vector<16xf32>
          %swap3A_382 = vector.shape_cast %add3A_377 : vector<16xf32> to vector<1x16xf32>
          tpu.vector_store %arg11[%swap3A_378, %swap3A_379], %swap3A_382 {strides = array<i32>} : memref<160x64xf32, #tpu.memory_space<vmem>>, vector<1x16xf32>,
          %get3A_383 = arith.index_cast %add3A_344 : i32 to index
          %get3A_384 = arith.constant 32 : index
          %get3A_385 = tpu.vector_load %arg7[%get3A_383, %get3A_384] {strides = array<i32>} : memref<160x64xf32, #tpu.memory_space<vmem>>, vector<1x16xf32>,
          %get3A_386 = vector.shape_cast %get3A_385 : vector<1x16xf32> to vector<16xf32>
          %get3A_387 = arith.index_cast %add3A_344 : i32 to index
          %get3A_388 = arith.constant 32 : index
          %get3A_389 = tpu.vector_load %arg9[%get3A_387, %get3A_388] {strides = array<i32>} : memref<160x128xf32, #tpu.memory_space<vmem>>, vector<1x16xf32>,
          %get3A_390 = vector.shape_cast %get3A_389 : vector<1x16xf32> to vector<16xf32>
          %mul3A_391 = arith.mulf %get3A_386, %get3A_390 : vector<16xf32>
          %get3A_392 = arith.index_cast %add3A_344 : i32 to index
          %get3A_393 = arith.constant 96 : index
          %get3A_394 = tpu.vector_load %arg9[%get3A_392, %get3A_393] {strides = array<i32>} : memref<160x128xf32, #tpu.memory_space<vmem>>, vector<1x16xf32>,
          %get3A_395 = vector.shape_cast %get3A_394 : vector<1x16xf32> to vector<16xf32>
          %add3A_396 = arith.addf %mul3A_391, %get3A_395 : vector<16xf32>
          %swap3A_397 = arith.index_cast %add3A_344 : i32 to index
          %swap3A_398 = arith.constant 32 : index
          %swap3A_399 = tpu.vector_load %arg11[%swap3A_397, %swap3A_398] {strides = array<i32>} : memref<160x64xf32, #tpu.memory_space<vmem>>, vector<1x16xf32>,
          %swap3A_400 = vector.shape_cast %swap3A_399 : vector<1x16xf32> to vector<16xf32>
          %swap3A_401 = vector.shape_cast %add3A_396 : vector<16xf32> to vector<1x16xf32>
          tpu.vector_store %arg11[%swap3A_397, %swap3A_398], %swap3A_401 {strides = array<i32>} : memref<160x64xf32, #tpu.memory_space<vmem>>, vector<1x16xf32>,
          %get3A_402 = arith.index_cast %add3A_344 : i32 to index
          %get3A_403 = arith.constant 48 : index
          %get3A_404 = tpu.vector_load %arg7[%get3A_402, %get3A_403] {strides = array<i32>} : memref<160x64xf32, #tpu.memory_space<vmem>>, vector<1x16xf32>,
          %get3A_405 = vector.shape_cast %get3A_404 : vector<1x16xf32> to vector<16xf32>
          %get3A_406 = arith.index_cast %add3A_344 : i32 to index
          %get3A_407 = arith.constant 48 : index
          %get3A_408 = tpu.vector_load %arg9[%get3A_406, %get3A_407] {strides = array<i32>} : memref<160x128xf32, #tpu.memory_space<vmem>>, vector<1x16xf32>,
          %get3A_409 = vector.shape_cast %get3A_408 : vector<1x16xf32> to vector<16xf32>
          %mul3A_410 = arith.mulf %get3A_405, %get3A_409 : vector<16xf32>
          %get3A_411 = arith.index_cast %add3A_344 : i32 to index
          %get3A_412 = arith.constant 112 : index
          %get3A_413 = tpu.vector_load %arg9[%get3A_411, %get3A_412] {strides = array<i32>} : memref<160x128xf32, #tpu.memory_space<vmem>>, vector<1x16xf32>,
          %get3A_414 = vector.shape_cast %get3A_413 : vector<1x16xf32> to vector<16xf32>
          %add3A_415 = arith.addf %mul3A_410, %get3A_414 : vector<16xf32>
          %swap3A_416 = arith.index_cast %add3A_344 : i32 to index
          %swap3A_417 = arith.constant 48 : index
          %swap3A_418 = tpu.vector_load %arg11[%swap3A_416, %swap3A_417] {strides = array<i32>} : memref<160x64xf32, #tpu.memory_space<vmem>>, vector<1x16xf32>,
          %swap3A_419 = vector.shape_cast %swap3A_418 : vector<1x16xf32> to vector<16xf32>
          %swap3A_420 = vector.shape_cast %add3A_415 : vector<16xf32> to vector<1x16xf32>
          tpu.vector_store %arg11[%swap3A_416, %swap3A_417], %swap3A_420 {strides = array<i32>} : memref<160x64xf32, #tpu.memory_space<vmem>>, vector<1x16xf32>,
          %mul3A_421 = arith.constant 8 : i32
          %mul3A_422 = arith.muli %scan3A_102, %mul3A_421 : i32
          %add3A_423 = arith.constant 4 : i32
          %add3A_424 = arith.addi %mul3A_422, %add3A_423 : i32
          %get3A_425 = arith.index_cast %add3A_424 : i32 to index
          %get3A_426 = arith.constant 0 : index
          %get3A_427 = tpu.vector_load %arg7[%get3A_425, %get3A_426] {strides = array<i32>} : memref<160x64xf32, #tpu.memory_space<vmem>>, vector<1x16xf32>,
          %get3A_428 = vector.shape_cast %get3A_427 : vector<1x16xf32> to vector<16xf32>
          %get3A_429 = arith.index_cast %add3A_424 : i32 to index
          %get3A_430 = arith.constant 0 : index
          %get3A_431 = tpu.vector_load %arg9[%get3A_429, %get3A_430] {strides = array<i32>} : memref<160x128xf32, #tpu.memory_space<vmem>>, vector<1x16xf32>,
          %get3A_432 = vector.shape_cast %get3A_431 : vector<1x16xf32> to vector<16xf32>
          %mul3A_433 = arith.mulf %get3A_428, %get3A_432 : vector<16xf32>
          %get3A_434 = arith.index_cast %add3A_424 : i32 to index
          %get3A_435 = arith.constant 64 : index
          %get3A_436 = tpu.vector_load %arg9[%get3A_434, %get3A_435] {strides = array<i32>} : memref<160x128xf32, #tpu.memory_space<vmem>>, vector<1x16xf32>,
          %get3A_437 = vector.shape_cast %get3A_436 : vector<1x16xf32> to vector<16xf32>
          %add3A_438 = arith.addf %mul3A_433, %get3A_437 : vector<16xf32>
          %swap3A_439 = arith.index_cast %add3A_424 : i32 to index
          %swap3A_440 = arith.constant 0 : index
          %swap3A_441 = tpu.vector_load %arg11[%swap3A_439, %swap3A_440] {strides = array<i32>} : memref<160x64xf32, #tpu.memory_space<vmem>>, vector<1x16xf32>,
          %swap3A_442 = vector.shape_cast %swap3A_441 : vector<1x16xf32> to vector<16xf32>
          %swap3A_443 = vector.shape_cast %add3A_438 : vector<16xf32> to vector<1x16xf32>
          tpu.vector_store %arg11[%swap3A_439, %swap3A_440], %swap3A_443 {strides = array<i32>} : memref<160x64xf32, #tpu.memory_space<vmem>>, vector<1x16xf32>,
          %get3A_444 = arith.index_cast %add3A_424 : i32 to index
          %get3A_445 = arith.constant 16 : index
          %get3A_446 = tpu.vector_load %arg7[%get3A_444, %get3A_445] {strides = array<i32>} : memref<160x64xf32, #tpu.memory_space<vmem>>, vector<1x16xf32>,
          %get3A_447 = vector.shape_cast %get3A_446 : vector<1x16xf32> to vector<16xf32>
          %get3A_448 = arith.index_cast %add3A_424 : i32 to index
          %get3A_449 = arith.constant 16 : index
          %get3A_450 = tpu.vector_load %arg9[%get3A_448, %get3A_449] {strides = array<i32>} : memref<160x128xf32, #tpu.memory_space<vmem>>, vector<1x16xf32>,
          %get3A_451 = vector.shape_cast %get3A_450 : vector<1x16xf32> to vector<16xf32>
          %mul3A_452 = arith.mulf %get3A_447, %get3A_451 : vector<16xf32>
          %get3A_453 = arith.index_cast %add3A_424 : i32 to index
          %get3A_454 = arith.constant 80 : index
          %get3A_455 = tpu.vector_load %arg9[%get3A_453, %get3A_454] {strides = array<i32>} : memref<160x128xf32, #tpu.memory_space<vmem>>, vector<1x16xf32>,
          %get3A_456 = vector.shape_cast %get3A_455 : vector<1x16xf32> to vector<16xf32>
          %add3A_457 = arith.addf %mul3A_452, %get3A_456 : vector<16xf32>
          %swap3A_458 = arith.index_cast %add3A_424 : i32 to index
          %swap3A_459 = arith.constant 16 : index
          %swap3A_460 = tpu.vector_load %arg11[%swap3A_458, %swap3A_459] {strides = array<i32>} : memref<160x64xf32, #tpu.memory_space<vmem>>, vector<1x16xf32>,
          %swap3A_461 = vector.shape_cast %swap3A_460 : vector<1x16xf32> to vector<16xf32>
          %swap3A_462 = vector.shape_cast %add3A_457 : vector<16xf32> to vector<1x16xf32>
          tpu.vector_store %arg11[%swap3A_458, %swap3A_459], %swap3A_462 {strides = array<i32>} : memref<160x64xf32, #tpu.memory_space<vmem>>, vector<1x16xf32>,
          %get3A_463 = arith.index_cast %add3A_424 : i32 to index
          %get3A_464 = arith.constant 32 : index
          %get3A_465 = tpu.vector_load %arg7[%get3A_463, %get3A_464] {strides = array<i32>} : memref<160x64xf32, #tpu.memory_space<vmem>>, vector<1x16xf32>,
          %get3A_466 = vector.shape_cast %get3A_465 : vector<1x16xf32> to vector<16xf32>
          %get3A_467 = arith.index_cast %add3A_424 : i32 to index
          %get3A_468 = arith.constant 32 : index
          %get3A_469 = tpu.vector_load %arg9[%get3A_467, %get3A_468] {strides = array<i32>} : memref<160x128xf32, #tpu.memory_space<vmem>>, vector<1x16xf32>,
          %get3A_470 = vector.shape_cast %get3A_469 : vector<1x16xf32> to vector<16xf32>
          %mul3A_471 = arith.mulf %get3A_466, %get3A_470 : vector<16xf32>
          %get3A_472 = arith.index_cast %add3A_424 : i32 to index
          %get3A_473 = arith.constant 96 : index
          %get3A_474 = tpu.vector_load %arg9[%get3A_472, %get3A_473] {strides = array<i32>} : memref<160x128xf32, #tpu.memory_space<vmem>>, vector<1x16xf32>,
          %get3A_475 = vector.shape_cast %get3A_474 : vector<1x16xf32> to vector<16xf32>
          %add3A_476 = arith.addf %mul3A_471, %get3A_475 : vector<16xf32>
          %swap3A_477 = arith.index_cast %add3A_424 : i32 to index
          %swap3A_478 = arith.constant 32 : index
          %swap3A_479 = tpu.vector_load %arg11[%swap3A_477, %swap3A_478] {strides = array<i32>} : memref<160x64xf32, #tpu.memory_space<vmem>>, vector<1x16xf32>,
          %swap3A_480 = vector.shape_cast %swap3A_479 : vector<1x16xf32> to vector<16xf32>
          %swap3A_481 = vector.shape_cast %add3A_476 : vector<16xf32> to vector<1x16xf32>
          tpu.vector_store %arg11[%swap3A_477, %swap3A_478], %swap3A_481 {strides = array<i32>} : memref<160x64xf32, #tpu.memory_space<vmem>>, vector<1x16xf32>,
          %get3A_482 = arith.index_cast %add3A_424 : i32 to index
          %get3A_483 = arith.constant 48 : index
          %get3A_484 = tpu.vector_load %arg7[%get3A_482, %get3A_483] {strides = array<i32>} : memref<160x64xf32, #tpu.memory_space<vmem>>, vector<1x16xf32>,
          %get3A_485 = vector.shape_cast %get3A_484 : vector<1x16xf32> to vector<16xf32>
          %get3A_486 = arith.index_cast %add3A_424 : i32 to index
          %get3A_487 = arith.constant 48 : index
          %get3A_488 = tpu.vector_load %arg9[%get3A_486, %get3A_487] {strides = array<i32>} : memref<160x128xf32, #tpu.memory_space<vmem>>, vector<1x16xf32>,
          %get3A_489 = vector.shape_cast %get3A_488 : vector<1x16xf32> to vector<16xf32>
          %mul3A_490 = arith.mulf %get3A_485, %get3A_489 : vector<16xf32>
          %get3A_491 = arith.index_cast %add3A_424 : i32 to index
          %get3A_492 = arith.constant 112 : index
          %get3A_493 = tpu.vector_load %arg9[%get3A_491, %get3A_492] {strides = array<i32>} : memref<160x128xf32, #tpu.memory_space<vmem>>, vector<1x16xf32>,
          %get3A_494 = vector.shape_cast %get3A_493 : vector<1x16xf32> to vector<16xf32>
          %add3A_495 = arith.addf %mul3A_490, %get3A_494 : vector<16xf32>
          %swap3A_496 = arith.index_cast %add3A_424 : i32 to index
          %swap3A_497 = arith.constant 48 : index
          %swap3A_498 = tpu.vector_load %arg11[%swap3A_496, %swap3A_497] {strides = array<i32>} : memref<160x64xf32, #tpu.memory_space<vmem>>, vector<1x16xf32>,
          %swap3A_499 = vector.shape_cast %swap3A_498 : vector<1x16xf32> to vector<16xf32>
          %swap3A_500 = vector.shape_cast %add3A_495 : vector<16xf32> to vector<1x16xf32>
          tpu.vector_store %arg11[%swap3A_496, %swap3A_497], %swap3A_500 {strides = array<i32>} : memref<160x64xf32, #tpu.memory_space<vmem>>, vector<1x16xf32>,
          %mul3A_501 = arith.constant 8 : i32
          %mul3A_502 = arith.muli %scan3A_102, %mul3A_501 : i32
          %add3A_503 = arith.constant 5 : i32
          %add3A_504 = arith.addi %mul3A_502, %add3A_503 : i32
          %get3A_505 = arith.index_cast %add3A_504 : i32 to index
          %get3A_506 = arith.constant 0 : index
          %get3A_507 = tpu.vector_load %arg7[%get3A_505, %get3A_506] {strides = array<i32>} : memref<160x64xf32, #tpu.memory_space<vmem>>, vector<1x16xf32>,
          %get3A_508 = vector.shape_cast %get3A_507 : vector<1x16xf32> to vector<16xf32>
          %get3A_509 = arith.index_cast %add3A_504 : i32 to index
          %get3A_510 = arith.constant 0 : index
          %get3A_511 = tpu.vector_load %arg9[%get3A_509, %get3A_510] {strides = array<i32>} : memref<160x128xf32, #tpu.memory_space<vmem>>, vector<1x16xf32>,
          %get3A_512 = vector.shape_cast %get3A_511 : vector<1x16xf32> to vector<16xf32>
          %mul3A_513 = arith.mulf %get3A_508, %get3A_512 : vector<16xf32>
          %get3A_514 = arith.index_cast %add3A_504 : i32 to index
          %get3A_515 = arith.constant 64 : index
          %get3A_516 = tpu.vector_load %arg9[%get3A_514, %get3A_515] {strides = array<i32>} : memref<160x128xf32, #tpu.memory_space<vmem>>, vector<1x16xf32>,
          %get3A_517 = vector.shape_cast %get3A_516 : vector<1x16xf32> to vector<16xf32>
          %add3A_518 = arith.addf %mul3A_513, %get3A_517 : vector<16xf32>
          %swap3A_519 = arith.index_cast %add3A_504 : i32 to index
          %swap3A_520 = arith.constant 0 : index
          %swap3A_521 = tpu.vector_load %arg11[%swap3A_519, %swap3A_520] {strides = array<i32>} : memref<160x64xf32, #tpu.memory_space<vmem>>, vector<1x16xf32>,
          %swap3A_522 = vector.shape_cast %swap3A_521 : vector<1x16xf32> to vector<16xf32>
          %swap3A_523 = vector.shape_cast %add3A_518 : vector<16xf32> to vector<1x16xf32>
          tpu.vector_store %arg11[%swap3A_519, %swap3A_520], %swap3A_523 {strides = array<i32>} : memref<160x64xf32, #tpu.memory_space<vmem>>, vector<1x16xf32>,
          %get3A_524 = arith.index_cast %add3A_504 : i32 to index
          %get3A_525 = arith.constant 16 : index
          %get3A_526 = tpu.vector_load %arg7[%get3A_524, %get3A_525] {strides = array<i32>} : memref<160x64xf32, #tpu.memory_space<vmem>>, vector<1x16xf32>,
          %get3A_527 = vector.shape_cast %get3A_526 : vector<1x16xf32> to vector<16xf32>
          %get3A_528 = arith.index_cast %add3A_504 : i32 to index
          %get3A_529 = arith.constant 16 : index
          %get3A_530 = tpu.vector_load %arg9[%get3A_528, %get3A_529] {strides = array<i32>} : memref<160x128xf32, #tpu.memory_space<vmem>>, vector<1x16xf32>,
          %get3A_531 = vector.shape_cast %get3A_530 : vector<1x16xf32> to vector<16xf32>
          %mul3A_532 = arith.mulf %get3A_527, %get3A_531 : vector<16xf32>
          %get3A_533 = arith.index_cast %add3A_504 : i32 to index
          %get3A_534 = arith.constant 80 : index
          %get3A_535 = tpu.vector_load %arg9[%get3A_533, %get3A_534] {strides = array<i32>} : memref<160x128xf32, #tpu.memory_space<vmem>>, vector<1x16xf32>,
          %get3A_536 = vector.shape_cast %get3A_535 : vector<1x16xf32> to vector<16xf32>
          %add3A_537 = arith.addf %mul3A_532, %get3A_536 : vector<16xf32>
          %swap3A_538 = arith.index_cast %add3A_504 : i32 to index
          %swap3A_539 = arith.constant 16 : index
          %swap3A_540 = tpu.vector_load %arg11[%swap3A_538, %swap3A_539] {strides = array<i32>} : memref<160x64xf32, #tpu.memory_space<vmem>>, vector<1x16xf32>,
          %swap3A_541 = vector.shape_cast %swap3A_540 : vector<1x16xf32> to vector<16xf32>
          %swap3A_542 = vector.shape_cast %add3A_537 : vector<16xf32> to vector<1x16xf32>
          tpu.vector_store %arg11[%swap3A_538, %swap3A_539], %swap3A_542 {strides = array<i32>} : memref<160x64xf32, #tpu.memory_space<vmem>>, vector<1x16xf32>,
          %get3A_543 = arith.index_cast %add3A_504 : i32 to index
          %get3A_544 = arith.constant 32 : index
          %get3A_545 = tpu.vector_load %arg7[%get3A_543, %get3A_544] {strides = array<i32>} : memref<160x64xf32, #tpu.memory_space<vmem>>, vector<1x16xf32>,
          %get3A_546 = vector.shape_cast %get3A_545 : vector<1x16xf32> to vector<16xf32>
          %get3A_547 = arith.index_cast %add3A_504 : i32 to index
          %get3A_548 = arith.constant 32 : index
          %get3A_549 = tpu.vector_load %arg9[%get3A_547, %get3A_548] {strides = array<i32>} : memref<160x128xf32, #tpu.memory_space<vmem>>, vector<1x16xf32>,
          %get3A_550 = vector.shape_cast %get3A_549 : vector<1x16xf32> to vector<16xf32>
          %mul3A_551 = arith.mulf %get3A_546, %get3A_550 : vector<16xf32>
          %get3A_552 = arith.index_cast %add3A_504 : i32 to index
          %get3A_553 = arith.constant 96 : index
          %get3A_554 = tpu.vector_load %arg9[%get3A_552, %get3A_553] {strides = array<i32>} : memref<160x128xf32, #tpu.memory_space<vmem>>, vector<1x16xf32>,
          %get3A_555 = vector.shape_cast %get3A_554 : vector<1x16xf32> to vector<16xf32>
          %add3A_556 = arith.addf %mul3A_551, %get3A_555 : vector<16xf32>
          %swap3A_557 = arith.index_cast %add3A_504 : i32 to index
          %swap3A_558 = arith.constant 32 : index
          %swap3A_559 = tpu.vector_load %arg11[%swap3A_557, %swap3A_558] {strides = array<i32>} : memref<160x64xf32, #tpu.memory_space<vmem>>, vector<1x16xf32>,
          %swap3A_560 = vector.shape_cast %swap3A_559 : vector<1x16xf32> to vector<16xf32>
          %swap3A_561 = vector.shape_cast %add3A_556 : vector<16xf32> to vector<1x16xf32>
          tpu.vector_store %arg11[%swap3A_557, %swap3A_558], %swap3A_561 {strides = array<i32>} : memref<160x64xf32, #tpu.memory_space<vmem>>, vector<1x16xf32>,
          %get3A_562 = arith.index_cast %add3A_504 : i32 to index
          %get3A_563 = arith.constant 48 : index
          %get3A_564 = tpu.vector_load %arg7[%get3A_562, %get3A_563] {strides = array<i32>} : memref<160x64xf32, #tpu.memory_space<vmem>>, vector<1x16xf32>,
          %get3A_565 = vector.shape_cast %get3A_564 : vector<1x16xf32> to vector<16xf32>
          %get3A_566 = arith.index_cast %add3A_504 : i32 to index
          %get3A_567 = arith.constant 48 : index
          %get3A_568 = tpu.vector_load %arg9[%get3A_566, %get3A_567] {strides = array<i32>} : memref<160x128xf32, #tpu.memory_space<vmem>>, vector<1x16xf32>,
          %get3A_569 = vector.shape_cast %get3A_568 : vector<1x16xf32> to vector<16xf32>
          %mul3A_570 = arith.mulf %get3A_565, %get3A_569 : vector<16xf32>
          %get3A_571 = arith.index_cast %add3A_504 : i32 to index
          %get3A_572 = arith.constant 112 : index
          %get3A_573 = tpu.vector_load %arg9[%get3A_571, %get3A_572] {strides = array<i32>} : memref<160x128xf32, #tpu.memory_space<vmem>>, vector<1x16xf32>,
          %get3A_574 = vector.shape_cast %get3A_573 : vector<1x16xf32> to vector<16xf32>
          %add3A_575 = arith.addf %mul3A_570, %get3A_574 : vector<16xf32>
          %swap3A_576 = arith.index_cast %add3A_504 : i32 to index
          %swap3A_577 = arith.constant 48 : index
          %swap3A_578 = tpu.vector_load %arg11[%swap3A_576, %swap3A_577] {strides = array<i32>} : memref<160x64xf32, #tpu.memory_space<vmem>>, vector<1x16xf32>,
          %swap3A_579 = vector.shape_cast %swap3A_578 : vector<1x16xf32> to vector<16xf32>
          %swap3A_580 = vector.shape_cast %add3A_575 : vector<16xf32> to vector<1x16xf32>
          tpu.vector_store %arg11[%swap3A_576, %swap3A_577], %swap3A_580 {strides = array<i32>} : memref<160x64xf32, #tpu.memory_space<vmem>>, vector<1x16xf32>,
          %mul3A_581 = arith.constant 8 : i32
          %mul3A_582 = arith.muli %scan3A_102, %mul3A_581 : i32
          %add3A_583 = arith.constant 6 : i32
          %add3A_584 = arith.addi %mul3A_582, %add3A_583 : i32
          %get3A_585 = arith.index_cast %add3A_584 : i32 to index
          %get3A_586 = arith.constant 0 : index
          %get3A_587 = tpu.vector_load %arg7[%get3A_585, %get3A_586] {strides = array<i32>} : memref<160x64xf32, #tpu.memory_space<vmem>>, vector<1x16xf32>,
          %get3A_588 = vector.shape_cast %get3A_587 : vector<1x16xf32> to vector<16xf32>
          %get3A_589 = arith.index_cast %add3A_584 : i32 to index
          %get3A_590 = arith.constant 0 : index
          %get3A_591 = tpu.vector_load %arg9[%get3A_589, %get3A_590] {strides = array<i32>} : memref<160x128xf32, #tpu.memory_space<vmem>>, vector<1x16xf32>,
          %get3A_592 = vector.shape_cast %get3A_591 : vector<1x16xf32> to vector<16xf32>
          %mul3A_593 = arith.mulf %get3A_588, %get3A_592 : vector<16xf32>
          %get3A_594 = arith.index_cast %add3A_584 : i32 to index
          %get3A_595 = arith.constant 64 : index
          %get3A_596 = tpu.vector_load %arg9[%get3A_594, %get3A_595] {strides = array<i32>} : memref<160x128xf32, #tpu.memory_space<vmem>>, vector<1x16xf32>,
          %get3A_597 = vector.shape_cast %get3A_596 : vector<1x16xf32> to vector<16xf32>
          %add3A_598 = arith.addf %mul3A_593, %get3A_597 : vector<16xf32>
          %swap3A_599 = arith.index_cast %add3A_584 : i32 to index
          %swap3A_600 = arith.constant 0 : index
          %swap3A_601 = tpu.vector_load %arg11[%swap3A_599, %swap3A_600] {strides = array<i32>} : memref<160x64xf32, #tpu.memory_space<vmem>>, vector<1x16xf32>,
          %swap3A_602 = vector.shape_cast %swap3A_601 : vector<1x16xf32> to vector<16xf32>
          %swap3A_603 = vector.shape_cast %add3A_598 : vector<16xf32> to vector<1x16xf32>
          tpu.vector_store %arg11[%swap3A_599, %swap3A_600], %swap3A_603 {strides = array<i32>} : memref<160x64xf32, #tpu.memory_space<vmem>>, vector<1x16xf32>,
          %get3A_604 = arith.index_cast %add3A_584 : i32 to index
          %get3A_605 = arith.constant 16 : index
          %get3A_606 = tpu.vector_load %arg7[%get3A_604, %get3A_605] {strides = array<i32>} : memref<160x64xf32, #tpu.memory_space<vmem>>, vector<1x16xf32>,
          %get3A_607 = vector.shape_cast %get3A_606 : vector<1x16xf32> to vector<16xf32>
          %get3A_608 = arith.index_cast %add3A_584 : i32 to index
          %get3A_609 = arith.constant 16 : index
          %get3A_610 = tpu.vector_load %arg9[%get3A_608, %get3A_609] {strides = array<i32>} : memref<160x128xf32, #tpu.memory_space<vmem>>, vector<1x16xf32>,
          %get3A_611 = vector.shape_cast %get3A_610 : vector<1x16xf32> to vector<16xf32>
          %mul3A_612 = arith.mulf %get3A_607, %get3A_611 : vector<16xf32>
          %get3A_613 = arith.index_cast %add3A_584 : i32 to index
          %get3A_614 = arith.constant 80 : index
          %get3A_615 = tpu.vector_load %arg9[%get3A_613, %get3A_614] {strides = array<i32>} : memref<160x128xf32, #tpu.memory_space<vmem>>, vector<1x16xf32>,
          %get3A_616 = vector.shape_cast %get3A_615 : vector<1x16xf32> to vector<16xf32>
          %add3A_617 = arith.addf %mul3A_612, %get3A_616 : vector<16xf32>
          %swap3A_618 = arith.index_cast %add3A_584 : i32 to index
          %swap3A_619 = arith.constant 16 : index
          %swap3A_620 = tpu.vector_load %arg11[%swap3A_618, %swap3A_619] {strides = array<i32>} : memref<160x64xf32, #tpu.memory_space<vmem>>, vector<1x16xf32>,
          %swap3A_621 = vector.shape_cast %swap3A_620 : vector<1x16xf32> to vector<16xf32>
          %swap3A_622 = vector.shape_cast %add3A_617 : vector<16xf32> to vector<1x16xf32>
          tpu.vector_store %arg11[%swap3A_618, %swap3A_619], %swap3A_622 {strides = array<i32>} : memref<160x64xf32, #tpu.memory_space<vmem>>, vector<1x16xf32>,
          %get3A_623 = arith.index_cast %add3A_584 : i32 to index
          %get3A_624 = arith.constant 32 : index
          %get3A_625 = tpu.vector_load %arg7[%get3A_623, %get3A_624] {strides = array<i32>} : memref<160x64xf32, #tpu.memory_space<vmem>>, vector<1x16xf32>,
          %get3A_626 = vector.shape_cast %get3A_625 : vector<1x16xf32> to vector<16xf32>
          %get3A_627 = arith.index_cast %add3A_584 : i32 to index
          %get3A_628 = arith.constant 32 : index
          %get3A_629 = tpu.vector_load %arg9[%get3A_627, %get3A_628] {strides = array<i32>} : memref<160x128xf32, #tpu.memory_space<vmem>>, vector<1x16xf32>,
          %get3A_630 = vector.shape_cast %get3A_629 : vector<1x16xf32> to vector<16xf32>
          %mul3A_631 = arith.mulf %get3A_626, %get3A_630 : vector<16xf32>
          %get3A_632 = arith.index_cast %add3A_584 : i32 to index
          %get3A_633 = arith.constant 96 : index
          %get3A_634 = tpu.vector_load %arg9[%get3A_632, %get3A_633] {strides = array<i32>} : memref<160x128xf32, #tpu.memory_space<vmem>>, vector<1x16xf32>,
          %get3A_635 = vector.shape_cast %get3A_634 : vector<1x16xf32> to vector<16xf32>
          %add3A_636 = arith.addf %mul3A_631, %get3A_635 : vector<16xf32>
          %swap3A_637 = arith.index_cast %add3A_584 : i32 to index
          %swap3A_638 = arith.constant 32 : index
          %swap3A_639 = tpu.vector_load %arg11[%swap3A_637, %swap3A_638] {strides = array<i32>} : memref<160x64xf32, #tpu.memory_space<vmem>>, vector<1x16xf32>,
          %swap3A_640 = vector.shape_cast %swap3A_639 : vector<1x16xf32> to vector<16xf32>
          %swap3A_641 = vector.shape_cast %add3A_636 : vector<16xf32> to vector<1x16xf32>
          tpu.vector_store %arg11[%swap3A_637, %swap3A_638], %swap3A_641 {strides = array<i32>} : memref<160x64xf32, #tpu.memory_space<vmem>>, vector<1x16xf32>,
          %get3A_642 = arith.index_cast %add3A_584 : i32 to index
          %get3A_643 = arith.constant 48 : index
          %get3A_644 = tpu.vector_load %arg7[%get3A_642, %get3A_643] {strides = array<i32>} : memref<160x64xf32, #tpu.memory_space<vmem>>, vector<1x16xf32>,
          %get3A_645 = vector.shape_cast %get3A_644 : vector<1x16xf32> to vector<16xf32>
          %get3A_646 = arith.index_cast %add3A_584 : i32 to index
          %get3A_647 = arith.constant 48 : index
          %get3A_648 = tpu.vector_load %arg9[%get3A_646, %get3A_647] {strides = array<i32>} : memref<160x128xf32, #tpu.memory_space<vmem>>, vector<1x16xf32>,
          %get3A_649 = vector.shape_cast %get3A_648 : vector<1x16xf32> to vector<16xf32>
          %mul3A_650 = arith.mulf %get3A_645, %get3A_649 : vector<16xf32>
          %get3A_651 = arith.index_cast %add3A_584 : i32 to index
          %get3A_652 = arith.constant 112 : index
          %get3A_653 = tpu.vector_load %arg9[%get3A_651, %get3A_652] {strides = array<i32>} : memref<160x128xf32, #tpu.memory_space<vmem>>, vector<1x16xf32>,
          %get3A_654 = vector.shape_cast %get3A_653 : vector<1x16xf32> to vector<16xf32>
          %add3A_655 = arith.addf %mul3A_650, %get3A_654 : vector<16xf32>
          %swap3A_656 = arith.index_cast %add3A_584 : i32 to index
          %swap3A_657 = arith.constant 48 : index
          %swap3A_658 = tpu.vector_load %arg11[%swap3A_656, %swap3A_657] {strides = array<i32>} : memref<160x64xf32, #tpu.memory_space<vmem>>, vector<1x16xf32>,
          %swap3A_659 = vector.shape_cast %swap3A_658 : vector<1x16xf32> to vector<16xf32>
          %swap3A_660 = vector.shape_cast %add3A_655 : vector<16xf32> to vector<1x16xf32>
          tpu.vector_store %arg11[%swap3A_656, %swap3A_657], %swap3A_660 {strides = array<i32>} : memref<160x64xf32, #tpu.memory_space<vmem>>, vector<1x16xf32>,
          %mul3A_661 = arith.constant 8 : i32
          %mul3A_662 = arith.muli %scan3A_102, %mul3A_661 : i32
          %add3A_663 = arith.constant 7 : i32
          %add3A_664 = arith.addi %mul3A_662, %add3A_663 : i32
          %get3A_665 = arith.index_cast %add3A_664 : i32 to index
          %get3A_666 = arith.constant 0 : index
          %get3A_667 = tpu.vector_load %arg7[%get3A_665, %get3A_666] {strides = array<i32>} : memref<160x64xf32, #tpu.memory_space<vmem>>, vector<1x16xf32>,
          %get3A_668 = vector.shape_cast %get3A_667 : vector<1x16xf32> to vector<16xf32>
          %get3A_669 = arith.index_cast %add3A_664 : i32 to index
          %get3A_670 = arith.constant 0 : index
          %get3A_671 = tpu.vector_load %arg9[%get3A_669, %get3A_670] {strides = array<i32>} : memref<160x128xf32, #tpu.memory_space<vmem>>, vector<1x16xf32>,
          %get3A_672 = vector.shape_cast %get3A_671 : vector<1x16xf32> to vector<16xf32>
          %mul3A_673 = arith.mulf %get3A_668, %get3A_672 : vector<16xf32>
          %get3A_674 = arith.index_cast %add3A_664 : i32 to index
          %get3A_675 = arith.constant 64 : index
          %get3A_676 = tpu.vector_load %arg9[%get3A_674, %get3A_675] {strides = array<i32>} : memref<160x128xf32, #tpu.memory_space<vmem>>, vector<1x16xf32>,
          %get3A_677 = vector.shape_cast %get3A_676 : vector<1x16xf32> to vector<16xf32>
          %add3A_678 = arith.addf %mul3A_673, %get3A_677 : vector<16xf32>
          %swap3A_679 = arith.index_cast %add3A_664 : i32 to index
          %swap3A_680 = arith.constant 0 : index
          %swap3A_681 = tpu.vector_load %arg11[%swap3A_679, %swap3A_680] {strides = array<i32>} : memref<160x64xf32, #tpu.memory_space<vmem>>, vector<1x16xf32>,
          %swap3A_682 = vector.shape_cast %swap3A_681 : vector<1x16xf32> to vector<16xf32>
          %swap3A_683 = vector.shape_cast %add3A_678 : vector<16xf32> to vector<1x16xf32>
          tpu.vector_store %arg11[%swap3A_679, %swap3A_680], %swap3A_683 {strides = array<i32>} : memref<160x64xf32, #tpu.memory_space<vmem>>, vector<1x16xf32>,
          %get3A_684 = arith.index_cast %add3A_664 : i32 to index
          %get3A_685 = arith.constant 16 : index
          %get3A_686 = tpu.vector_load %arg7[%get3A_684, %get3A_685] {strides = array<i32>} : memref<160x64xf32, #tpu.memory_space<vmem>>, vector<1x16xf32>,
          %get3A_687 = vector.shape_cast %get3A_686 : vector<1x16xf32> to vector<16xf32>
          %get3A_688 = arith.index_cast %add3A_664 : i32 to index
          %get3A_689 = arith.constant 16 : index
          %get3A_690 = tpu.vector_load %arg9[%get3A_688, %get3A_689] {strides = array<i32>} : memref<160x128xf32, #tpu.memory_space<vmem>>, vector<1x16xf32>,
          %get3A_691 = vector.shape_cast %get3A_690 : vector<1x16xf32> to vector<16xf32>
          %mul3A_692 = arith.mulf %get3A_687, %get3A_691 : vector<16xf32>
          %get3A_693 = arith.index_cast %add3A_664 : i32 to index
          %get3A_694 = arith.constant 80 : index
          %get3A_695 = tpu.vector_load %arg9[%get3A_693, %get3A_694] {strides = array<i32>} : memref<160x128xf32, #tpu.memory_space<vmem>>, vector<1x16xf32>,
          %get3A_696 = vector.shape_cast %get3A_695 : vector<1x16xf32> to vector<16xf32>
          %add3A_697 = arith.addf %mul3A_692, %get3A_696 : vector<16xf32>
          %swap3A_698 = arith.index_cast %add3A_664 : i32 to index
          %swap3A_699 = arith.constant 16 : index
          %swap3A_700 = tpu.vector_load %arg11[%swap3A_698, %swap3A_699] {strides = array<i32>} : memref<160x64xf32, #tpu.memory_space<vmem>>, vector<1x16xf32>,
          %swap3A_701 = vector.shape_cast %swap3A_700 : vector<1x16xf32> to vector<16xf32>
          %swap3A_702 = vector.shape_cast %add3A_697 : vector<16xf32> to vector<1x16xf32>
          tpu.vector_store %arg11[%swap3A_698, %swap3A_699], %swap3A_702 {strides = array<i32>} : memref<160x64xf32, #tpu.memory_space<vmem>>, vector<1x16xf32>,
          %get3A_703 = arith.index_cast %add3A_664 : i32 to index
          %get3A_704 = arith.constant 32 : index
          %get3A_705 = tpu.vector_load %arg7[%get3A_703, %get3A_704] {strides = array<i32>} : memref<160x64xf32, #tpu.memory_space<vmem>>, vector<1x16xf32>,
          %get3A_706 = vector.shape_cast %get3A_705 : vector<1x16xf32> to vector<16xf32>
          %get3A_707 = arith.index_cast %add3A_664 : i32 to index
          %get3A_708 = arith.constant 32 : index
          %get3A_709 = tpu.vector_load %arg9[%get3A_707, %get3A_708] {strides = array<i32>} : memref<160x128xf32, #tpu.memory_space<vmem>>, vector<1x16xf32>,
          %get3A_710 = vector.shape_cast %get3A_709 : vector<1x16xf32> to vector<16xf32>
          %mul3A_711 = arith.mulf %get3A_706, %get3A_710 : vector<16xf32>
          %get3A_712 = arith.index_cast %add3A_664 : i32 to index
          %get3A_713 = arith.constant 96 : index
          %get3A_714 = tpu.vector_load %arg9[%get3A_712, %get3A_713] {strides = array<i32>} : memref<160x128xf32, #tpu.memory_space<vmem>>, vector<1x16xf32>,
          %get3A_715 = vector.shape_cast %get3A_714 : vector<1x16xf32> to vector<16xf32>
          %add3A_716 = arith.addf %mul3A_711, %get3A_715 : vector<16xf32>
          %swap3A_717 = arith.index_cast %add3A_664 : i32 to index
          %swap3A_718 = arith.constant 32 : index
          %swap3A_719 = tpu.vector_load %arg11[%swap3A_717, %swap3A_718] {strides = array<i32>} : memref<160x64xf32, #tpu.memory_space<vmem>>, vector<1x16xf32>,
          %swap3A_720 = vector.shape_cast %swap3A_719 : vector<1x16xf32> to vector<16xf32>
          %swap3A_721 = vector.shape_cast %add3A_716 : vector<16xf32> to vector<1x16xf32>
          tpu.vector_store %arg11[%swap3A_717, %swap3A_718], %swap3A_721 {strides = array<i32>} : memref<160x64xf32, #tpu.memory_space<vmem>>, vector<1x16xf32>,
          %get3A_722 = arith.index_cast %add3A_664 : i32 to index
          %get3A_723 = arith.constant 48 : index
          %get3A_724 = tpu.vector_load %arg7[%get3A_722, %get3A_723] {strides = array<i32>} : memref<160x64xf32, #tpu.memory_space<vmem>>, vector<1x16xf32>,
          %get3A_725 = vector.shape_cast %get3A_724 : vector<1x16xf32> to vector<16xf32>
          %get3A_726 = arith.index_cast %add3A_664 : i32 to index
          %get3A_727 = arith.constant 48 : index
          %get3A_728 = tpu.vector_load %arg9[%get3A_726, %get3A_727] {strides = array<i32>} : memref<160x128xf32, #tpu.memory_space<vmem>>, vector<1x16xf32>,
          %get3A_729 = vector.shape_cast %get3A_728 : vector<1x16xf32> to vector<16xf32>
          %mul3A_730 = arith.mulf %get3A_725, %get3A_729 : vector<16xf32>
          %get3A_731 = arith.index_cast %add3A_664 : i32 to index
          %get3A_732 = arith.constant 112 : index
          %get3A_733 = tpu.vector_load %arg9[%get3A_731, %get3A_732] {strides = array<i32>} : memref<160x128xf32, #tpu.memory_space<vmem>>, vector<1x16xf32>,
          %get3A_734 = vector.shape_cast %get3A_733 : vector<1x16xf32> to vector<16xf32>
          %add3A_735 = arith.addf %mul3A_730, %get3A_734 : vector<16xf32>
          %swap3A_736 = arith.index_cast %add3A_664 : i32 to index
          %swap3A_737 = arith.constant 48 : index
          %swap3A_738 = tpu.vector_load %arg11[%swap3A_736, %swap3A_737] {strides = array<i32>} : memref<160x64xf32, #tpu.memory_space<vmem>>, vector<1x16xf32>,
          %swap3A_739 = vector.shape_cast %swap3A_738 : vector<1x16xf32> to vector<16xf32>
          %swap3A_740 = vector.shape_cast %add3A_735 : vector<16xf32> to vector<1x16xf32>
          tpu.vector_store %arg11[%swap3A_736, %swap3A_737], %swap3A_740 {strides = array<i32>} : memref<160x64xf32, #tpu.memory_space<vmem>>, vector<1x16xf32>,
        }
        %scan3A_86 = arith.constant 20 : i32
        %mul3A_87 = arith.constant 32 : i32
        %mul3A_88 = arith.muli %add3A_61, %mul3A_87 : i32
        %add3A_89 = arith.addi %add3A, %mul3A_88 : i32
        %mul3A_90 = arith.constant 160 : i32
        %mul3A_91 = arith.muli %add3A_89, %mul3A_90 : i32
        %dma_start3A_92 = arith.constant 0 : i32
        %dma_start3A_93 = tpu.memref_slice %arg5[%mul3A_91, %dma_start3A_92] : memref<1000000x64xf32, #tpu.memory_space<hbm>> -> memref<160x64xf32, #tpu.memory_space<hbm>>
        %dma_start3A_94 = arith.constant 0 : i32
        %dma_start3A_95 = tpu.memref_slice %arg5[%mul3A_91, %dma_start3A_94] : memref<1000000x64xf32, #tpu.memory_space<hbm>> -> memref<160x64xf32, #tpu.memory_space<hbm>>
        tpu.enqueue_dma source(%arg11 : memref<160x64xf32, #tpu.memory_space<vmem>>) target(%dma_start3A_95 : memref<160x64xf32, #tpu.memory_space<hbm>>) target_semaphore(%arg21 : memref<!tpu.dma_semaphore, #tpu.memory_space<semaphore_mem>>)
        %add3A_96 = arith.constant 1 : i32
        %add3A_97 = arith.addi %add3A_61, %add3A_96 : i32
        %lt3A_98 = arith.cmpi slt, %add3A_97, %add3A_20 : i32
        %convert_element_type3A_99 = arith.extui %lt3A_98 : i1 to i32
        %cond3A_100 = arith.constant 0 : i32
        %cond3A_101 = arith.cmpi ne, %convert_element_type3A_99, %cond3A_100 : i32
        scf.if %cond3A_101 {
          %add3A_102 = arith.constant 1 : i32
          %add3A_103 = arith.addi %add3A_61, %add3A_102 : i32
          %mul3A_104 = arith.constant 32 : i32
          %mul3A_105 = arith.muli %add3A_103, %mul3A_104 : i32
          %add3A_106 = arith.addi %add3A, %mul3A_105 : i32
          %mul3A_107 = arith.constant 160 : i32
          %mul3A_108 = arith.muli %add3A_106, %mul3A_107 : i32
          %dma_wait3A_109 = tpu.memref_slice %arg3[%mul3A_108] : memref<1000000xi32, #tpu.memory_space<hbm>> -> memref<160xi32, #tpu.memory_space<hbm>>
          %dma_wait3A_110 = tpu.memref_slice %arg3[%mul3A_108] : memref<1000000xi32, #tpu.memory_space<hbm>> -> memref<160xi32, #tpu.memory_space<hbm>>
          tpu.wait_dma2 semaphore(%arg14 : memref<!tpu.dma_semaphore, #tpu.memory_space<semaphore_mem>>) src(%dma_wait3A_110 : memref<160xi32, #tpu.memory_space<hbm>>) dst(%arg12 : memref<160xi32, #tpu.memory_space<vmem>>)
          %ge3A = arith.constant 1 : i32
          %ge3A_111 = arith.cmpi sge, %add3A_61, %ge3A : i32
          %convert_element_type3A_112 = arith.extui %ge3A_111 : i1 to i32
          %cond3A_113 = arith.constant 0 : i32
          %cond3A_114 = arith.cmpi ne, %convert_element_type3A_112, %cond3A_113 : i32
          scf.if %cond3A_114 {
            %sub3A_126 = arith.constant 1 : i32
            %sub3A_127 = arith.subi %add3A_61, %sub3A_126 : i32
            %mul3A_128 = arith.constant 32 : i32
            %mul3A_129 = arith.muli %sub3A_127, %mul3A_128 : i32
            %add3A_130 = arith.addi %add3A, %mul3A_129 : i32
            %mul3A_131 = arith.constant 160 : i32
            %mul3A_132 = arith.muli %add3A_130, %mul3A_131 : i32
            %dma_wait3A_133 = arith.constant 0 : i32
            %dma_wait3A_134 = tpu.memref_slice %arg5[%mul3A_132, %dma_wait3A_133] : memref<1000000x64xf32, #tpu.memory_space<hbm>> -> memref<160x64xf32, #tpu.memory_space<hbm>>
            %dma_wait3A_135 = arith.constant 0 : i32
            %dma_wait3A_136 = tpu.memref_slice %arg5[%mul3A_132, %dma_wait3A_135] : memref<1000000x64xf32, #tpu.memory_space<hbm>> -> memref<160x64xf32, #tpu.memory_space<hbm>>
            tpu.wait_dma2 semaphore(%arg20 : memref<!tpu.dma_semaphore, #tpu.memory_space<semaphore_mem>>) src(%arg10 : memref<160x64xf32, #tpu.memory_space<vmem>>) dst(%dma_wait3A_136 : memref<160x64xf32, #tpu.memory_space<hbm>>)
          } else {
          }
          %add3A_115 = arith.constant 1 : i32
          %add3A_116 = arith.addi %add3A_61, %add3A_115 : i32
          %mul3A_117 = arith.constant 32 : i32
          %mul3A_118 = arith.muli %add3A_116, %mul3A_117 : i32
          %add3A_119 = arith.addi %add3A, %mul3A_118 : i32
          %mul3A_120 = arith.constant 160 : i32
          %mul3A_121 = arith.muli %add3A_119, %mul3A_120 : i32
          %dma_start3A_122 = arith.constant 0 : i32
          %dma_start3A_123 = tpu.memref_slice %arg2[%mul3A_121, %dma_start3A_122] : memref<1000000x64xf32, #tpu.memory_space<hbm>> -> memref<160x64xf32, #tpu.memory_space<hbm>>
          %dma_start3A_124 = arith.constant 0 : i32
          %dma_start3A_125 = tpu.memref_slice %arg2[%mul3A_121, %dma_start3A_124] : memref<1000000x64xf32, #tpu.memory_space<hbm>> -> memref<160x64xf32, #tpu.memory_space<hbm>>
          tpu.enqueue_dma source(%dma_start3A_125 : memref<160x64xf32, #tpu.memory_space<hbm>>) target(%arg6 : memref<160x64xf32, #tpu.memory_space<vmem>>) target_semaphore(%arg18 : memref<!tpu.dma_semaphore, #tpu.memory_space<semaphore_mem>>)
        } else {
        }
      } else {
      }
    }
    %scan3A_36 = arith.constant 98 : i32
    %add3A_37 = arith.constant 0 : i32
    %add3A_38 = arith.addi %add3A, %add3A_37 : i32
    %mul3A_39 = arith.constant 160 : i32
    %mul3A_40 = arith.muli %add3A_38, %mul3A_39 : i32
    %dma_wait3A = arith.constant 0 : i32
    %dma_wait3A_41 = tpu.memref_slice %arg5[%mul3A_40, %dma_wait3A] : memref<1000000x64xf32, #tpu.memory_space<hbm>> -> memref<160x64xf32, #tpu.memory_space<hbm>>
    %dma_wait3A_42 = arith.constant 0 : i32
    %dma_wait3A_43 = tpu.memref_slice %arg5[%mul3A_40, %dma_wait3A_42] : memref<1000000x64xf32, #tpu.memory_space<hbm>> -> memref<160x64xf32, #tpu.memory_space<hbm>>
    tpu.wait_dma2 semaphore(%arg20 : memref<!tpu.dma_semaphore, #tpu.memory_space<semaphore_mem>>) src(%arg10 : memref<160x64xf32, #tpu.memory_space<vmem>>) dst(%dma_wait3A_43 : memref<160x64xf32, #tpu.memory_space<hbm>>)
    %add3A_44 = arith.constant 0 : i32
    %add3A_45 = arith.addi %add3A, %add3A_44 : i32
    %mul3A_46 = arith.constant 160 : i32
    %mul3A_47 = arith.muli %add3A_45, %mul3A_46 : i32
    %dma_wait3A_48 = arith.constant 0 : i32
    %dma_wait3A_49 = tpu.memref_slice %arg5[%mul3A_47, %dma_wait3A_48] : memref<1000000x64xf32, #tpu.memory_space<hbm>> -> memref<160x64xf32, #tpu.memory_space<hbm>>
    %dma_wait3A_50 = arith.constant 0 : i32
    %dma_wait3A_51 = tpu.memref_slice %arg5[%mul3A_47, %dma_wait3A_50] : memref<1000000x64xf32, #tpu.memory_space<hbm>> -> memref<160x64xf32, #tpu.memory_space<hbm>>
    tpu.wait_dma2 semaphore(%arg21 : memref<!tpu.dma_semaphore, #tpu.memory_space<semaphore_mem>>) src(%arg11 : memref<160x64xf32, #tpu.memory_space<vmem>>) dst(%dma_wait3A_51 : memref<160x64xf32, #tpu.memory_space<hbm>>)
    return
  }
}

module attributes {stable_mosaic.version = 14 : i64} {
  func.func @_binning_body(%arg0: i32, %arg1: memref<1x1x25000xf32, #tpu.memory_space<vmem>>, %arg2: memref<100x1xf32, #tpu.memory_space<vmem>>, %arg3: memref<1x1x25000xi32, #tpu.memory_space<vmem>>) attributes {dimension_semantics = [#tpu.dimension_semantics<arbitrary>], iteration_bounds = array<i64: 40>, scalar_prefetch = 0 : i64, scratch_operands = 0 : i64, tpu.core_type = #tpu.core_type<tc>, window_params = [{transform_indices = @transform_0, window_bounds = array<i64: 1, 1, 25000>}, {pipeline_mode = #tpu.pipeline_mode<synchronous>, transform_indices = @transform_1, window_bounds = array<i64: 100, 1>}, {transform_indices = @transform_2, window_bounds = array<i64: 1, 1, 25000>}]} {
    %get3A = arith.constant 0 : index
    %get3A_0 = arith.constant 0 : index
    %get3A_1 = vector.load %arg2[%get3A, %get3A_0] : memref<100x1xf32, #tpu.memory_space<vmem>>, vector<100x1xf32>
    %get3A_2 = arith.constant 0 : index
    %get3A_3 = arith.constant 0 : index
    %get3A_4 = arith.constant 0 : index
    %get3A_5 = vector.load %arg1[%get3A_2, %get3A_3, %get3A_4] : memref<1x1x25000xf32, #tpu.memory_space<vmem>>, vector<1x1x25000xf32>
    %get3A_6 = vector.shape_cast %get3A_5 : vector<1x1x25000xf32> to vector<1x25000xf32>
    %le3A = vector.broadcast %get3A_1 : vector<100x1xf32> to vector<100x25000xf32>
    %le3A_7 = vector.broadcast %get3A_6 : vector<1x25000xf32> to vector<100x25000xf32>
    %le3A_8 = arith.cmpf ole, %le3A, %le3A_7 : vector<100x25000xf32>
    %convert_element_type3A = arith.extui %le3A_8 : vector<100x25000xi1> to vector<100x25000xi32>
    %convert_element_type3A_9 = arith.sitofp %convert_element_type3A : vector<100x25000xi32> to vector<100x25000xf32>
    %convert_element_type3A_10 = arith.truncf %convert_element_type3A_9 : vector<100x25000xf32> to vector<100x25000xbf16>
    %broadcast_in_dim3A = arith.constant 1.000000e+00 : bf16
    %broadcast_in_dim3A_11 = vector.broadcast %broadcast_in_dim3A : bf16 to vector<1x100xbf16>
    %dot_general3A = arith.constant dense<0.000000e+00> : vector<1x25000xf32>
    %dot_general3A_12 = tpu.matmul %broadcast_in_dim3A_11, %convert_element_type3A_10, %dot_general3A {dimension_numbers = #tpu.dot_dimension_numbers<[1], [0], [0], [1], [0, 0, 1, 1], [], []>, transpose_lhs_hint = false} : vector<1x100xbf16>, vector<100x25000xbf16>, vector<1x25000xf32> -> vector<1x25000xf32>
    %convert_element_type3A_13 = arith.fptosi %dot_general3A_12 : vector<1x25000xf32> to vector<1x25000xi32>
    %sub3A = arith.constant 1 : i32
    %sub3A_14 = vector.broadcast %sub3A : i32 to vector<1x25000xi32>
    %sub3A_15 = arith.subi %convert_element_type3A_13, %sub3A_14 : vector<1x25000xi32>
    %jit3A = arith.constant 0 : i32
    %jit3A_16 = arith.constant 98 : i32
    %max3A = vector.broadcast %jit3A : i32 to vector<1x25000xi32>
    %max3A_17 = arith.maxsi %max3A, %sub3A_15 : vector<1x25000xi32>
    %min3A = vector.broadcast %jit3A_16 : i32 to vector<1x25000xi32>
    %min3A_18 = arith.minsi %min3A, %max3A_17 : vector<1x25000xi32>
    %swap3A = arith.constant 0 : index
    %swap3A_19 = arith.constant 0 : index
    %swap3A_20 = arith.constant 0 : index
    %swap3A_21 = vector.load %arg3[%swap3A, %swap3A_19, %swap3A_20] : memref<1x1x25000xi32, #tpu.memory_space<vmem>>, vector<1x1x25000xi32>
    %swap3A_22 = vector.shape_cast %swap3A_21 : vector<1x1x25000xi32> to vector<1x25000xi32>
    %swap3A_23 = vector.shape_cast %min3A_18 : vector<1x25000xi32> to vector<1x1x25000xi32>
    tpu.vector_store %arg3[%swap3A, %swap3A_19, %swap3A_20], %swap3A_23 {strides = array<i32>} : memref<1x1x25000xi32, #tpu.memory_space<vmem>>, vector<1x1x25000xi32>,
    return
  }
  func.func @transform_0(%arg0: i32) -> (i32, i32, i32) {
    %c0_i32 = arith.constant 0 : i32
    %c0_i32_0 = arith.constant 0 : i32
    %c0_i32_1 = arith.constant 0 : i32
    return %arg0, %c0_i32, %c0_i32_0 : i32, i32, i32
  }
  func.func @transform_1(%arg0: i32) -> (i32, i32) {
    %c0_i32 = arith.constant 0 : i32
    %c0_i32_0 = arith.constant 0 : i32
    %c0_i32_1 = arith.constant 0 : i32
    return %c0_i32, %c0_i32_0 : i32, i32
  }
  func.func @transform_2(%arg0: i32) -> (i32, i32, i32) {
    %c0_i32 = arith.constant 0 : i32
    %c0_i32_0 = arith.constant 0 : i32
    %c0_i32_1 = arith.constant 0 : i32
    return %arg0, %c0_i32, %c0_i32_0 : i32, i32, i32
  }
}

module attributes {stable_mosaic.version = 14 : i64} {
  func.func @_table_body(%arg0: memref<99x64xf32, #tpu.memory_space<vmem>>, %arg1: memref<99x64xf32, #tpu.memory_space<vmem>>, %arg2: memref<99x64xf32, #tpu.memory_space<vmem>>, %arg3: memref<99x64xf32, #tpu.memory_space<vmem>>, %arg4: memref<1xi32, #tpu.memory_space<smem>>, %arg5: memref<99x128xf32, #tpu.memory_space<vmem>>) attributes {dimension_semantics = [], scalar_prefetch = 0 : i64, scratch_operands = 0 : i64, tpu.core_type = #tpu.core_type<tc>} {
    %get3A = arith.constant 0 : index
    %get3A_0 = arith.constant 0 : index
    %get3A_1 = vector.load %arg3[%get3A, %get3A_0] : memref<99x64xf32, #tpu.memory_space<vmem>>, vector<99x64xf32>
    %get3A_2 = arith.constant 0 : index
    %get3A_3 = arith.constant 0 : index
    %get3A_4 = vector.load %arg1[%get3A_2, %get3A_3] : memref<99x64xf32, #tpu.memory_space<vmem>>, vector<99x64xf32>
    %div3A = arith.divf %get3A_1, %get3A_4 : vector<99x64xf32>
    %sqrt3A = math.sqrt %div3A : vector<99x64xf32>
    %get3A_5 = arith.constant 0 : index
    %get3A_6 = arith.constant 0 : index
    %get3A_7 = vector.load %arg2[%get3A_5, %get3A_6] : memref<99x64xf32, #tpu.memory_space<vmem>>, vector<99x64xf32>
    %get3A_8 = arith.constant 0 : index
    %get3A_9 = arith.constant 0 : index
    %get3A_10 = vector.load %arg0[%get3A_8, %get3A_9] : memref<99x64xf32, #tpu.memory_space<vmem>>, vector<99x64xf32>
    %mul3A = arith.mulf %get3A_10, %sqrt3A : vector<99x64xf32>
    %sub3A = arith.subf %get3A_7, %mul3A : vector<99x64xf32>
    %get3A_11 = arith.constant 0 : index
    %get3A_12 = memref.load %arg4[%get3A_11] : memref<1xi32, #tpu.memory_space<smem>>
    %ge3A = arith.constant 2 : i32
    %ge3A_13 = arith.cmpi sge, %get3A_12, %ge3A : i32
    %jit3A = arith.constant 1.000000e+00 : f32
    %broadcast_in_dim3A = vector.broadcast %jit3A : f32 to vector<99x64xf32>
    %select_n3A = arith.select %ge3A_13, %sqrt3A, %broadcast_in_dim3A : vector<99x64xf32>
    %jit3A_14 = arith.constant 0.000000e+00 : f32
    %broadcast_in_dim3A_15 = vector.broadcast %jit3A_14 : f32 to vector<99x64xf32>
    %select_n3A_16 = arith.select %ge3A_13, %sub3A, %broadcast_in_dim3A_15 : vector<99x64xf32>
    %concatenate3A = tpu.concatenate %select_n3A, %select_n3A_16 in 1 : vector<99x64xf32>, vector<99x64xf32> -> vector<99x128xf32>
    %swap3A = arith.constant 0 : index
    %swap3A_17 = arith.constant 0 : index
    %swap3A_18 = vector.load %arg5[%swap3A, %swap3A_17] : memref<99x128xf32, #tpu.memory_space<vmem>>, vector<99x128xf32>
    tpu.vector_store %arg5[%swap3A, %swap3A_17], %concatenate3A {strides = array<i32>} : memref<99x128xf32, #tpu.memory_space<vmem>>, vector<99x128xf32>,
    return
  }
}

</mosaic_0001>

<sc_bundles>
// kernel: kernel.5.cloned.1.call-start
scs
__scs_entry_jumppad:
0x0: {  	(pc) =	sbr.rel $0x88, $3  }
0x1: {  	(tag) =	ssettag $0x0;
	lr =	simm.s32 $0x1  }
0x2: {  	[smem:$0x3F99] =	sst lr;
	_ =	strace $0xD0000000  }
0x3: {  	_ = 	snop  }
0x4: {  	_ = 	snop  }
0x5: {  	_ = 	snop  }
0x6: {  	_ = 	snop  }
0x7: {  	_ = 	snop  }
__scs_overlays_trampoline_lowered:
0x8: {  	[smem:$0x3FA8] =	sst s0  }
0x9: {  	[smem:$0x3FA9] =	sst s1  }
0xa: {  	[smem:$0x3FAA] =	sst s2  }
0xb: {  	[smem:$0x3FAB] =	sst s3  }
0xc: {  	[smem:$0x3FAC] =	sst s4  }
0xd: {  	[smem:$0x3FAD] =	sst s5  }
0xe: {  	[smem:$0x3FAE] =	sst s6  }
0xf: {  	[smem:$0x3FAF] =	sst s7  }
0x10: {  	[smem:$0x3FB0] =	sst s8  }
0x11: {  	[smem:$0x3FB1] =	sst s9;
	s0 =	simm.s32 @!p0 $0x0  }
0x12: {  	s1 =	sld [smem:$0x3F97];
	s0 =	simm.s32 @p0 $0x1  }
0x13: {  	[smem:$0x3FB2] =	sst s0;
	s0 =	simm.s32 @!p1 $0x0  }
0x14: {  	s2 =	sld [smem:$0x3F96];
	s0 =	simm.s32 @p1 $0x1  }
0x15: {  	[smem:$0x3FB3] =	sst s0;
	s0 =	simm.s32 @!p2 $0x0  }
0x16: {  	s3 =	sld [smem:$0x3FDB];
	s0 =	simm.s32 @p2 $0x1  }
0x17: {  	s4 =	simm.s32 $0x1BF5;
	[smem:$0x3FB5] =	sst s0  }
0x18: {  	s0 =	sld [smem:$0x3F98];
	_ =	swait.ge [sflag:s4], $0x0  }
0x19: {  	s7 =	sld [smem:$0x3F99]  }
0x1a: {  	s8 =	sadd.s32 $0xFFFFE003, lr  }
0x1b: {  	s9 =	sadd.s32 $0xFFFFFEF7, lr;
	s5 =	simm.s32 $0xFFFFFFFF;
	p2 =	slt.u32 s8, $0xFFFFF086  }
0x1c: {  	p1 =	slt.u32 s9, $0xF7A;
	s5 =	simm.s32 @!p2 $0x0  }
0x1d: {  	s5 =	simm.s32 @p1 $0x1;
	p0 =	seq.s32 s7, s2  }
0x1e: {  	s7 =	smul.u32 @!p0 $0xF7A, s2;
	p2 =	seq.s32 @!p0 s5, $0x0  }
0x1f: {  	s9 =	smul.u32 $0xF7A, s1;
	s8 =	simm.s32 @!p0 $0x1BF5;
	p2 =	por !p2, p0  }
0x20: {  	[sflag:s8] =	ssyncset.s32 @!p0 $0xFFFFF086;
	s6 =	sadd.s32 @!p0 s3, s7;
	s7 =	simm.s32 @!p0 $0x108  }
0x21: {  	s3 =	sadd.s32 s3, s9;
	s6 =	sadd.s32 @!p0 $0x88, s6;
	s7 =	simm.s32 @p2 $0x1082  }
0x22: {  	[simem:s7], [sflag:s8] =	dma.local @!p0 [hbm:s6], $0xF7A  }
0x23: {  	s9 =	sor.u32 $0xD0000000, s2;
	s6 =	simm.s32 $0x108;
	_ =	swait.ge @!p0 [sflag:s8], $0x0  }
0x24: {  	s3 =	sadd.s32 $0x88, s3;
	s6 =	simm.s32 @!p1 $0x1082;
	[sflag:s4] =	ssyncset.s32 $0xFFFFF086  }
0x25: {  	[simem:s6], [sflag:s4] =	dma.local [hbm:s3], $0xF7A  }
0x26: {  	[smem:$0x3F99] =	sst s1;
	(tag) =	ssettag s2;
	_ =	strace s9  }
0x27: {  	s1 =	sld [smem:$0x3FA9]  }
0x28: {  	s2 =	sld [smem:$0x3FAA]  }
0x29: {  	s4 =	sld [smem:$0x3FAC]  }
0x2a: {  	p0 =	seq.s32 s5, $0x0;
	s5 =	sld [smem:$0x3FAD]  }
0x2b: {  	s6 =	sld [smem:$0x3FAE]  }
0x2c: {  	s7 =	sld [smem:$0x3FAF]  }
0x2d: {  	s3 =	simm.s32 $0x108;
	s8 =	sld [smem:$0x3FB0]  }
0x2e: {  	s3 =	simm.s32 @!p0 $0x1082;
	s9 =	sld [smem:$0x3FB1]  }
0x2f: {  	lr =	sadd.s32 s0, s3;
	s0 =	sld [smem:$0x3FA8]  }
0x30: {  	s3 =	sld [smem:$0x3FAB]  }
0x31: {  	[smem:$0x3FB4] =	sst s10  }
0x32: {  	s10 =	sld [smem:$0x3FB2];
	_ =	sdelay $0x3  }
0x33: {  	p0 =	seq.s32 s10, $0x1;
	s10 =	sld [smem:$0x3FB4];
	_ =	sdelay $0x3  }
0x34: {  	[smem:$0x3FB4] =	sst s10  }
0x35: {  	s10 =	sld [smem:$0x3FB3];
	_ =	sdelay $0x3  }
0x36: {  	p1 =	seq.s32 s10, $0x1;
	s10 =	sld [smem:$0x3FB4];
	_ =	sdelay $0x3  }
0x37: {  	[smem:$0x3FB4] =	sst s10  }
0x38: {  	s10 =	sld [smem:$0x3FB5]  }
0x39: {  	_ = 	snop;
	(pc) =	sbr.ind lr, $3  }
0x3a: {  	_ = 	snop  }
0x3b: {  	_ = 	snop  }
0x3c: {  	p2 =	seq.s32 s10, $0x1;
	s10 =	sld [smem:$0x3FB4]  }
0x3d: {  	_ =	shalt  }
0x3e: {  	_ =	shalt  }
0x3f: {  	_ =	shalt  }
0x40: {  	_ =	shalt  }
0x41: {  	_ =	shalt  }
0x42: {  	_ =	shalt  }
0x43: {  	_ =	shalt  }
0x44: {  	_ =	shalt  }
0x45: {  	_ =	shalt  }
0x46: {  	_ =	shalt  }
0x47: {  	_ =	shalt  }
0x48: {  	_ =	shalt  }
0x49: {  	_ =	shalt  }
0x4a: {  	_ =	shalt  }
0x4b: {  	_ =	shalt  }
0x4c: {  	_ =	shalt  }
0x4d: {  	_ =	shalt  }
0x4e: {  	_ =	shalt  }
0x4f: {  	_ =	shalt  }
0x50: {  	_ =	shalt  }
0x51: {  	_ =	shalt  }
0x52: {  	_ =	shalt  }
0x53: {  	_ =	shalt  }
0x54: {  	_ =	shalt  }
0x55: {  	_ =	shalt  }
0x56: {  	_ =	shalt  }
0x57: {  	_ =	shalt  }
0x58: {  	_ =	shalt  }
0x59: {  	_ =	shalt  }
0x5a: {  	_ =	shalt  }
0x5b: {  	_ =	shalt  }
0x5c: {  	_ =	shalt  }
0x5d: {  	_ =	shalt  }
0x5e: {  	_ =	shalt  }
0x5f: {  	_ =	shalt  }
0x60: {  	_ =	shalt  }
0x61: {  	_ =	shalt  }
0x62: {  	_ =	shalt  }
0x63: {  	_ =	shalt  }
0x64: {  	_ =	shalt  }
0x65: {  	_ =	shalt  }
0x66: {  	_ =	shalt  }
0x67: {  	_ =	shalt  }
0x68: {  	_ =	shalt  }
0x69: {  	_ =	shalt  }
0x6a: {  	_ =	shalt  }
0x6b: {  	_ =	shalt  }
0x6c: {  	_ =	shalt  }
0x6d: {  	_ =	shalt  }
0x6e: {  	_ =	shalt  }
0x6f: {  	_ =	shalt  }
0x70: {  	_ =	shalt  }
0x71: {  	_ =	shalt  }
0x72: {  	_ =	shalt  }
0x73: {  	_ =	shalt  }
0x74: {  	_ =	shalt  }
0x75: {  	_ =	shalt  }
0x76: {  	_ =	shalt  }
0x77: {  	_ =	shalt  }
0x78: {  	_ =	shalt  }
0x79: {  	_ =	shalt  }
0x7a: {  	_ =	shalt  }
0x7b: {  	_ =	shalt  }
0x7c: {  	_ =	shalt  }
0x7d: {  	_ =	shalt  }
0x7e: {  	_ =	shalt  }
0x7f: {  	_ =	shalt  }
0x80: {  	_ =	shalt  }
0x81: {  	_ =	shalt  }
0x82: {  	_ =	shalt  }
0x83: {  	_ =	shalt  }
0x84: {  	_ =	shalt  }
0x85: {  	_ =	shalt  }
0x86: {  	_ =	shalt  }
0x87: {  	_ =	shalt  }
.Lfunc_end0:
.L_simem_size_0:
called_computation_lowered:
.L_overlay_start_0:
0x88: {  	s2 =	sld [smem:$0x3FD9]  }
0x89: {  	s3 =	sld [smem:$0x3FFE];
	_ =	sdelay $0x1  }
0x8a: {  	s1 =	srdreg.scid  }
0x8b: {  	s0 =	sand.u32 $0x1, s1  }
0x8c: {  	s17 =	sshll.u32 s0, $0xA;
	s2 =	sadd.s32 s3, s2  }
0x8d: {  	s2 =	sadd.s32 s2, s17  }
0x8e: {  	[smem:$0x3FC0] =	sst s2  }
0x8f: {  	_ = 	snop  }
0x90: {  	s2 =	sld [smem:$0x3FD0];
	(tm) =	ssettm $0x1  }
0x91: {  	s18 =	sld [smem:$0x3FFB];
	_ =	sdelay $0x3  }
0x92: {  	_ =	strace s18  }
0x93: {  	s3 =	sld [smem:$0x3FFC];
	_ =	sdelay $0x3  }
0x94: {  	_ =	strace s3  }
0x95: {  	s3 =	sld [smem:$0x3FFD];
	_ =	sdelay $0x3  }
0x96: {  	_ =	strace s3  }
0x97: {  	_ =	strace $0x8FFFFFFF  }
0x98: {  	s19 =	sld [smem:$0x3FDB];
	_ =	sdelay $0x1  }
0x99: {  	s4 =	simm.s32 $_scs_section_size  }
0x9a: {  	s5 =	simm.s32 $_size__tile_overlayer_lowered;
	s6 =	simm.s32 $_tile_overlayer_lowered  }
0x9b: {  	s22 =	simm.s32 $0x1BFF;
	s21 =	sshll.u32 s6, $0x1;
	s3 =	sadd.s32 s4, s19  }
0x9c: {  	s7 =	simm.s32 $0x0;
	s20 =	sshll.u32 s5, $0x1;
	s5 =	sadd.s32 s21, s3  }
0x9d: {  	[timem:s7], [sflag:s22] =	dma.local [hbm:s5], s20  }
0x9e: {  	_ =	swait.ge [sflag:s22], s20  }
0x9f: {  	s4 =	ssub.s32 $0x0, s20;
	[sflag:s22] =	ssyncset.done $0x0  }
0xa0: {  	[sflag:s22] =	ssyncadd.s32 s4;
	_ =	sdelay $0x1  }
0xa1: {  	s23 =	simm.s32 $0x1B8B  }
0xa2: {  	_ =	swait.ge [sflag:s23], $0x1  }
0xa3: {  	[sflag:s23] =	ssyncset.done $0x0  }
0xa4: {  	s25 =	simm.s32 $0x1B8E;
	s24 =	sld [smem:$0x3FFE];
	[sflag:s23] =	ssyncadd.s32 $0xFFFFFFFF  }
0xa5: {  	s26 =	simm.s32 $execute0_lowered;
	[smem:$0x3FD2] =	sst s25  }
0xa6: {  	s5 =	sshll.u32 s26, $0x1;
	_ =	strace $0x80000046;
	[dreg:$0x1] =	wrdreg $0xFFFFFFFF  }
0xa7: {  	s28 =	simm.s32 $_size_execute0_lowered;
	s3 =	sadd.s32 s3, s5;
	[dreg:$0x0] =	wrdreg $0x0  }
0xa8: {  	s5 =	sshll.u32 s28, $0x1;
	[dreg:$0x2] =	wrdreg s3  }
0xa9: {  	[dreg:$0x3] =	wrdreg s5  }
0xaa: {  	[dreg:$0x4] =	wrdreg $0xC0  }
0xab: {  	_ =	task [dreg:s7], $0x5FFFF  }
0xac: {  	[dreg:$0x1] =	wrdreg $0xFFFFFFFF  }
0xad: {  	[dreg:$0x0] =	wrdreg $0x60  }
0xae: {  	[dreg:$0x2] =	wrdreg s24  }
0xaf: {  	[dreg:$0x3] =	wrdreg s2  }
0xb0: {  	[dreg:$0x4] =	wrdreg $0x9  }
0xb1: {  	_ =	task.clear_ibuf [dreg:s7], $0x5FFFF;
	_ =	strace $0x90000046  }
0xb2: {  	s29 =	simm.s32 $0x9;
	_ =	strace $0x80000048  }
0xb3: {  	_ =	swait.ge [sflag:s29], $0x1  }
0xb4: {  	[sflag:s29] =	ssyncadd.s32 $0xFFFFFFFF  }
0xb5: {  	_ =	strace $0x90000048  }
0xb6: {  	_ =	sfence  }
0xb7: {  	s30 =	sld [smem:$0x0];
	_ =	sdelay $0x2  }
0xb8: {  	s31 =	sshll.u32 s1, $0xD;
	s1 =	sshrl.u32 s1, $0x2  }
0xb9: {  	s3 =	sand.u32 $0x4000, s31;
	s1 =	sadd.s32 s1, s30  }
0xba: {  	s0 =	sor.u32 s3, s0;
	s1 =	sshll.u32 s1, $0x11  }
0xbb: {  	s0 =	sor.u32 s1, s0  }
0xbc: {  	s0 =	sadd.s32 $0x8F2B, s0  }
0xbd: {  	[sflag:s0] =	ssyncadd.remote.s32 $0x1  }
0xbe: {  	_ =	sfence.sel $0xFFFF  }
0xbf: {  	[dreg:$0x0] =	wrdreg $0xFFFFFFFF;
	(pc) =	sbr.abs _section_cstart, $3  }
0xc0: {  	[dreg:$0x1] =	wrdreg $0xFFFFFFFF  }
0xc1: {  	_ =	task.clear_ibuf [dreg:s7], $0x2FFFF;
	_ =	strace $0x9FFFFFFF  }
0xc2: {  	(tm) =	ssettm $0x7FFFFFFF  }
0xc3: {  	_ =	shalt  }
tec
execute0_lowered:
.L_overlay_start_1:
0x0: {  	(tag) =	ssettag $0x1  }
0x1: {  	s6 =	rddreg [dreg:$0x0]  }
0x2: {  	s2 =	rddreg [dreg:$0x1]  }
0x3: {  	s0 =	rddreg [dreg:$0x2];
	s3 =	simm.s32 $0x0  }
0x4: {  	s4 =	srdreg.scid;
	s1 =	stileid.u32;
	s13 =	simm.s32 $0x7  }
0x5: {  	s14 =	simm.s32 $0x3;
	s15 =	simm.s32 $0x14000;
	s16 =	simm.s32 $0x4  }
0x6: {  	s17 =	simm.s32 $0x19000;
	s18 =	simm.s32 $0x5;
	s19 =	simm.s32 $0x6  }
0x7: {  	s20 =	simm.s32 $0x0;
	[smem:$0x7FF] =	sst s3;
	s7 =	sand.u32 $0x1, s4  }
0x8: {  	s5 =	sshll.u32 s1, $0x1;
	s4 =	sadd.s32 $0x2C00, s6;
	s6 =	sadd.s32 $0xF45000, s6  }
.Ltmp0:
0x9: {  	s5 =	sor.u32 s7, s5;
	s7 =	ssub.s32 $0x2, s7;
	(pc) =	sbr.rel .LBB2_1-.Ltmp0, $4  }
0xa: {  	_ =	strace $0x80000047;
	s8 =	smul.u32 $0x14, s5;
	s9 =	sshrl.u32 s7, $0x1  }
0xb: {  	s10 =	ssub.s32 $0x1869, s5;
	s11 =	smul.u32 $0xA00, s5;
	s12 =	ssub.s32 s7, s9  }
0xc: {  	s7 =	sshrl.u32 s10, $0x5;
	s10 =	sor.u32 $0x20, s5;
	s8 =	sadd.s32 s2, s8  }
0xd: {  	s9 =	sadd.s32 s4, s11;
	s11 =	smax.u32 s12, $0x1;
	s12 =	simm.s32 $0x1E000  }
.LBB2_9:
0xe: {  	s20 =	sadd.s32 $0x1, s20  }
0xf: {  	_ =	swait.ge [sflag:s18], $0x5000;
	p0 =	sne.s32 s20, s11  }
.Ltmp1:
0x10: {  	[sflag:s18] =	ssyncset.done $0x0;
	(pc) =	sbr.rel @!p0 .LBB2_10-.Ltmp1, $4  }
0x11: {  	[sflag:s18] =	ssyncadd.s32 $0xFFFFB000  }
0x12: {  	_ =	swait.ge [sflag:s19], $0x5000  }
0x13: {  	[sflag:s19] =	ssyncset.done $0x0  }
0x14: {  	[sflag:s19] =	ssyncadd.s32 $0xFFFFB000  }
.LBB2_1:
0x15: {  	[tilespmem:s12], [sflag:$0x7] =	stream.linear.gather [hbm4b:s8+s3], $0xA0, $0x38;
	[tilespmem:$0x1E200] =	vst v63  }
.Ltmp2:
0x16: {  	_ = 	snop;
	(pc) =	sbr.rel .LBB2_2-.Ltmp2, $4  }
0x17: {  	_ =	swait.ge [sflag:s13], $0xA0  }
0x18: {  	[sflag:s13] =	ssyncset.done $0x0  }
0x19: {  	s21 =	simm.s32 $0x0;
	[sflag:s13] =	ssyncadd.s32 $0xFFFFFF60  }
0x1a: {  	[tilespmem:s3], [sflag:$0x3] =	stream.linear.gather [hbm4b:s9+s3], $0x5000, $0x38;
	[tilespmem:$0x1E200] =	vst v63  }
.LBB2_8:
0x1b: {  	s21 =	sadd.s32 $0x1, s21  }
0x1c: {  	p0 =	sne.s32 s21, $0x62  }
.Ltmp3:
0x1d: {  	_ = 	snop;
	(pc) =	sbr.rel @!p0 .LBB2_9-.Ltmp3, $1  }
0x1e: {  	_ =	sdelay $0x3  }
.LBB2_2:
0x1f: {  	s23 =	sshll.u32 s21, $0x1  }
0x20: {  	s22 =	sshllo.u32 s21, $0x1;
	p0 =	sge.u32 s23, s7  }
0x21: {  	s22 =	sshll.u32 @!p0 s22, $0x5  }
0x22: {  	s24 =	sor.u32 @!p0 s5, s22  }
0x23: {  	s22 =	smul.u32 @!p0 $0x14, s24;
	_ =	sdelay $0x1  }
0x24: {  	s25 =	simm.s32 @!p0 $0x0;
	s26 =	simm.s32 @!p0 $0x1E100;
	s22 =	sadd.s32 @!p0 s2, s22  }
0x25: {  	[tilespmem:s26], [sflag:$0x2] =	stream.linear.gather @!p0 [hbm4b:s22+s25], $0xA0, $0x38;
	[tilespmem:$0x1E200] =	vst v63  }
0x26: {  	_ =	swait.ge [sflag:s14], $0x5000  }
0x27: {  	[sflag:s14] =	ssyncset.done $0x0  }
0x28: {  	s22 =	simm.s32 $0x0;
	[sflag:s14] =	ssyncadd.s32 $0xFFFFB000  }
0x29: {  	v0 =	vld [tilespmem:s22+$0x3B0]  }
0x2a: {  	v1 =	vld [tilespmem:s22+$0xA3B0]  }
0x2b: {  	v2 =	vld [tilespmem:s22+$0x0]  }
0x2c: {  	v3 =	vld [tilespmem:s22+$0xA3F0]  }
0x2d: {  	v4 =	vld [tilespmem:s22+$0xA000]  }
0x2e: {  	v5 =	vld [tilespmem:s22+$0x10]  }
0x2f: {  	v6 =	vld [tilespmem:s22+$0xA010]  }
0x30: {  	v9 =	vld [tilespmem:s22+$0x20]  }
0x31: {  	v7 =	vld [tilespmem:s22+$0xA020]  }
0x32: {  	v8 =	vld [tilespmem:s22+$0xA030]  }
0x33: {  	v11 =	vld [tilespmem:s22+$0x80]  }
0x34: {  	v10 =	vld [tilespmem:s22+$0xA080]  }
0x35: {  	v13 =	vld [tilespmem:s22+$0x90]  }
0x36: {  	v12 =	vld [tilespmem:s22+$0xA090]  }
0x37: {  	v15 =	vld [tilespmem:s22+$0xA0]  }
0x38: {  	v14 =	vld [tilespmem:s22+$0xA0A0]  }
0x39: {  	v17 =	vld [tilespmem:s22+$0xB0]  }
0x3a: {  	v16 =	vld [tilespmem:s22+$0xA0B0]  }
0x3b: {  	v19 =	vld [tilespmem:s22+$0x100]  }
0x3c: {  	v18 =	vld [tilespmem:s22+$0xA100]  }
0x3d: {  	v21 =	vld [tilespmem:s22+$0x110]  }
0x3e: {  	v20 =	vld [tilespmem:s22+$0xA110]  }
0x3f: {  	v23 =	vld [tilespmem:s22+$0x120]  }
0x40: {  	v22 =	vld [tilespmem:s22+$0xA120]  }
0x41: {  	v25 =	vld [tilespmem:s22+$0x130]  }
0x42: {  	v24 =	vld [tilespmem:s22+$0xA130]  }
0x43: {  	v27 =	vld [tilespmem:s22+$0x180]  }
0x44: {  	v26 =	vld [tilespmem:s22+$0xA180]  }
0x45: {  	v29 =	vld [tilespmem:s22+$0x190]  }
0x46: {  	v28 =	vld [tilespmem:s22+$0xA190]  }
0x47: {  	v31 =	vld [tilespmem:s22+$0x1A0]  }
0x48: {  	v30 =	vld [tilespmem:s22+$0xA1A0]  }
0x49: {  	v33 =	vld [tilespmem:s22+$0x1B0]  }
0x4a: {  	v32 =	vld [tilespmem:s22+$0xA1B0]  }
0x4b: {  	v35 =	vld [tilespmem:s22+$0x200]  }
0x4c: {  	v34 =	vld [tilespmem:s22+$0xA200]  }
0x4d: {  	v37 =	vld [tilespmem:s22+$0x210]  }
0x4e: {  	v36 =	vld [tilespmem:s22+$0xA210]  }
0x4f: {  	v39 =	vld [tilespmem:s22+$0x220]  }
0x50: {  	v38 =	vld [tilespmem:s22+$0xA220]  }
0x51: {  	v41 =	vld [tilespmem:s22+$0x230]  }
0x52: {  	v40 =	vld [tilespmem:s22+$0xA230]  }
0x53: {  	v43 =	vld [tilespmem:s22+$0x280]  }
0x54: {  	v42 =	vld [tilespmem:s22+$0xA280]  }
0x55: {  	v45 =	vld [tilespmem:s22+$0x290]  }
0x56: {  	v44 =	vld [tilespmem:s22+$0xA290]  }
0x57: {  	v47 =	vld [tilespmem:s22+$0x2A0]  }
0x58: {  	v46 =	vld [tilespmem:s22+$0xA2A0]  }
0x59: {  	v49 =	vld [tilespmem:s22+$0x2B0]  }
0x5a: {  	v48 =	vld [tilespmem:s22+$0xA2B0];
	v0 =	vmul.f32 v1, v0  }
0x5b: {  	v56 =	vld [tilespmem:s22+$0x300]  }
0x5c: {  	v50 =	vld [tilespmem:s22+$0xA300];
	v0 =	vadd.f32 v3, v0  }
0x5d: {  	v51 =	vld [tilespmem:s22+$0xA310]  }
0x5e: {  	[tilespmem:s22+$0x143B0] =	vst v0;
	v0 =	vld [tilespmem:s22+$0x310]  }
0x5f: {  	v52 =	vld [tilespmem:s22+$0x320]  }
0x60: {  	v53 =	vld [tilespmem:s22+$0xA320]  }
0x61: {  	v54 =	vld [tilespmem:s22+$0x330]  }
0x62: {  	v55 =	vld [tilespmem:s22+$0xA330]  }
0x63: {  	[tilespmem:$0x1FFE0] =	vst v0;
	v0 =	vld [tilespmem:s22+$0x380]  }
0x64: {  	v62 =	vld [tilespmem:s22+$0xA040]  }
0x65: {  	v3 =	vld [tilespmem:s22+$0x30]  }
0x66: {  	v63 =	vld [tilespmem:s22+$0xA050]  }
0x67: {  	v2 =	vmul.f32 v4, v2;
	v4 =	vld [tilespmem:s22+$0xA070]  }
0x68: {  	[tilespmem:$0x1FFF0] =	vst v0;
	v0 =	vld [tilespmem:s22+$0xA060]  }
0x69: {  	v1 =	vld [tilespmem:s22+$0xA0C0]  }
0x6a: {  	v5 =	vmul.f32 v6, v5;
	v6 =	vld [tilespmem:s22+$0xA0D0];
	v3 =	vmul.f32 v8, v3  }
0x6b: {  	v57 =	vld [tilespmem:s22+$0xA380];
	v7 =	vmul.f32 v7, v9;
	v2 =	vadd.f32 v62, v2  }
0x6c: {  	v62 =	vld [tilespmem:s22+$0xA0E0];
	v5 =	vadd.f32 v63, v5;
	v3 =	vadd.f32 v4, v3  }
0x6d: {  	v58 =	vld [tilespmem:s22+$0x390];
	[tilespmem:s22+$0x14000] =	vst v2;
	v4 =	vmul.f32 v12, v13;
	v0 =	vadd.f32 v0, v7;
	v7 =	vmul.f32 v10, v11  }
0x6e: {  	v2 =	vld [tilespmem:s22+$0xA0F0];
	[tilespmem:s22+$0x14010] =	vst v5  }
0x6f: {  	v5 =	vld [tilespmem:s22+$0xA140];
	[tilespmem:s22+$0x14030] =	vst v3;
	v4 =	vadd.f32 v6, v4;
	v1 =	vadd.f32 v1, v7;
	v7 =	vmul.f32 v14, v15  }
0x70: {  	[tilespmem:s22+$0x14020] =	vst v0;
	v0 =	vld [tilespmem:s22+$0xA150]  }
0x71: {  	v3 =	vld [tilespmem:s22+$0xA160];
	v6 =	vmul.f32 v16, v17;
	[tilespmem:s22+$0x14090] =	vst v4;
	v7 =	vadd.f32 v62, v7  }
0x72: {  	v8 =	vmul.f32 v18, v19;
	[tilespmem:s22+$0x14080] =	vst v1;
	v1 =	vld [tilespmem:s22+$0xA170]  }
0x73: {  	v4 =	vld [tilespmem:s22+$0xA1C0];
	v2 =	vadd.f32 v2, v6;
	[tilespmem:s22+$0x140A0] =	vst v7;
	v7 =	vmul.f32 v20, v21  }
0x74: {  	v5 =	vadd.f32 v5, v8;
	v8 =	vmul.f32 v22, v23;
	v6 =	vld [tilespmem:s22+$0xA1D0]  }
0x75: {  	[tilespmem:s22+$0x140B0] =	vst v2;
	v2 =	vld [tilespmem:s22+$0xA1E0];
	v0 =	vadd.f32 v0, v7;
	v7 =	vmul.f32 v24, v25  }
0x76: {  	[tilespmem:s22+$0x14100] =	vst v5;
	v5 =	vld [tilespmem:s22+$0xA1F0];
	v3 =	vadd.f32 v3, v8;
	v8 =	vmul.f32 v26, v27  }
0x77: {  	[tilespmem:s22+$0x14110] =	vst v0;
	v0 =	vld [tilespmem:s22+$0xA240];
	v1 =	vadd.f32 v1, v7;
	v7 =	vmul.f32 v28, v29  }
0x78: {  	[tilespmem:s22+$0x14120] =	vst v3;
	v3 =	vld [tilespmem:s22+$0xA250];
	v4 =	vadd.f32 v4, v8;
	v8 =	vmul.f32 v30, v31  }
0x79: {  	[tilespmem:s22+$0x14130] =	vst v1;
	v1 =	vld [tilespmem:s22+$0xA260];
	v6 =	vadd.f32 v6, v7;
	v7 =	vmul.f32 v32, v33  }
0x7a: {  	[tilespmem:s22+$0x14180] =	vst v4;
	v4 =	vld [tilespmem:s22+$0xA270];
	v2 =	vadd.f32 v2, v8;
	v8 =	vmul.f32 v34, v35  }
0x7b: {  	[tilespmem:s22+$0x14190] =	vst v6;
	v6 =	vld [tilespmem:s22+$0xA2C0];
	v5 =	vadd.f32 v5, v7  }
0x7c: {  	v59 =	vld [tilespmem:s22+$0xA390];
	v0 =	vadd.f32 v0, v8;
	v8 =	vmul.f32 v38, v39  }
0x7d: {  	v7 =	vmul.f32 v36, v37;
	[tilespmem:s22+$0x141B0] =	vst v5;
	v5 =	vld [tilespmem:s22+$0xA2E0]  }
0x7e: {  	v60 =	vld [tilespmem:s22+$0x3A0];
	[tilespmem:s22+$0x14200] =	vst v0;
	v0 =	vmul.f32 v40, v41;
	v1 =	vadd.f32 v1, v8;
	v8 =	vmul.f32 v42, v43  }
0x7f: {  	v61 =	vld [tilespmem:s22+$0xA3A0];
	v3 =	vadd.f32 v3, v7  }
0x80: {  	[tilespmem:s22+$0x141A0] =	vst v2;
	v2 =	vld [tilespmem:s22+$0xA2D0];
	v0 =	vadd.f32 v4, v0;
	v4 =	vadd.f32 v6, v8;
	v6 =	vmul.f32 v46, v47  }
0x81: {  	[tilespmem:s22+$0x14210] =	vst v3;
	v3 =	vld [tilespmem:s22+$0xA340]  }
0x82: {  	v7 =	vld [tilespmem:s22+$0xA2F0];
	[tilespmem:s22+$0x14280] =	vst v4;
	v4 =	vadd.f32 v5, v6  }
0x83: {  	[tilespmem:s22+$0x14220] =	vst v1;
	v6 =	vld [tilespmem:$0x1FFE0]  }
0x84: {  	v10 =	vld [tilespmem:s22+$0xA350];
	v1 =	vmul.f32 v44, v45;
	[tilespmem:s22+$0x142A0] =	vst v4;
	v4 =	vmul.f32 v50, v56  }
0x85: {  	v62 =	vld [tilespmem:s22+$0xA360]  }
0x86: {  	v1 =	vadd.f32 v2, v1;
	v2 =	vmul.f32 v48, v49;
	v63 =	vadd.f32 v3, v4;
	v3 =	vld [tilespmem:$0x1FFF0]  }
0x87: {  	[tilespmem:s22+$0x14230] =	vst v0;
	v0 =	vld [tilespmem:s22+$0xA370]  }
0x88: {  	[tilespmem:s22+$0x14290] =	vst v1;
	v1 =	vld [tilespmem:s22+$0xA3C0];
	v5 =	vadd.f32 v7, v2;
	v6 =	vmul.f32 v51, v6  }
0x89: {  	v2 =	vld [tilespmem:s22+$0xA3D0];
	v7 =	vmul.f32 v53, v52  }
0x8a: {  	s26 =	simm.s32 $0x400;
	v9 =	vmul.f32 v61, v60;
	[tilespmem:s22+$0x142B0] =	vst v5;
	v5 =	vmul.f32 v55, v54;
	v4 =	vld [tilespmem:s22+$0xA3E0];
	v6 =	vadd.f32 v10, v6  }
0x8b: {  	s25 =	simm.s32 $0x2000;
	v8 =	vmul.f32 v59, v58;
	v7 =	vadd.f32 v62, v7;
	v11 =	vmul.f32 v57, v3;
	v3 =	vld [tilespmem:s26+$0x3B0];
	[tilespmem:s22+$0x14300] =	vst v63  }
.LBB2_3:
0x8c: {  	p1 =	sne.s32 s25, $0x13000;
	v10 =	vld [tilespmem:s26+$0xA3B0];
	[tilespmem:s22+$0x14310] =	vst v6;
	v0 =	vadd.f32 v0, v5  }
0x8d: {  	v5 =	vld [tilespmem:s26+$0x0];
	[tilespmem:s22+$0x14320] =	vst v7;
	v1 =	vadd.f32 v1, v11  }
0x8e: {  	v6 =	vld [tilespmem:s26+$0xA3F0];
	[tilespmem:s22+$0x14330] =	vst v0;
	v0 =	vadd.f32 v2, v8  }
0x8f: {  	v2 =	vld [tilespmem:s26+$0xA000];
	[tilespmem:s22+$0x14380] =	vst v1;
	v1 =	vadd.f32 v4, v9  }
0x90: {  	v4 =	vld [tilespmem:s26+$0x10];
	[tilespmem:s22+$0x14390] =	vst v0  }
0x91: {  	v7 =	vld [tilespmem:s26+$0xA010];
	v0 =	vmul.f32 v10, v3;
	[tilespmem:s22+$0x143A0] =	vst v1;
	s22 =	smov.u32 s26  }
0x92: {  	v3 =	vld [tilespmem:s22+$0x20]  }
0x93: {  	v8 =	vld [tilespmem:s22+$0xA020];
	v1 =	vadd.f32 v6, v0  }
0x94: {  	v0 =	vmul.f32 v2, v5;
	v5 =	vld [tilespmem:s22+$0x30]  }
0x95: {  	v6 =	vld [tilespmem:s22+$0xA030];
	[tilespmem:s22+$0x143B0] =	vst v1  }
0x96: {  	v1 =	vmul.f32 v7, v4;
	v4 =	vld [tilespmem:s22+$0x80]  }
0x97: {  	v7 =	vld [tilespmem:s22+$0xA080]  }
0x98: {  	v2 =	vmul.f32 v8, v3;
	v8 =	vld [tilespmem:s22+$0x90]  }
0x99: {  	v9 =	vld [tilespmem:s22+$0xA090]  }
0x9a: {  	v3 =	vmul.f32 v6, v5;
	v5 =	vld [tilespmem:s22+$0xA0]  }
0x9b: {  	v10 =	vld [tilespmem:s22+$0xA0A0]  }
0x9c: {  	v4 =	vmul.f32 v7, v4;
	v11 =	vld [tilespmem:s22+$0xB0]  }
0x9d: {  	v12 =	vld [tilespmem:s22+$0xA0B0]  }
0x9e: {  	v6 =	vmul.f32 v9, v8;
	v8 =	vld [tilespmem:s22+$0x100]  }
0x9f: {  	v9 =	vld [tilespmem:s22+$0xA100]  }
0xa0: {  	v7 =	vmul.f32 v10, v5;
	v5 =	vld [tilespmem:s22+$0x110]  }
0xa1: {  	v13 =	vld [tilespmem:s22+$0xA110]  }
0xa2: {  	v10 =	vmul.f32 v12, v11;
	v11 =	vld [tilespmem:s22+$0x120]  }
0xa3: {  	v14 =	vld [tilespmem:s22+$0xA120]  }
0xa4: {  	v12 =	vmul.f32 v9, v8;
	v8 =	vld [tilespmem:s22+$0x130]  }
0xa5: {  	v9 =	vld [tilespmem:s22+$0xA130]  }
0xa6: {  	v13 =	vmul.f32 v13, v5;
	v5 =	vld [tilespmem:s22+$0x180]  }
0xa7: {  	v16 =	vld [tilespmem:s22+$0xA180]  }
0xa8: {  	v14 =	vmul.f32 v14, v11;
	v11 =	vld [tilespmem:s22+$0x190]  }
0xa9: {  	v17 =	vld [tilespmem:s22+$0xA190]  }
0xaa: {  	v15 =	vmul.f32 v9, v8;
	v8 =	vld [tilespmem:s22+$0x1A0]  }
0xab: {  	v9 =	vld [tilespmem:s22+$0xA1A0]  }
0xac: {  	v16 =	vmul.f32 v16, v5;
	v5 =	vld [tilespmem:s22+$0x1B0]  }
0xad: {  	v19 =	vld [tilespmem:s22+$0xA1B0]  }
0xae: {  	v17 =	vmul.f32 v17, v11;
	v11 =	vld [tilespmem:s22+$0x200]  }
0xaf: {  	v20 =	vld [tilespmem:s22+$0xA200]  }
0xb0: {  	v18 =	vmul.f32 v9, v8;
	v8 =	vld [tilespmem:s22+$0x210]  }
0xb1: {  	v9 =	vld [tilespmem:s22+$0xA210]  }
0xb2: {  	v19 =	vmul.f32 v19, v5;
	v5 =	vld [tilespmem:s22+$0x220]  }
0xb3: {  	v22 =	vld [tilespmem:s22+$0xA220]  }
0xb4: {  	v20 =	vmul.f32 v20, v11;
	v11 =	vld [tilespmem:s22+$0x230]  }
0xb5: {  	v23 =	vld [tilespmem:s22+$0xA230]  }
0xb6: {  	v21 =	vmul.f32 v9, v8;
	v8 =	vld [tilespmem:s22+$0x280]  }
0xb7: {  	v9 =	vld [tilespmem:s22+$0xA280]  }
0xb8: {  	v22 =	vmul.f32 v22, v5;
	v5 =	vld [tilespmem:s22+$0x290]  }
0xb9: {  	v25 =	vld [tilespmem:s22+$0xA290]  }
0xba: {  	v23 =	vmul.f32 v23, v11;
	v11 =	vld [tilespmem:s22+$0x2A0]  }
0xbb: {  	v26 =	vld [tilespmem:s22+$0xA2A0]  }
0xbc: {  	v24 =	vmul.f32 v9, v8;
	v8 =	vld [tilespmem:s22+$0x2B0]  }
0xbd: {  	v9 =	vld [tilespmem:s22+$0xA2B0]  }
0xbe: {  	v25 =	vmul.f32 v25, v5;
	v5 =	vld [tilespmem:s22+$0x300]  }
0xbf: {  	v28 =	vld [tilespmem:s22+$0xA300]  }
0xc0: {  	v26 =	vmul.f32 v26, v11;
	v11 =	vld [tilespmem:s22+$0x310]  }
0xc1: {  	v29 =	vld [tilespmem:s22+$0xA310]  }
0xc2: {  	v27 =	vmul.f32 v9, v8;
	v8 =	vld [tilespmem:s22+$0x320]  }
0xc3: {  	v9 =	vld [tilespmem:s22+$0xA320]  }
0xc4: {  	v30 =	vmul.f32 v28, v5;
	v5 =	vld [tilespmem:s22+$0x330]  }
0xc5: {  	v31 =	vld [tilespmem:s22+$0xA330]  }
0xc6: {  	v29 =	vmul.f32 v29, v11;
	v11 =	vld [tilespmem:s22+$0x380]  }
0xc7: {  	v32 =	vld [tilespmem:s22+$0xA380]  }
0xc8: {  	v28 =	vmul.f32 v9, v8;
	v8 =	vld [tilespmem:s22+$0x390]  }
0xc9: {  	v9 =	vld [tilespmem:s22+$0xA390]  }
0xca: {  	v5 =	vmul.f32 v31, v5;
	v31 =	vld [tilespmem:s22+$0x3A0]  }
0xcb: {  	v33 =	vld [tilespmem:s22+$0xA3A0]  }
0xcc: {  	v34 =	vld [tilespmem:s22+$0xA040];
	v11 =	vmul.f32 v32, v11  }
0xcd: {  	v32 =	vld [tilespmem:s22+$0xA050]  }
0xce: {  	v35 =	vld [tilespmem:s22+$0xA060];
	v8 =	vmul.f32 v9, v8  }
0xcf: {  	v36 =	vld [tilespmem:s22+$0xA070]  }
0xd0: {  	v37 =	vld [tilespmem:s22+$0xA0C0];
	v9 =	vmul.f32 v33, v31  }
0xd1: {  	v0 =	vadd.f32 v34, v0;
	v31 =	vld [tilespmem:s22+$0xA0D0]  }
0xd2: {  	v1 =	vadd.f32 v32, v1;
	v32 =	vld [tilespmem:s22+$0xA0E0]  }
0xd3: {  	[tilespmem:s22+$0x14000] =	vst v0;
	v0 =	vadd.f32 v35, v2;
	v2 =	vld [tilespmem:s22+$0xA0F0]  }
0xd4: {  	[tilespmem:s22+$0x14010] =	vst v1;
	v1 =	vadd.f32 v36, v3;
	v3 =	vld [tilespmem:s22+$0xA140]  }
0xd5: {  	[tilespmem:s22+$0x14020] =	vst v0;
	v0 =	vadd.f32 v37, v4;
	v4 =	vld [tilespmem:s22+$0xA150]  }
0xd6: {  	[tilespmem:s22+$0x14030] =	vst v1;
	v1 =	vadd.f32 v31, v6;
	v6 =	vld [tilespmem:s22+$0xA160]  }
0xd7: {  	[tilespmem:s22+$0x14080] =	vst v0;
	v0 =	vadd.f32 v32, v7;
	v7 =	vld [tilespmem:s22+$0xA170]  }
0xd8: {  	[tilespmem:s22+$0x14090] =	vst v1;
	v1 =	vadd.f32 v2, v10;
	v2 =	vld [tilespmem:s22+$0xA1C0]  }
0xd9: {  	[tilespmem:s22+$0x140A0] =	vst v0;
	v0 =	vadd.f32 v3, v12;
	v3 =	vld [tilespmem:s22+$0xA1D0]  }
0xda: {  	[tilespmem:s22+$0x140B0] =	vst v1;
	v1 =	vadd.f32 v4, v13;
	v4 =	vld [tilespmem:s22+$0xA1E0]  }
0xdb: {  	[tilespmem:s22+$0x14100] =	vst v0;
	v0 =	vadd.f32 v6, v14;
	v6 =	vld [tilespmem:s22+$0xA1F0]  }
0xdc: {  	[tilespmem:s22+$0x14110] =	vst v1;
	v1 =	vadd.f32 v7, v15;
	v7 =	vld [tilespmem:s22+$0xA240]  }
0xdd: {  	[tilespmem:s22+$0x14120] =	vst v0;
	v0 =	vadd.f32 v2, v16;
	v2 =	vld [tilespmem:s22+$0xA250]  }
0xde: {  	[tilespmem:s22+$0x14130] =	vst v1;
	v1 =	vadd.f32 v3, v17;
	v3 =	vld [tilespmem:s22+$0xA260]  }
0xdf: {  	[tilespmem:s22+$0x14180] =	vst v0;
	v0 =	vadd.f32 v4, v18;
	v4 =	vld [tilespmem:s22+$0xA270]  }
0xe0: {  	[tilespmem:s22+$0x14190] =	vst v1;
	v1 =	vadd.f32 v6, v19;
	v6 =	vld [tilespmem:s22+$0xA2C0]  }
0xe1: {  	[tilespmem:s22+$0x141A0] =	vst v0;
	v0 =	vadd.f32 v7, v20;
	v7 =	vld [tilespmem:s22+$0xA2D0]  }
0xe2: {  	[tilespmem:s22+$0x141B0] =	vst v1;
	v1 =	vadd.f32 v2, v21;
	v2 =	vld [tilespmem:s22+$0xA2E0]  }
0xe3: {  	[tilespmem:s22+$0x14200] =	vst v0;
	v0 =	vadd.f32 v3, v22;
	v3 =	vld [tilespmem:s22+$0xA2F0]  }
0xe4: {  	[tilespmem:s22+$0x14210] =	vst v1;
	v1 =	vadd.f32 v4, v23;
	v4 =	vld [tilespmem:s22+$0xA340]  }
0xe5: {  	[tilespmem:s22+$0x14220] =	vst v0;
	v0 =	vadd.f32 v6, v24;
	v6 =	vld [tilespmem:s22+$0xA350]  }
0xe6: {  	[tilespmem:s22+$0x14230] =	vst v1;
	v1 =	vadd.f32 v7, v25;
	v7 =	vld [tilespmem:s22+$0xA360]  }
.Ltmp4:
0xe7: {  	[tilespmem:s22+$0x14280] =	vst v0;
	v2 =	vadd.f32 v2, v26;
	v0 =	vld [tilespmem:s22+$0xA370];
	(pc) =	sbr.rel @p1 .LBB2_3-.Ltmp4, $4  }
0xe8: {  	[tilespmem:s22+$0x14290] =	vst v1;
	v3 =	vadd.f32 v3, v27;
	v1 =	vld [tilespmem:s22+$0xA3C0]  }
0xe9: {  	[tilespmem:s22+$0x142A0] =	vst v2;
	v10 =	vadd.f32 v4, v30;
	v2 =	vld [tilespmem:s22+$0xA3D0]  }
0xea: {  	s26 =	sshra.s32 s25, $0x2;
	[tilespmem:s22+$0x142B0] =	vst v3;
	v6 =	vadd.f32 v6, v29;
	v4 =	vld [tilespmem:s22+$0xA3E0]  }
0xeb: {  	s25 =	sadd.s32 $0x1000, s25;
	v3 =	vld [tilespmem:s26+$0x3B0];
	[tilespmem:s22+$0x14300] =	vst v10;
	v7 =	vadd.f32 v7, v28  }
0xec: {  	v10 =	vld [tilespmem:s26+$0xA3B0];
	[tilespmem:s22+$0x14310] =	vst v6;
	v0 =	vadd.f32 v0, v5  }
0xed: {  	v16 =	vld [tilespmem:s26+$0x0];
	[tilespmem:s22+$0x14320] =	vst v7;
	v1 =	vadd.f32 v1, v11  }
0xee: {  	v62 =	vld [tilespmem:s26+$0xA3F0];
	[tilespmem:s22+$0x14330] =	vst v0;
	v2 =	vadd.f32 v2, v8  }
0xef: {  	v6 =	vld [tilespmem:s26+$0xA000];
	[tilespmem:s22+$0x14380] =	vst v1;
	v4 =	vadd.f32 v4, v9  }
0xf0: {  	v11 =	vld [tilespmem:s26+$0x10];
	[tilespmem:s22+$0x14390] =	vst v2  }
0xf1: {  	v2 =	vld [tilespmem:s26+$0xA010];
	[tilespmem:s22+$0x143A0] =	vst v4  }
0xf2: {  	v4 =	vld [tilespmem:s26+$0x20]  }
0xf3: {  	v7 =	vld [tilespmem:s26+$0xA020]  }
0xf4: {  	v5 =	vld [tilespmem:s26+$0x30]  }
0xf5: {  	v8 =	vld [tilespmem:s26+$0xA030]  }
0xf6: {  	v9 =	vld [tilespmem:s26+$0xA080]  }
0xf7: {  	v12 =	vld [tilespmem:s26+$0x90]  }
0xf8: {  	v3 =	vmul.f32 v10, v3;
	v10 =	vld [tilespmem:s26+$0xA090]  }
0xf9: {  	v14 =	vld [tilespmem:s26+$0xA0]  }
0xfa: {  	v13 =	vld [tilespmem:s26+$0xA0A0]  }
0xfb: {  	v17 =	vld [tilespmem:s26+$0xB0]  }
0xfc: {  	v15 =	vld [tilespmem:s26+$0xA0B0]  }
0xfd: {  	v19 =	vld [tilespmem:s26+$0x100]  }
0xfe: {  	v18 =	vld [tilespmem:s26+$0xA100]  }
0xff: {  	v21 =	vld [tilespmem:s26+$0x110]  }
0x100: {  	v20 =	vld [tilespmem:s26+$0xA110]  }
0x101: {  	v23 =	vld [tilespmem:s26+$0x120]  }
0x102: {  	v22 =	vld [tilespmem:s26+$0xA120]  }
0x103: {  	v25 =	vld [tilespmem:s26+$0x130]  }
0x104: {  	v24 =	vld [tilespmem:s26+$0xA130]  }
0x105: {  	v27 =	vld [tilespmem:s26+$0x180]  }
0x106: {  	v26 =	vld [tilespmem:s26+$0xA180]  }
0x107: {  	v29 =	vld [tilespmem:s26+$0x190]  }
0x108: {  	v28 =	vld [tilespmem:s26+$0xA190]  }
0x109: {  	v31 =	vld [tilespmem:s26+$0x1A0]  }
0x10a: {  	v30 =	vld [tilespmem:s26+$0xA1A0]  }
0x10b: {  	v33 =	vld [tilespmem:s26+$0x1B0]  }
0x10c: {  	v32 =	vld [tilespmem:s26+$0xA1B0]  }
0x10d: {  	v35 =	vld [tilespmem:s26+$0x200]  }
0x10e: {  	v34 =	vld [tilespmem:s26+$0xA200]  }
0x10f: {  	v37 =	vld [tilespmem:s26+$0x210]  }
0x110: {  	v36 =	vld [tilespmem:s26+$0xA210]  }
0x111: {  	v39 =	vld [tilespmem:s26+$0x220]  }
0x112: {  	v38 =	vld [tilespmem:s26+$0xA220]  }
0x113: {  	v41 =	vld [tilespmem:s26+$0x230]  }
0x114: {  	v40 =	vld [tilespmem:s26+$0xA230]  }
0x115: {  	v43 =	vld [tilespmem:s26+$0x280]  }
0x116: {  	v42 =	vld [tilespmem:s26+$0xA280]  }
0x117: {  	v45 =	vld [tilespmem:s26+$0x290]  }
0x118: {  	v44 =	vld [tilespmem:s26+$0xA290]  }
0x119: {  	v47 =	vld [tilespmem:s26+$0x2A0]  }
0x11a: {  	v46 =	vld [tilespmem:s26+$0xA2A0]  }
0x11b: {  	v49 =	vld [tilespmem:s26+$0x2B0]  }
0x11c: {  	v48 =	vld [tilespmem:s26+$0xA2B0]  }
0x11d: {  	v52 =	vld [tilespmem:s26+$0x300]  }
0x11e: {  	v50 =	vld [tilespmem:s26+$0xA300]  }
0x11f: {  	v54 =	vld [tilespmem:s26+$0x310]  }
0x120: {  	v51 =	vld [tilespmem:s26+$0xA310]  }
0x121: {  	v56 =	vld [tilespmem:s26+$0x320]  }
0x122: {  	v53 =	vld [tilespmem:s26+$0xA320]  }
0x123: {  	v58 =	vld [tilespmem:s26+$0x330]  }
0x124: {  	v55 =	vld [tilespmem:s26+$0xA330]  }
0x125: {  	v60 =	vld [tilespmem:s26+$0x380]  }
0x126: {  	v57 =	vld [tilespmem:s26+$0xA380]  }
0x127: {  	v0 =	vld [tilespmem:s26+$0x390]  }
0x128: {  	v59 =	vld [tilespmem:s26+$0xA390]  }
0x129: {  	v63 =	vld [tilespmem:s26+$0x3A0]  }
0x12a: {  	v61 =	vld [tilespmem:s26+$0xA3A0]  }
0x12b: {  	v1 =	vld [tilespmem:s26+$0xA0C0]  }
0x12c: {  	v3 =	vadd.f32 v62, v3;
	v62 =	vld [tilespmem:s26+$0xA040]  }
0x12d: {  	v6 =	vmul.f32 v6, v16;
	v16 =	vld [tilespmem:s26+$0xA070]  }
0x12e: {  	[tilespmem:s26+$0x143B0] =	vst v3;
	v3 =	vld [tilespmem:s26+$0x80]  }
0x12f: {  	v2 =	vmul.f32 v2, v11;
	v11 =	vld [tilespmem:s26+$0xA0D0]  }
0x130: {  	[tilespmem:$0x1FFD0] =	vst v63;
	v63 =	vld [tilespmem:s26+$0xA050]  }
0x131: {  	[tilespmem:$0x1FFC0] =	vst v0;
	v0 =	vld [tilespmem:s26+$0xA060]  }
0x132: {  	v5 =	vmul.f32 v8, v5;
	v10 =	vmul.f32 v10, v12;
	v12 =	vld [tilespmem:s26+$0xA160]  }
0x133: {  	v13 =	vmul.f32 v13, v14;
	v14 =	vld [tilespmem:s26+$0xA170];
	v6 =	vadd.f32 v62, v6  }
0x134: {  	v18 =	vmul.f32 v18, v19;
	v19 =	vld [tilespmem:s26+$0xA1D0];
	v16 =	vadd.f32 v16, v5  }
0x135: {  	v4 =	vmul.f32 v7, v4;
	v44 =	vmul.f32 v44, v45;
	v45 =	vld [tilespmem:s26+$0xA360];
	[tilespmem:s26+$0x14000] =	vst v6;
	v5 =	vadd.f32 v11, v10  }
0x136: {  	v62 =	vld [tilespmem:s26+$0xA0E0];
	v3 =	vmul.f32 v9, v3;
	[tilespmem:s26+$0x14030] =	vst v16;
	v2 =	vadd.f32 v63, v2  }
0x137: {  	v22 =	vmul.f32 v22, v23;
	v48 =	vmul.f32 v48, v49;
	v49 =	vld [tilespmem:s26+$0xA3C0];
	v0 =	vadd.f32 v0, v4;
	[tilespmem:s26+$0x14090] =	vst v5  }
0x138: {  	v20 =	vmul.f32 v20, v21;
	v21 =	vld [tilespmem:s26+$0xA1E0];
	v53 =	vmul.f32 v53, v56;
	v1 =	vadd.f32 v1, v3;
	[tilespmem:s26+$0x14010] =	vst v2  }
0x139: {  	v26 =	vmul.f32 v26, v27;
	v27 =	vld [tilespmem:s26+$0xA250];
	v3 =	vadd.f32 v12, v22;
	[tilespmem:s26+$0x14020] =	vst v0  }
0x13a: {  	v56 =	vmul.f32 v57, v60;
	v6 =	vld [tilespmem:s26+$0xA0F0];
	v57 =	vadd.f32 v45, v53;
	[tilespmem:s26+$0x14080] =	vst v1  }
0x13b: {  	v23 =	vld [tilespmem:s26+$0xA1F0];
	v24 =	vmul.f32 v24, v25;
	v4 =	vadd.f32 v62, v13;
	[tilespmem:s26+$0x14120] =	vst v3  }
0x13c: {  	v36 =	vmul.f32 v36, v37;
	v16 =	vmul.f32 v15, v17;
	v17 =	vld [tilespmem:s26+$0xA1C0];
	v62 =	vadd.f32 v49, v56;
	[tilespmem:s26+$0x14320] =	vst v57  }
0x13d: {  	v28 =	vmul.f32 v28, v29;
	v29 =	vld [tilespmem:s26+$0xA260];
	v1 =	vadd.f32 v14, v24;
	[tilespmem:s26+$0x140A0] =	vst v4  }
0x13e: {  	v40 =	vmul.f32 v40, v41;
	v41 =	vld [tilespmem:s26+$0xA340];
	v3 =	vadd.f32 v27, v36;
	[tilespmem:s26+$0x14380] =	vst v62  }
0x13f: {  	v63 =	vld [tilespmem:s26+$0xA150];
	v6 =	vadd.f32 v6, v16;
	[tilespmem:s26+$0x14130] =	vst v1  }
0x140: {  	v25 =	vld [tilespmem:s26+$0xA240];
	v38 =	vmul.f32 v38, v39;
	v4 =	vadd.f32 v19, v28;
	[tilespmem:s26+$0x14210] =	vst v3  }
0x141: {  	v32 =	vmul.f32 v32, v33;
	v33 =	vld [tilespmem:s26+$0xA2C0];
	v50 =	vmul.f32 v50, v52;
	v5 =	vadd.f32 v17, v26;
	[tilespmem:s26+$0x140B0] =	vst v6  }
0x142: {  	v30 =	vmul.f32 v30, v31;
	v31 =	vld [tilespmem:s26+$0xA270];
	v1 =	vadd.f32 v29, v38;
	[tilespmem:s26+$0x14190] =	vst v4  }
0x143: {  	v42 =	vmul.f32 v42, v43;
	v43 =	vld [tilespmem:s26+$0xA350];
	v3 =	vadd.f32 v41, v50;
	[tilespmem:s26+$0x14180] =	vst v5  }
0x144: {  	v2 =	vld [tilespmem:s26+$0xA140];
	v0 =	vadd.f32 v63, v20;
	[tilespmem:s26+$0x14220] =	vst v1  }
0x145: {  	v34 =	vmul.f32 v34, v35;
	v35 =	vld [tilespmem:s26+$0xA2D0];
	v6 =	vadd.f32 v21, v30;
	[tilespmem:s26+$0x14300] =	vst v3  }
0x146: {  	v39 =	vld [tilespmem:s26+$0xA2F0];
	v51 =	vmul.f32 v51, v54;
	v4 =	vadd.f32 v33, v42;
	[tilespmem:s26+$0x14110] =	vst v0  }
0x147: {  	v54 =	vmul.f32 v55, v58;
	v58 =	vld [tilespmem:$0x1FFC0];
	v5 =	vadd.f32 v31, v40;
	[tilespmem:s26+$0x141A0] =	vst v6  }
0x148: {  	v60 =	vld [tilespmem:$0x1FFD0];
	v1 =	vadd.f32 v43, v51;
	[tilespmem:s26+$0x14280] =	vst v4  }
0x149: {  	v52 =	vld [tilespmem:s26+$0xA3D0];
	v2 =	vadd.f32 v2, v18;
	[tilespmem:s26+$0x14230] =	vst v5  }
0x14a: {  	v55 =	vld [tilespmem:s26+$0xA3E0];
	v0 =	vadd.f32 v25, v34;
	[tilespmem:s26+$0x14310] =	vst v1  }
0x14b: {  	v37 =	vld [tilespmem:s26+$0xA2E0];
	v6 =	vadd.f32 v35, v44;
	[tilespmem:s26+$0x14100] =	vst v2  }
0x14c: {  	v46 =	vmul.f32 v46, v47;
	v47 =	vld [tilespmem:s26+$0xA370];
	v5 =	vmul.f32 v59, v58;
	v2 =	vadd.f32 v23, v32;
	[tilespmem:s26+$0x14200] =	vst v0  }
0x14d: {  	v1 =	vmul.f32 v61, v60;
	[tilespmem:s26+$0x14290] =	vst v6;
	v0 =	vadd.f32 v39, v48  }
0x14e: {  	v63 =	vadd.f32 v52, v5;
	[tilespmem:s26+$0x141B0] =	vst v2  }
0x14f: {  	s22 =	sshll.u32 s21, $0x6;
	v1 =	vadd.f32 v55, v1;
	[tilespmem:s26+$0x142B0] =	vst v0  }
0x150: {  	s25 =	sor.u32 s5, s22;
	v2 =	vadd.f32 v37, v46;
	[tilespmem:s26+$0x14390] =	vst v63  }
0x151: {  	s25 =	smul.u32 $0xA00, s25;
	v0 =	vadd.f32 v47, v54;
	[tilespmem:s26+$0x143A0] =	vst v1  }
0x152: {  	[tilespmem:s26+$0x142A0] =	vst v2  }
0x153: {  	s25 =	sadd.s32 s6, s25;
	[tilespmem:s26+$0x14330] =	vst v0  }
0x154: {  	[hbm4b:s25+s3] =	stream.linear.scatter [tilespmem:s15], [sflag:$0x5], $0x5000, $0x38;
	[tilespmem:$0x1E200] =	vst v63  }
0x155: {  	s25 =	simm.s32 @!p0 $0x2  }
0x156: {  	p1 =	seq.s32 @!p0 s21, $0x0;
	_ =	swait.ge @!p0 [sflag:s25], $0xA0  }
0x157: {  	s24 =	smul.u32 @!p0 $0xA00, s24;
	p1 =	por p1, p0;
	[sflag:s25] =	ssyncset.done @!p0 $0x0  }
.Ltmp5:
0x158: {  	[sflag:s25] =	ssyncadd.s32 @!p0 $0xFFFFFF60;
	s25 =	simm.s32 @!p1 $0x6;
	(pc) =	sbr.rel @p0 .LBB2_8-.Ltmp5, $4  }
0x159: {  	_ =	swait.ge @!p1 [sflag:s25], $0x5000  }
0x15a: {  	s24 =	sadd.s32 @!p0 s4, s24;
	[sflag:s25] =	ssyncset.done @!p1 $0x0  }
0x15b: {  	s26 =	simm.s32 @!p0 $0x5000;
	[sflag:s25] =	ssyncadd.s32 @!p1 $0xFFFFB000;
	s25 =	simm.s32 @!p0 $0x0  }
0x15c: {  	[tilespmem:s26], [sflag:$0x4] =	stream.linear.gather @!p0 [hbm4b:s24+s25], $0x5000, $0x38;
	[tilespmem:$0x1E200] =	vst v63  }
0x15d: {  	s23 =	sadd.s32 $0x2, s23  }
0x15e: {  	p0 =	sgt.u32 s23, s7  }
0x15f: {  	s23 =	sshll.u32 @!p0 s23, $0x5  }
0x160: {  	s23 =	sor.u32 @!p0 s5, s23  }
0x161: {  	s24 =	smul.u32 @!p0 $0x14, s23;
	_ =	sdelay $0x1  }
0x162: {  	s25 =	simm.s32 @!p0 $0x0;
	s26 =	simm.s32 @!p0 $0x1E000;
	s24 =	sadd.s32 @!p0 s2, s24  }
0x163: {  	[tilespmem:s26], [sflag:$0x1] =	stream.linear.gather @!p0 [hbm4b:s24+s25], $0xA0, $0x38;
	[tilespmem:$0x1E200] =	vst v63  }
0x164: {  	_ =	swait.ge [sflag:s16], $0x5000  }
0x165: {  	[sflag:s16] =	ssyncset.done $0x0  }
0x166: {  	s24 =	simm.s32 $0x0;
	[sflag:s16] =	ssyncadd.s32 $0xFFFFB000  }
0x167: {  	v0 =	vld [tilespmem:s24+$0x53B0]  }
0x168: {  	v1 =	vld [tilespmem:s24+$0xF3B0]  }
0x169: {  	v2 =	vld [tilespmem:s24+$0x5000]  }
0x16a: {  	v3 =	vld [tilespmem:s24+$0xF3F0]  }
0x16b: {  	v4 =	vld [tilespmem:s24+$0xF000]  }
0x16c: {  	v5 =	vld [tilespmem:s24+$0x5010]  }
0x16d: {  	v6 =	vld [tilespmem:s24+$0xF010]  }
0x16e: {  	v9 =	vld [tilespmem:s24+$0x5020]  }
0x16f: {  	v7 =	vld [tilespmem:s24+$0xF020]  }
0x170: {  	v8 =	vld [tilespmem:s24+$0xF030]  }
0x171: {  	v11 =	vld [tilespmem:s24+$0x5080]  }
0x172: {  	v10 =	vld [tilespmem:s24+$0xF080]  }
0x173: {  	v13 =	vld [tilespmem:s24+$0x5090]  }
0x174: {  	v12 =	vld [tilespmem:s24+$0xF090]  }
0x175: {  	v15 =	vld [tilespmem:s24+$0x50A0]  }
0x176: {  	v14 =	vld [tilespmem:s24+$0xF0A0]  }
0x177: {  	v17 =	vld [tilespmem:s24+$0x50B0]  }
0x178: {  	v16 =	vld [tilespmem:s24+$0xF0B0]  }
0x179: {  	v19 =	vld [tilespmem:s24+$0x5100]  }
0x17a: {  	v18 =	vld [tilespmem:s24+$0xF100]  }
0x17b: {  	v21 =	vld [tilespmem:s24+$0x5110]  }
0x17c: {  	v20 =	vld [tilespmem:s24+$0xF110]  }
0x17d: {  	v23 =	vld [tilespmem:s24+$0x5120]  }
0x17e: {  	v22 =	vld [tilespmem:s24+$0xF120]  }
0x17f: {  	v25 =	vld [tilespmem:s24+$0x5130]  }
0x180: {  	v24 =	vld [tilespmem:s24+$0xF130]  }
0x181: {  	v27 =	vld [tilespmem:s24+$0x5180]  }
0x182: {  	v26 =	vld [tilespmem:s24+$0xF180]  }
0x183: {  	v29 =	vld [tilespmem:s24+$0x5190]  }
0x184: {  	v28 =	vld [tilespmem:s24+$0xF190]  }
0x185: {  	v31 =	vld [tilespmem:s24+$0x51A0]  }
0x186: {  	v30 =	vld [tilespmem:s24+$0xF1A0]  }
0x187: {  	v33 =	vld [tilespmem:s24+$0x51B0]  }
0x188: {  	v32 =	vld [tilespmem:s24+$0xF1B0]  }
0x189: {  	v35 =	vld [tilespmem:s24+$0x5200]  }
0x18a: {  	v34 =	vld [tilespmem:s24+$0xF200]  }
0x18b: {  	v37 =	vld [tilespmem:s24+$0x5210]  }
0x18c: {  	v36 =	vld [tilespmem:s24+$0xF210]  }
0x18d: {  	v39 =	vld [tilespmem:s24+$0x5220]  }
0x18e: {  	v38 =	vld [tilespmem:s24+$0xF220]  }
0x18f: {  	v41 =	vld [tilespmem:s24+$0x5230]  }
0x190: {  	v40 =	vld [tilespmem:s24+$0xF230]  }
0x191: {  	v43 =	vld [tilespmem:s24+$0x5280]  }
0x192: {  	v42 =	vld [tilespmem:s24+$0xF280]  }
0x193: {  	v45 =	vld [tilespmem:s24+$0x5290]  }
0x194: {  	v44 =	vld [tilespmem:s24+$0xF290]  }
0x195: {  	v47 =	vld [tilespmem:s24+$0x52A0]  }
0x196: {  	v46 =	vld [tilespmem:s24+$0xF2A0]  }
0x197: {  	v49 =	vld [tilespmem:s24+$0x52B0]  }
0x198: {  	v48 =	vld [tilespmem:s24+$0xF2B0];
	v0 =	vmul.f32 v1, v0  }
0x199: {  	v56 =	vld [tilespmem:s24+$0x5300]  }
0x19a: {  	v50 =	vld [tilespmem:s24+$0xF300];
	v0 =	vadd.f32 v3, v0  }
0x19b: {  	v51 =	vld [tilespmem:s24+$0xF310]  }
0x19c: {  	[tilespmem:s24+$0x193B0] =	vst v0;
	v0 =	vld [tilespmem:s24+$0x5310]  }
0x19d: {  	v52 =	vld [tilespmem:s24+$0x5320]  }
0x19e: {  	v53 =	vld [tilespmem:s24+$0xF320]  }
0x19f: {  	v54 =	vld [tilespmem:s24+$0x5330]  }
0x1a0: {  	v55 =	vld [tilespmem:s24+$0xF330]  }
0x1a1: {  	[tilespmem:$0x1FFA0] =	vst v0;
	v0 =	vld [tilespmem:s24+$0x5380]  }
0x1a2: {  	v62 =	vld [tilespmem:s24+$0xF040]  }
0x1a3: {  	v3 =	vld [tilespmem:s24+$0x5030]  }
0x1a4: {  	v63 =	vld [tilespmem:s24+$0xF050]  }
0x1a5: {  	v2 =	vmul.f32 v4, v2;
	v4 =	vld [tilespmem:s24+$0xF070]  }
0x1a6: {  	[tilespmem:$0x1FFB0] =	vst v0;
	v0 =	vld [tilespmem:s24+$0xF060]  }
0x1a7: {  	v1 =	vld [tilespmem:s24+$0xF0C0]  }
0x1a8: {  	v5 =	vmul.f32 v6, v5;
	v6 =	vld [tilespmem:s24+$0xF0D0];
	v3 =	vmul.f32 v8, v3  }
0x1a9: {  	v57 =	vld [tilespmem:s24+$0xF380];
	v7 =	vmul.f32 v7, v9;
	v2 =	vadd.f32 v62, v2  }
0x1aa: {  	v62 =	vld [tilespmem:s24+$0xF0E0];
	v5 =	vadd.f32 v63, v5;
	v3 =	vadd.f32 v4, v3  }
0x1ab: {  	v58 =	vld [tilespmem:s24+$0x5390];
	[tilespmem:s24+$0x19000] =	vst v2;
	v4 =	vmul.f32 v12, v13;
	v0 =	vadd.f32 v0, v7;
	v7 =	vmul.f32 v10, v11  }
0x1ac: {  	v2 =	vld [tilespmem:s24+$0xF0F0];
	[tilespmem:s24+$0x19010] =	vst v5  }
0x1ad: {  	v5 =	vld [tilespmem:s24+$0xF140];
	[tilespmem:s24+$0x19030] =	vst v3;
	v4 =	vadd.f32 v6, v4;
	v1 =	vadd.f32 v1, v7;
	v7 =	vmul.f32 v14, v15  }
0x1ae: {  	[tilespmem:s24+$0x19020] =	vst v0;
	v0 =	vld [tilespmem:s24+$0xF150]  }
0x1af: {  	v3 =	vld [tilespmem:s24+$0xF160];
	v6 =	vmul.f32 v16, v17;
	[tilespmem:s24+$0x19090] =	vst v4;
	v7 =	vadd.f32 v62, v7  }
0x1b0: {  	v8 =	vmul.f32 v18, v19;
	[tilespmem:s24+$0x19080] =	vst v1;
	v1 =	vld [tilespmem:s24+$0xF170]  }
0x1b1: {  	v4 =	vld [tilespmem:s24+$0xF1C0];
	v2 =	vadd.f32 v2, v6;
	[tilespmem:s24+$0x190A0] =	vst v7;
	v7 =	vmul.f32 v20, v21  }
0x1b2: {  	v5 =	vadd.f32 v5, v8;
	v8 =	vmul.f32 v22, v23;
	v6 =	vld [tilespmem:s24+$0xF1D0]  }
0x1b3: {  	[tilespmem:s24+$0x190B0] =	vst v2;
	v2 =	vld [tilespmem:s24+$0xF1E0];
	v0 =	vadd.f32 v0, v7;
	v7 =	vmul.f32 v24, v25  }
0x1b4: {  	[tilespmem:s24+$0x19100] =	vst v5;
	v5 =	vld [tilespmem:s24+$0xF1F0];
	v3 =	vadd.f32 v3, v8;
	v8 =	vmul.f32 v26, v27  }
0x1b5: {  	[tilespmem:s24+$0x19110] =	vst v0;
	v0 =	vld [tilespmem:s24+$0xF240];
	v1 =	vadd.f32 v1, v7;
	v7 =	vmul.f32 v28, v29  }
0x1b6: {  	[tilespmem:s24+$0x19120] =	vst v3;
	v3 =	vld [tilespmem:s24+$0xF250];
	v4 =	vadd.f32 v4, v8;
	v8 =	vmul.f32 v30, v31  }
0x1b7: {  	[tilespmem:s24+$0x19130] =	vst v1;
	v1 =	vld [tilespmem:s24+$0xF260];
	v6 =	vadd.f32 v6, v7;
	v7 =	vmul.f32 v32, v33  }
0x1b8: {  	[tilespmem:s24+$0x19180] =	vst v4;
	v4 =	vld [tilespmem:s24+$0xF270];
	v2 =	vadd.f32 v2, v8;
	v8 =	vmul.f32 v34, v35  }
0x1b9: {  	[tilespmem:s24+$0x19190] =	vst v6;
	v6 =	vld [tilespmem:s24+$0xF2C0];
	v5 =	vadd.f32 v5, v7  }
0x1ba: {  	v59 =	vld [tilespmem:s24+$0xF390];
	v0 =	vadd.f32 v0, v8;
	v8 =	vmul.f32 v38, v39  }
0x1bb: {  	v7 =	vmul.f32 v36, v37;
	[tilespmem:s24+$0x191B0] =	vst v5;
	v5 =	vld [tilespmem:s24+$0xF2E0]  }
0x1bc: {  	v60 =	vld [tilespmem:s24+$0x53A0];
	[tilespmem:s24+$0x19200] =	vst v0;
	v0 =	vmul.f32 v40, v41;
	v1 =	vadd.f32 v1, v8;
	v8 =	vmul.f32 v42, v43  }
0x1bd: {  	v61 =	vld [tilespmem:s24+$0xF3A0];
	v3 =	vadd.f32 v3, v7  }
0x1be: {  	[tilespmem:s24+$0x191A0] =	vst v2;
	v2 =	vld [tilespmem:s24+$0xF2D0];
	v0 =	vadd.f32 v4, v0;
	v4 =	vadd.f32 v6, v8;
	v6 =	vmul.f32 v46, v47  }
0x1bf: {  	[tilespmem:s24+$0x19210] =	vst v3;
	v3 =	vld [tilespmem:s24+$0xF340]  }
0x1c0: {  	v7 =	vld [tilespmem:s24+$0xF2F0];
	[tilespmem:s24+$0x19280] =	vst v4;
	v4 =	vadd.f32 v5, v6  }
0x1c1: {  	[tilespmem:s24+$0x19220] =	vst v1;
	v6 =	vld [tilespmem:$0x1FFA0]  }
0x1c2: {  	v10 =	vld [tilespmem:s24+$0xF350];
	v1 =	vmul.f32 v44, v45;
	[tilespmem:s24+$0x192A0] =	vst v4;
	v4 =	vmul.f32 v50, v56  }
0x1c3: {  	v62 =	vld [tilespmem:s24+$0xF360]  }
0x1c4: {  	v1 =	vadd.f32 v2, v1;
	v2 =	vmul.f32 v48, v49;
	v63 =	vadd.f32 v3, v4;
	v3 =	vld [tilespmem:$0x1FFB0]  }
0x1c5: {  	[tilespmem:s24+$0x19230] =	vst v0;
	v0 =	vld [tilespmem:s24+$0xF370]  }
0x1c6: {  	[tilespmem:s24+$0x19290] =	vst v1;
	v1 =	vld [tilespmem:s24+$0xF3C0];
	v5 =	vadd.f32 v7, v2;
	v6 =	vmul.f32 v51, v6  }
0x1c7: {  	v2 =	vld [tilespmem:s24+$0xF3D0];
	v7 =	vmul.f32 v53, v52  }
0x1c8: {  	s26 =	simm.s32 $0x400;
	v9 =	vmul.f32 v61, v60;
	[tilespmem:s24+$0x192B0] =	vst v5;
	v5 =	vmul.f32 v55, v54;
	v4 =	vld [tilespmem:s24+$0xF3E0];
	v6 =	vadd.f32 v10, v6  }
0x1c9: {  	s25 =	simm.s32 $0x2000;
	v8 =	vmul.f32 v59, v58;
	v7 =	vadd.f32 v62, v7;
	v11 =	vmul.f32 v57, v3;
	v3 =	vld [tilespmem:s26+$0x53B0];
	[tilespmem:s24+$0x19300] =	vst v63  }
.LBB2_6:
0x1ca: {  	p1 =	sne.s32 s25, $0x13000;
	v10 =	vld [tilespmem:s26+$0xF3B0];
	[tilespmem:s24+$0x19310] =	vst v6;
	v0 =	vadd.f32 v0, v5  }
0x1cb: {  	v5 =	vld [tilespmem:s26+$0x5000];
	[tilespmem:s24+$0x19320] =	vst v7;
	v1 =	vadd.f32 v1, v11  }
0x1cc: {  	v6 =	vld [tilespmem:s26+$0xF3F0];
	[tilespmem:s24+$0x19330] =	vst v0;
	v0 =	vadd.f32 v2, v8  }
0x1cd: {  	v2 =	vld [tilespmem:s26+$0xF000];
	[tilespmem:s24+$0x19380] =	vst v1;
	v1 =	vadd.f32 v4, v9  }
0x1ce: {  	v4 =	vld [tilespmem:s26+$0x5010];
	[tilespmem:s24+$0x19390] =	vst v0  }
0x1cf: {  	v7 =	vld [tilespmem:s26+$0xF010];
	v0 =	vmul.f32 v10, v3;
	[tilespmem:s24+$0x193A0] =	vst v1;
	s24 =	smov.u32 s26  }
0x1d0: {  	v3 =	vld [tilespmem:s24+$0x5020]  }
0x1d1: {  	v8 =	vld [tilespmem:s24+$0xF020];
	v1 =	vadd.f32 v6, v0  }
0x1d2: {  	v0 =	vmul.f32 v2, v5;
	v5 =	vld [tilespmem:s24+$0x5030]  }
0x1d3: {  	v6 =	vld [tilespmem:s24+$0xF030];
	[tilespmem:s24+$0x193B0] =	vst v1  }
0x1d4: {  	v1 =	vmul.f32 v7, v4;
	v4 =	vld [tilespmem:s24+$0x5080]  }
0x1d5: {  	v7 =	vld [tilespmem:s24+$0xF080]  }
0x1d6: {  	v2 =	vmul.f32 v8, v3;
	v8 =	vld [tilespmem:s24+$0x5090]  }
0x1d7: {  	v9 =	vld [tilespmem:s24+$0xF090]  }
0x1d8: {  	v3 =	vmul.f32 v6, v5;
	v5 =	vld [tilespmem:s24+$0x50A0]  }
0x1d9: {  	v10 =	vld [tilespmem:s24+$0xF0A0]  }
0x1da: {  	v4 =	vmul.f32 v7, v4;
	v11 =	vld [tilespmem:s24+$0x50B0]  }
0x1db: {  	v12 =	vld [tilespmem:s24+$0xF0B0]  }
0x1dc: {  	v6 =	vmul.f32 v9, v8;
	v8 =	vld [tilespmem:s24+$0x5100]  }
0x1dd: {  	v9 =	vld [tilespmem:s24+$0xF100]  }
0x1de: {  	v7 =	vmul.f32 v10, v5;
	v5 =	vld [tilespmem:s24+$0x5110]  }
0x1df: {  	v13 =	vld [tilespmem:s24+$0xF110]  }
0x1e0: {  	v10 =	vmul.f32 v12, v11;
	v11 =	vld [tilespmem:s24+$0x5120]  }
0x1e1: {  	v14 =	vld [tilespmem:s24+$0xF120]  }
0x1e2: {  	v12 =	vmul.f32 v9, v8;
	v8 =	vld [tilespmem:s24+$0x5130]  }
0x1e3: {  	v9 =	vld [tilespmem:s24+$0xF130]  }
0x1e4: {  	v13 =	vmul.f32 v13, v5;
	v5 =	vld [tilespmem:s24+$0x5180]  }
0x1e5: {  	v16 =	vld [tilespmem:s24+$0xF180]  }
0x1e6: {  	v14 =	vmul.f32 v14, v11;
	v11 =	vld [tilespmem:s24+$0x5190]  }
0x1e7: {  	v17 =	vld [tilespmem:s24+$0xF190]  }
0x1e8: {  	v15 =	vmul.f32 v9, v8;
	v8 =	vld [tilespmem:s24+$0x51A0]  }
0x1e9: {  	v9 =	vld [tilespmem:s24+$0xF1A0]  }
0x1ea: {  	v16 =	vmul.f32 v16, v5;
	v5 =	vld [tilespmem:s24+$0x51B0]  }
0x1eb: {  	v19 =	vld [tilespmem:s24+$0xF1B0]  }
0x1ec: {  	v17 =	vmul.f32 v17, v11;
	v11 =	vld [tilespmem:s24+$0x5200]  }
0x1ed: {  	v20 =	vld [tilespmem:s24+$0xF200]  }
0x1ee: {  	v18 =	vmul.f32 v9, v8;
	v8 =	vld [tilespmem:s24+$0x5210]  }
0x1ef: {  	v9 =	vld [tilespmem:s24+$0xF210]  }
0x1f0: {  	v19 =	vmul.f32 v19, v5;
	v5 =	vld [tilespmem:s24+$0x5220]  }
0x1f1: {  	v22 =	vld [tilespmem:s24+$0xF220]  }
0x1f2: {  	v20 =	vmul.f32 v20, v11;
	v11 =	vld [tilespmem:s24+$0x5230]  }
0x1f3: {  	v23 =	vld [tilespmem:s24+$0xF230]  }
0x1f4: {  	v21 =	vmul.f32 v9, v8;
	v8 =	vld [tilespmem:s24+$0x5280]  }
0x1f5: {  	v9 =	vld [tilespmem:s24+$0xF280]  }
0x1f6: {  	v22 =	vmul.f32 v22, v5;
	v5 =	vld [tilespmem:s24+$0x5290]  }
0x1f7: {  	v25 =	vld [tilespmem:s24+$0xF290]  }
0x1f8: {  	v23 =	vmul.f32 v23, v11;
	v11 =	vld [tilespmem:s24+$0x52A0]  }
0x1f9: {  	v26 =	vld [tilespmem:s24+$0xF2A0]  }
0x1fa: {  	v24 =	vmul.f32 v9, v8;
	v8 =	vld [tilespmem:s24+$0x52B0]  }
0x1fb: {  	v9 =	vld [tilespmem:s24+$0xF2B0]  }
0x1fc: {  	v25 =	vmul.f32 v25, v5;
	v5 =	vld [tilespmem:s24+$0x5300]  }
0x1fd: {  	v28 =	vld [tilespmem:s24+$0xF300]  }
0x1fe: {  	v26 =	vmul.f32 v26, v11;
	v11 =	vld [tilespmem:s24+$0x5310]  }
0x1ff: {  	v29 =	vld [tilespmem:s24+$0xF310]  }
0x200: {  	v27 =	vmul.f32 v9, v8;
	v8 =	vld [tilespmem:s24+$0x5320]  }
0x201: {  	v9 =	vld [tilespmem:s24+$0xF320]  }
0x202: {  	v30 =	vmul.f32 v28, v5;
	v5 =	vld [tilespmem:s24+$0x5330]  }
0x203: {  	v31 =	vld [tilespmem:s24+$0xF330]  }
0x204: {  	v29 =	vmul.f32 v29, v11;
	v11 =	vld [tilespmem:s24+$0x5380]  }
0x205: {  	v32 =	vld [tilespmem:s24+$0xF380]  }
0x206: {  	v28 =	vmul.f32 v9, v8;
	v8 =	vld [tilespmem:s24+$0x5390]  }
0x207: {  	v9 =	vld [tilespmem:s24+$0xF390]  }
0x208: {  	v5 =	vmul.f32 v31, v5;
	v31 =	vld [tilespmem:s24+$0x53A0]  }
0x209: {  	v33 =	vld [tilespmem:s24+$0xF3A0]  }
0x20a: {  	v34 =	vld [tilespmem:s24+$0xF040];
	v11 =	vmul.f32 v32, v11  }
0x20b: {  	v32 =	vld [tilespmem:s24+$0xF050]  }
0x20c: {  	v35 =	vld [tilespmem:s24+$0xF060];
	v8 =	vmul.f32 v9, v8  }
0x20d: {  	v36 =	vld [tilespmem:s24+$0xF070]  }
0x20e: {  	v37 =	vld [tilespmem:s24+$0xF0C0];
	v9 =	vmul.f32 v33, v31  }
0x20f: {  	v0 =	vadd.f32 v34, v0;
	v31 =	vld [tilespmem:s24+$0xF0D0]  }
0x210: {  	v1 =	vadd.f32 v32, v1;
	v32 =	vld [tilespmem:s24+$0xF0E0]  }
0x211: {  	[tilespmem:s24+$0x19000] =	vst v0;
	v0 =	vadd.f32 v35, v2;
	v2 =	vld [tilespmem:s24+$0xF0F0]  }
0x212: {  	[tilespmem:s24+$0x19010] =	vst v1;
	v1 =	vadd.f32 v36, v3;
	v3 =	vld [tilespmem:s24+$0xF140]  }
0x213: {  	[tilespmem:s24+$0x19020] =	vst v0;
	v0 =	vadd.f32 v37, v4;
	v4 =	vld [tilespmem:s24+$0xF150]  }
0x214: {  	[tilespmem:s24+$0x19030] =	vst v1;
	v1 =	vadd.f32 v31, v6;
	v6 =	vld [tilespmem:s24+$0xF160]  }
0x215: {  	[tilespmem:s24+$0x19080] =	vst v0;
	v0 =	vadd.f32 v32, v7;
	v7 =	vld [tilespmem:s24+$0xF170]  }
0x216: {  	[tilespmem:s24+$0x19090] =	vst v1;
	v1 =	vadd.f32 v2, v10;
	v2 =	vld [tilespmem:s24+$0xF1C0]  }
0x217: {  	[tilespmem:s24+$0x190A0] =	vst v0;
	v0 =	vadd.f32 v3, v12;
	v3 =	vld [tilespmem:s24+$0xF1D0]  }
0x218: {  	[tilespmem:s24+$0x190B0] =	vst v1;
	v1 =	vadd.f32 v4, v13;
	v4 =	vld [tilespmem:s24+$0xF1E0]  }
0x219: {  	[tilespmem:s24+$0x19100] =	vst v0;
	v0 =	vadd.f32 v6, v14;
	v6 =	vld [tilespmem:s24+$0xF1F0]  }
0x21a: {  	[tilespmem:s24+$0x19110] =	vst v1;
	v1 =	vadd.f32 v7, v15;
	v7 =	vld [tilespmem:s24+$0xF240]  }
0x21b: {  	[tilespmem:s24+$0x19120] =	vst v0;
	v0 =	vadd.f32 v2, v16;
	v2 =	vld [tilespmem:s24+$0xF250]  }
0x21c: {  	[tilespmem:s24+$0x19130] =	vst v1;
	v1 =	vadd.f32 v3, v17;
	v3 =	vld [tilespmem:s24+$0xF260]  }
0x21d: {  	[tilespmem:s24+$0x19180] =	vst v0;
	v0 =	vadd.f32 v4, v18;
	v4 =	vld [tilespmem:s24+$0xF270]  }
0x21e: {  	[tilespmem:s24+$0x19190] =	vst v1;
	v1 =	vadd.f32 v6, v19;
	v6 =	vld [tilespmem:s24+$0xF2C0]  }
0x21f: {  	[tilespmem:s24+$0x191A0] =	vst v0;
	v0 =	vadd.f32 v7, v20;
	v7 =	vld [tilespmem:s24+$0xF2D0]  }
0x220: {  	[tilespmem:s24+$0x191B0] =	vst v1;
	v1 =	vadd.f32 v2, v21;
	v2 =	vld [tilespmem:s24+$0xF2E0]  }
0x221: {  	[tilespmem:s24+$0x19200] =	vst v0;
	v0 =	vadd.f32 v3, v22;
	v3 =	vld [tilespmem:s24+$0xF2F0]  }
0x222: {  	[tilespmem:s24+$0x19210] =	vst v1;
	v1 =	vadd.f32 v4, v23;
	v4 =	vld [tilespmem:s24+$0xF340]  }
0x223: {  	[tilespmem:s24+$0x19220] =	vst v0;
	v0 =	vadd.f32 v6, v24;
	v6 =	vld [tilespmem:s24+$0xF350]  }
0x224: {  	[tilespmem:s24+$0x19230] =	vst v1;
	v1 =	vadd.f32 v7, v25;
	v7 =	vld [tilespmem:s24+$0xF360]  }
.Ltmp6:
0x225: {  	[tilespmem:s24+$0x19280] =	vst v0;
	v2 =	vadd.f32 v2, v26;
	v0 =	vld [tilespmem:s24+$0xF370];
	(pc) =	sbr.rel @p1 .LBB2_6-.Ltmp6, $4  }
0x226: {  	[tilespmem:s24+$0x19290] =	vst v1;
	v3 =	vadd.f32 v3, v27;
	v1 =	vld [tilespmem:s24+$0xF3C0]  }
0x227: {  	[tilespmem:s24+$0x192A0] =	vst v2;
	v10 =	vadd.f32 v4, v30;
	v2 =	vld [tilespmem:s24+$0xF3D0]  }
0x228: {  	s26 =	sshra.s32 s25, $0x2;
	[tilespmem:s24+$0x192B0] =	vst v3;
	v6 =	vadd.f32 v6, v29;
	v4 =	vld [tilespmem:s24+$0xF3E0]  }
0x229: {  	s25 =	sadd.s32 $0x1000, s25;
	v3 =	vld [tilespmem:s26+$0x53B0];
	[tilespmem:s24+$0x19300] =	vst v10;
	v7 =	vadd.f32 v7, v28  }
0x22a: {  	v10 =	vld [tilespmem:s26+$0xF3B0];
	[tilespmem:s24+$0x19310] =	vst v6;
	v0 =	vadd.f32 v0, v5  }
0x22b: {  	v16 =	vld [tilespmem:s26+$0x5000];
	[tilespmem:s24+$0x19320] =	vst v7;
	v1 =	vadd.f32 v1, v11  }
0x22c: {  	v62 =	vld [tilespmem:s26+$0xF3F0];
	[tilespmem:s24+$0x19330] =	vst v0;
	v2 =	vadd.f32 v2, v8  }
0x22d: {  	v6 =	vld [tilespmem:s26+$0xF000];
	[tilespmem:s24+$0x19380] =	vst v1;
	v4 =	vadd.f32 v4, v9  }
0x22e: {  	v11 =	vld [tilespmem:s26+$0x5010];
	[tilespmem:s24+$0x19390] =	vst v2  }
0x22f: {  	v2 =	vld [tilespmem:s26+$0xF010];
	[tilespmem:s24+$0x193A0] =	vst v4  }
0x230: {  	v4 =	vld [tilespmem:s26+$0x5020]  }
0x231: {  	v7 =	vld [tilespmem:s26+$0xF020]  }
0x232: {  	v5 =	vld [tilespmem:s26+$0x5030]  }
0x233: {  	v8 =	vld [tilespmem:s26+$0xF030]  }
0x234: {  	v9 =	vld [tilespmem:s26+$0xF080]  }
0x235: {  	v12 =	vld [tilespmem:s26+$0x5090]  }
0x236: {  	v3 =	vmul.f32 v10, v3;
	v10 =	vld [tilespmem:s26+$0xF090]  }
0x237: {  	v14 =	vld [tilespmem:s26+$0x50A0]  }
0x238: {  	v13 =	vld [tilespmem:s26+$0xF0A0]  }
0x239: {  	v17 =	vld [tilespmem:s26+$0x50B0]  }
0x23a: {  	v15 =	vld [tilespmem:s26+$0xF0B0]  }
0x23b: {  	v19 =	vld [tilespmem:s26+$0x5100]  }
0x23c: {  	v18 =	vld [tilespmem:s26+$0xF100]  }
0x23d: {  	v21 =	vld [tilespmem:s26+$0x5110]  }
0x23e: {  	v20 =	vld [tilespmem:s26+$0xF110]  }
0x23f: {  	v23 =	vld [tilespmem:s26+$0x5120]  }
0x240: {  	v22 =	vld [tilespmem:s26+$0xF120]  }
0x241: {  	v25 =	vld [tilespmem:s26+$0x5130]  }
0x242: {  	v24 =	vld [tilespmem:s26+$0xF130]  }
0x243: {  	v27 =	vld [tilespmem:s26+$0x5180]  }
0x244: {  	v26 =	vld [tilespmem:s26+$0xF180]  }
0x245: {  	v29 =	vld [tilespmem:s26+$0x5190]  }
0x246: {  	v28 =	vld [tilespmem:s26+$0xF190]  }
0x247: {  	v31 =	vld [tilespmem:s26+$0x51A0]  }
0x248: {  	v30 =	vld [tilespmem:s26+$0xF1A0]  }
0x249: {  	v33 =	vld [tilespmem:s26+$0x51B0]  }
0x24a: {  	v32 =	vld [tilespmem:s26+$0xF1B0]  }
0x24b: {  	v35 =	vld [tilespmem:s26+$0x5200]  }
0x24c: {  	v34 =	vld [tilespmem:s26+$0xF200]  }
0x24d: {  	v37 =	vld [tilespmem:s26+$0x5210]  }
0x24e: {  	v36 =	vld [tilespmem:s26+$0xF210]  }
0x24f: {  	v39 =	vld [tilespmem:s26+$0x5220]  }
0x250: {  	v38 =	vld [tilespmem:s26+$0xF220]  }
0x251: {  	v41 =	vld [tilespmem:s26+$0x5230]  }
0x252: {  	v40 =	vld [tilespmem:s26+$0xF230]  }
0x253: {  	v43 =	vld [tilespmem:s26+$0x5280]  }
0x254: {  	v42 =	vld [tilespmem:s26+$0xF280]  }
0x255: {  	v45 =	vld [tilespmem:s26+$0x5290]  }
0x256: {  	v44 =	vld [tilespmem:s26+$0xF290]  }
0x257: {  	v47 =	vld [tilespmem:s26+$0x52A0]  }
0x258: {  	v46 =	vld [tilespmem:s26+$0xF2A0]  }
0x259: {  	v49 =	vld [tilespmem:s26+$0x52B0]  }
0x25a: {  	v48 =	vld [tilespmem:s26+$0xF2B0]  }
0x25b: {  	v52 =	vld [tilespmem:s26+$0x5300]  }
0x25c: {  	v50 =	vld [tilespmem:s26+$0xF300]  }
0x25d: {  	v54 =	vld [tilespmem:s26+$0x5310]  }
0x25e: {  	v51 =	vld [tilespmem:s26+$0xF310]  }
0x25f: {  	v56 =	vld [tilespmem:s26+$0x5320]  }
0x260: {  	v53 =	vld [tilespmem:s26+$0xF320]  }
0x261: {  	v58 =	vld [tilespmem:s26+$0x5330]  }
0x262: {  	v55 =	vld [tilespmem:s26+$0xF330]  }
0x263: {  	v60 =	vld [tilespmem:s26+$0x5380]  }
0x264: {  	v57 =	vld [tilespmem:s26+$0xF380]  }
0x265: {  	v0 =	vld [tilespmem:s26+$0x5390]  }
0x266: {  	v59 =	vld [tilespmem:s26+$0xF390]  }
0x267: {  	v63 =	vld [tilespmem:s26+$0x53A0]  }
0x268: {  	v61 =	vld [tilespmem:s26+$0xF3A0]  }
0x269: {  	v1 =	vld [tilespmem:s26+$0xF0C0]  }
0x26a: {  	v3 =	vadd.f32 v62, v3;
	v62 =	vld [tilespmem:s26+$0xF040]  }
0x26b: {  	v6 =	vmul.f32 v6, v16;
	v16 =	vld [tilespmem:s26+$0xF070]  }
0x26c: {  	[tilespmem:s26+$0x193B0] =	vst v3;
	v3 =	vld [tilespmem:s26+$0x5080]  }
0x26d: {  	v2 =	vmul.f32 v2, v11;
	v11 =	vld [tilespmem:s26+$0xF0D0]  }
0x26e: {  	[tilespmem:$0x1FF90] =	vst v63;
	v63 =	vld [tilespmem:s26+$0xF050]  }
0x26f: {  	[tilespmem:$0x1FF80] =	vst v0;
	v0 =	vld [tilespmem:s26+$0xF060]  }
0x270: {  	v5 =	vmul.f32 v8, v5;
	v10 =	vmul.f32 v10, v12;
	v12 =	vld [tilespmem:s26+$0xF160]  }
0x271: {  	v13 =	vmul.f32 v13, v14;
	v14 =	vld [tilespmem:s26+$0xF170];
	v6 =	vadd.f32 v62, v6  }
0x272: {  	v18 =	vmul.f32 v18, v19;
	v19 =	vld [tilespmem:s26+$0xF1D0];
	v16 =	vadd.f32 v16, v5  }
0x273: {  	v4 =	vmul.f32 v7, v4;
	v44 =	vmul.f32 v44, v45;
	v45 =	vld [tilespmem:s26+$0xF360];
	[tilespmem:s26+$0x19000] =	vst v6;
	v5 =	vadd.f32 v11, v10  }
0x274: {  	v62 =	vld [tilespmem:s26+$0xF0E0];
	v3 =	vmul.f32 v9, v3;
	[tilespmem:s26+$0x19030] =	vst v16;
	v2 =	vadd.f32 v63, v2  }
0x275: {  	v22 =	vmul.f32 v22, v23;
	v48 =	vmul.f32 v48, v49;
	v49 =	vld [tilespmem:s26+$0xF3C0];
	v0 =	vadd.f32 v0, v4;
	[tilespmem:s26+$0x19090] =	vst v5  }
0x276: {  	v20 =	vmul.f32 v20, v21;
	v21 =	vld [tilespmem:s26+$0xF1E0];
	v53 =	vmul.f32 v53, v56;
	v1 =	vadd.f32 v1, v3;
	[tilespmem:s26+$0x19010] =	vst v2  }
0x277: {  	v26 =	vmul.f32 v26, v27;
	v27 =	vld [tilespmem:s26+$0xF250];
	v3 =	vadd.f32 v12, v22;
	[tilespmem:s26+$0x19020] =	vst v0  }
0x278: {  	v56 =	vmul.f32 v57, v60;
	v6 =	vld [tilespmem:s26+$0xF0F0];
	v57 =	vadd.f32 v45, v53;
	[tilespmem:s26+$0x19080] =	vst v1  }
0x279: {  	v23 =	vld [tilespmem:s26+$0xF1F0];
	v24 =	vmul.f32 v24, v25;
	v4 =	vadd.f32 v62, v13;
	[tilespmem:s26+$0x19120] =	vst v3  }
0x27a: {  	v36 =	vmul.f32 v36, v37;
	v16 =	vmul.f32 v15, v17;
	v17 =	vld [tilespmem:s26+$0xF1C0];
	v62 =	vadd.f32 v49, v56;
	[tilespmem:s26+$0x19320] =	vst v57  }
0x27b: {  	v28 =	vmul.f32 v28, v29;
	v29 =	vld [tilespmem:s26+$0xF260];
	v1 =	vadd.f32 v14, v24;
	[tilespmem:s26+$0x190A0] =	vst v4  }
0x27c: {  	v40 =	vmul.f32 v40, v41;
	v41 =	vld [tilespmem:s26+$0xF340];
	v3 =	vadd.f32 v27, v36;
	[tilespmem:s26+$0x19380] =	vst v62  }
0x27d: {  	v63 =	vld [tilespmem:s26+$0xF150];
	v6 =	vadd.f32 v6, v16;
	[tilespmem:s26+$0x19130] =	vst v1  }
0x27e: {  	v25 =	vld [tilespmem:s26+$0xF240];
	v38 =	vmul.f32 v38, v39;
	v4 =	vadd.f32 v19, v28;
	[tilespmem:s26+$0x19210] =	vst v3  }
0x27f: {  	v32 =	vmul.f32 v32, v33;
	v33 =	vld [tilespmem:s26+$0xF2C0];
	v50 =	vmul.f32 v50, v52;
	v5 =	vadd.f32 v17, v26;
	[tilespmem:s26+$0x190B0] =	vst v6  }
0x280: {  	v30 =	vmul.f32 v30, v31;
	v31 =	vld [tilespmem:s26+$0xF270];
	v1 =	vadd.f32 v29, v38;
	[tilespmem:s26+$0x19190] =	vst v4  }
0x281: {  	v42 =	vmul.f32 v42, v43;
	v43 =	vld [tilespmem:s26+$0xF350];
	v3 =	vadd.f32 v41, v50;
	[tilespmem:s26+$0x19180] =	vst v5  }
0x282: {  	v2 =	vld [tilespmem:s26+$0xF140];
	v0 =	vadd.f32 v63, v20;
	[tilespmem:s26+$0x19220] =	vst v1  }
0x283: {  	v34 =	vmul.f32 v34, v35;
	v35 =	vld [tilespmem:s26+$0xF2D0];
	v6 =	vadd.f32 v21, v30;
	[tilespmem:s26+$0x19300] =	vst v3  }
0x284: {  	v39 =	vld [tilespmem:s26+$0xF2F0];
	v51 =	vmul.f32 v51, v54;
	v4 =	vadd.f32 v33, v42;
	[tilespmem:s26+$0x19110] =	vst v0  }
0x285: {  	v54 =	vmul.f32 v55, v58;
	v58 =	vld [tilespmem:$0x1FF80];
	v5 =	vadd.f32 v31, v40;
	[tilespmem:s26+$0x191A0] =	vst v6  }
0x286: {  	v60 =	vld [tilespmem:$0x1FF90];
	v1 =	vadd.f32 v43, v51;
	[tilespmem:s26+$0x19280] =	vst v4  }
0x287: {  	v52 =	vld [tilespmem:s26+$0xF3D0];
	v2 =	vadd.f32 v2, v18;
	[tilespmem:s26+$0x19230] =	vst v5  }
0x288: {  	v55 =	vld [tilespmem:s26+$0xF3E0];
	v0 =	vadd.f32 v25, v34;
	[tilespmem:s26+$0x19310] =	vst v1  }
0x289: {  	v37 =	vld [tilespmem:s26+$0xF2E0];
	v6 =	vadd.f32 v35, v44;
	[tilespmem:s26+$0x19100] =	vst v2  }
0x28a: {  	v46 =	vmul.f32 v46, v47;
	v47 =	vld [tilespmem:s26+$0xF370];
	v5 =	vmul.f32 v59, v58;
	v2 =	vadd.f32 v23, v32;
	[tilespmem:s26+$0x19200] =	vst v0  }
0x28b: {  	v1 =	vmul.f32 v61, v60;
	[tilespmem:s26+$0x19290] =	vst v6;
	v0 =	vadd.f32 v39, v48  }
0x28c: {  	v63 =	vadd.f32 v52, v5;
	[tilespmem:s26+$0x191B0] =	vst v2  }
0x28d: {  	v1 =	vadd.f32 v55, v1;
	[tilespmem:s26+$0x192B0] =	vst v0  }
0x28e: {  	s22 =	sor.u32 s10, s22;
	v2 =	vadd.f32 v37, v46;
	[tilespmem:s26+$0x19390] =	vst v63  }
0x28f: {  	s22 =	smul.u32 $0xA00, s22;
	v0 =	vadd.f32 v47, v54;
	[tilespmem:s26+$0x193A0] =	vst v1  }
0x290: {  	[tilespmem:s26+$0x192A0] =	vst v2  }
0x291: {  	s22 =	sadd.s32 s6, s22;
	[tilespmem:s26+$0x19330] =	vst v0  }
0x292: {  	[hbm4b:s22+s3] =	stream.linear.scatter [tilespmem:s17], [sflag:$0x6], $0x5000, $0x38;
	[tilespmem:$0x1E200] =	vst v63  }
0x293: {  	s22 =	simm.s32 @!p0 $0x1  }
0x294: {  	_ =	swait.ge @!p0 [sflag:s22], $0xA0  }
0x295: {  	[sflag:s22] =	ssyncset.done @!p0 $0x0  }
.Ltmp7:
0x296: {  	[sflag:s22] =	ssyncadd.s32 @!p0 $0xFFFFFF60;
	s22 =	simm.s32 @!p0 $0x5;
	(pc) =	sbr.rel .LBB2_8-.Ltmp7, $4  }
0x297: {  	s23 =	smul.u32 @!p0 $0xA00, s23;
	_ =	swait.ge @!p0 [sflag:s22], $0x5000  }
0x298: {  	[sflag:s22] =	ssyncset.done @!p0 $0x0  }
0x299: {  	[sflag:s22] =	ssyncadd.s32 @!p0 $0xFFFFB000;
	s22 =	sadd.s32 @!p0 s4, s23;
	s23 =	simm.s32 @!p0 $0x0  }
0x29a: {  	[tilespmem:s23], [sflag:$0x3] =	stream.linear.gather @!p0 [hbm4b:s22+s23], $0x5000, $0x38;
	[tilespmem:$0x1E200] =	vst v63  }
.LBB2_10:
0x29b: {  	_ =	sfence.sel $0x180000  }
0x29c: {  	[bflag:$0x0] =	sbarrier.arrive $0xFFFF  }
0x29d: {  	p0 =	sne.s32 s1, $0x0;
	_ =	strace $0x90000047  }
0x29e: {  	s0 =	sadd.s32 @!p0 $0x100000, s0;
	[bflag:$0x2] =	sbarrier.arrive $0xFFFF  }
0x29f: {  	[sflag:s0] =	ssyncadd.tile.s32 @!p0 $0x1;
	_ =	shalt  }
.Lfunc_end2:
_tile_overlayer_lowered:
.L_overlay_start_2:
0x2a0: {  	(tag) =	ssettag $0x2  }
0x2a1: {  	s0 =	rddreg [dreg:$0x0];
	s2 =	stileid.u32  }
0x2a2: {  	s1 =	rddreg [dreg:$0x1];
	p0 =	sne.s32 s2, $0x0  }
0x2a3: {  	s3 =	rddreg [dreg:$0x2];
	[bflag:$0x3] =	sbarrier.arrive $0xFFFF;
	s2 =	simm.s32 @!p0 $0x1C07  }
0x2a4: {  	[timem:s3], [sflag:s2] =	dma.local @!p0 [hbm:s0], s1  }
0x2a5: {  	s0 =	simm.s32 @!p0 $0x7  }
0x2a6: {  	_ =	swait.ge @!p0 [sflag:s0], s1  }
0x2a7: {  	s1 =	ssub.s32 @!p0 $0x0, s1;
	[sflag:s0] =	ssyncset.done @!p0 $0x0  }
0x2a8: {  	[sflag:s0] =	ssyncadd.s32 @!p0 s1  }
0x2a9: {  	[bflag:$0x3] =	sbarrier.arrive $0xFFFF  }
0x2aa: {  	_ =	shalt  }

</sc_bundles>
